<compile_context>
chip_gen: v7x
topology: tpu7x:2x2x1
jax: 0.10.2.dev20260603
libtpu: 0.0.44.dev20260713+nightly
codegen_flags: <defaults>
</compile_context>

<pallas_src>
import functools
import jax
import jax.numpy as jnp
from jax import lax
from jax.experimental import pallas as pl
from jax.experimental.pallas import tpu as pltpu
from jax.experimental.pallas import tpu_sc as plsc


NW = 32
CH = 16


def _sc_add_pe(x, pos_table):
    b, s, d = x.shape
    rows = b * s
    rw = rows // NW
    nch = rw // CH

    x2 = x.reshape(rows, d)
    mesh = plsc.VectorSubcoreMesh(core_axis_name="c", subcore_axis_name="s")

    nb = b
    sw = s // NW
    nsc = sw // CH

    @functools.partial(
        pl.kernel,
        out_type=jax.ShapeDtypeStruct((rows, d), jnp.float32),
        mesh=mesh,
        scratch_types=[
            pltpu.VMEM((4, CH, d), jnp.float32),
            pltpu.VMEM((2, CH, d), jnp.float32),
            pltpu.SemaphoreType.DMA,
            pltpu.SemaphoreType.DMA,
            pltpu.SemaphoreType.DMA,
            pltpu.SemaphoreType.DMA,
            pltpu.SemaphoreType.DMA,
            pltpu.SemaphoreType.DMA,
            pltpu.SemaphoreType.DMA,
            pltpu.SemaphoreType.DMA,
            pltpu.SemaphoreType.DMA,
            pltpu.SemaphoreType.DMA,
        ],
    )
    def k(x_hbm, tab_hbm, out_hbm, xbuf, tbuf,
          lx0, lx1, lx2, lx3, lt0, lt1, st0, st1, st2, st3):
        wid = lax.axis_index("s") * 2 + lax.axis_index("c")
        s0 = wid * sw
        lxs = (lx0, lx1, lx2, lx3)
        lts = (lt0, lt1)
        sts = (st0, st1, st2, st3)

        def xrow(c):
            return (c % nb) * s + s0 + (c // nb) * CH

        def issue_x(c, slot):
            pltpu.async_copy(x_hbm.at[pl.ds(xrow(c), CH)],
                             xbuf.at[slot], lxs[slot])

        def issue_t(sc, tslot):
            pltpu.async_copy(tab_hbm.at[pl.ds(s0 + sc * CH, CH)],
                             tbuf.at[tslot], lts[tslot])

        issue_x(0, 0)
        issue_x(1, 1)
        issue_t(0, 0)

        nj = d // 16

        @pl.loop(0, nsc // 2)
        def _scpair(i2):
            for scp in (0, 1):
                sc = i2 * 2 + scp
                tslot = scp
                for bb in range(nb):
                    c = sc * nb + bb
                    slot = bb

                    @pl.when(c >= 2)
                    def _():
                        pltpu.make_async_copy(
                            xbuf.at[(bb + 2) % 4],
                            out_hbm.at[pl.ds(xrow(c - 2), CH)],
                            sts[(bb + 2) % 4],
                        ).wait()

                    @pl.when(c + 2 < nch)
                    def _():
                        issue_x(c + 2, (bb + 2) % 4)

                    if bb == nb - 1:
                        @pl.when(sc + 1 < nsc)
                        def _():
                            issue_t(sc + 1, 1 - tslot)

                    pltpu.make_async_copy(
                        x_hbm.at[pl.ds(xrow(c), CH)],
                        xbuf.at[slot], lxs[slot]).wait()

                    if bb == 0:
                        pltpu.make_async_copy(
                            tab_hbm.at[pl.ds(s0 + sc * CH, CH)],
                            tbuf.at[tslot], lts[tslot]).wait()

                    @plsc.parallel_loop(0, CH * nj, unroll=8)
                    def _q(q):
                        r = q // nj
                        j = (q % nj) * 16
                        plsc.addupdate(
                            xbuf.at[slot, r, pl.ds(j, 16)],
                            tbuf[tslot, r, pl.ds(j, 16)],
                        )

                    pltpu.async_copy(
                        xbuf.at[slot],
                        out_hbm.at[pl.ds(xrow(c), CH)],
                        sts[slot])

        for c in (nch - 2, nch - 1):
            pltpu.make_async_copy(
                xbuf.at[c % 4],
                out_hbm.at[pl.ds(xrow(c), CH)],
                sts[c % 4],
            ).wait()

    return k(x2, pos_table).reshape(b, s, d)


def kernel(x, pos_table):
    return _sc_add_pe(x, pos_table)

# --- scband reference (transcript-rebuilt; emitter-appended) ---
"""Pipeline reference for scband-enhanced-positional-encoding-11871289606564 (READ-ONLY COPY).

The authoritative reference and input builder live on the scoring server;
editing this copy changes nothing except your own understanding.
"""

import jax, jax.numpy as jnp
import numpy as np
import math

B, S, D = 4, 4096, 1024
MAX_SEQ_LEN = 4096

def _make_pe():
    position = np.arange(MAX_SEQ_LEN, dtype=np.float32)[:, None]
    div_term = np.exp(np.arange(0, D, 2, dtype=np.float32) * (-math.log(10000.0) / D))
    pe = np.zeros((MAX_SEQ_LEN, D), dtype=np.float32)
    pe[:, 0::2] = np.sin(position * div_term)
    pe[:, 1::2] = np.cos(position * div_term)
    return jnp.asarray(pe)

def setup_inputs(seed: int = 0) -> dict:
    key = jax.random.key(seed)
    x = jax.random.normal(key, (B, S, D), dtype=jnp.float32)
    pos_table = _make_pe()  # learnable nn.Embedding weight initialized with sinusoidal PE
    return {"x": x, "pos_table": pos_table}

def reference(x, pos_table):
    b, s, d = x.shape
    positions = jnp.broadcast_to(jnp.arange(s, dtype=jnp.int32)[None, :], (b, s))
    pos_emb = jnp.take(pos_table, positions, axis=0)  # embedding gather [b, s, d]
    # dropout is identity in eval mode
    return x + pos_emb

if __name__ == "__main__":
    import jax
    _d = setup_inputs()
    print(jax.jit(kernel)(*tuple(_d.values())))

</pallas_src>

<mosaic_0001>
#map = affine_map<(d0, d1) -> (0, 0)>
module attributes {stable_mosaic.version = 14 : i64} {
  func.func @k(%arg0: i32, %arg1: i32, %arg2: memref<16384x1024xf32, #tpu.memory_space<hbm>>, %arg3: memref<4096x1024xf32, #tpu.memory_space<hbm>>, %arg4: memref<16384x1024xf32, #tpu.memory_space<hbm>>, %arg5: memref<4x16x1024xf32, #tpu.memory_space<vmem>>, %arg6: memref<2x16x1024xf32, #tpu.memory_space<vmem>>, %arg7: memref<!tpu.dma_semaphore, #tpu.memory_space<semaphore_mem>>, %arg8: memref<!tpu.dma_semaphore, #tpu.memory_space<semaphore_mem>>, %arg9: memref<!tpu.dma_semaphore, #tpu.memory_space<semaphore_mem>>, %arg10: memref<!tpu.dma_semaphore, #tpu.memory_space<semaphore_mem>>, %arg11: memref<!tpu.dma_semaphore, #tpu.memory_space<semaphore_mem>>, %arg12: memref<!tpu.dma_semaphore, #tpu.memory_space<semaphore_mem>>, %arg13: memref<!tpu.dma_semaphore, #tpu.memory_space<semaphore_mem>>, %arg14: memref<!tpu.dma_semaphore, #tpu.memory_space<semaphore_mem>>, %arg15: memref<!tpu.dma_semaphore, #tpu.memory_space<semaphore_mem>>, %arg16: memref<!tpu.dma_semaphore, #tpu.memory_space<semaphore_mem>>) attributes {dimension_semantics = [#tpu.dimension_semantics<core_parallel>, #tpu.dimension_semantics<subcore_parallel>], iteration_bounds = array<i64: 2, 16>, scalar_prefetch = 0 : i64, scratch_operands = 12 : i64, tpu.core_type = #tpu.core_type<sc_vector_subcore>, window_params = [{transform_indices = #map}, {transform_indices = #map}, {transform_indices = #map}]} {
    %mul3A = arith.constant 2 : i32
    %mul3A_0 = arith.muli %arg1, %mul3A : i32
    %add3A = arith.addi %mul3A_0, %arg0 : i32
    %mul3A_1 = arith.constant 128 : i32
    %mul3A_2 = arith.muli %add3A, %mul3A_1 : i32
    %add3A_3 = arith.constant 0 : i32
    %add3A_4 = arith.addi %add3A_3, %mul3A_2 : i32
    %add3A_5 = arith.constant 0 : i32
    %add3A_6 = arith.addi %add3A_4, %add3A_5 : i32
    %dma_start3A = arith.constant 0 : i32
    %dma_start3A_7 = arith.constant 0 : i32
    %dma_start3A_8 = arith.constant 0 : i32
    %dma_start3A_9 = tpu.memref_slice %arg5[%dma_start3A, %dma_start3A_7, %dma_start3A_8] : memref<4x16x1024xf32, #tpu.memory_space<vmem>> -> memref<1x16x1024xf32, #tpu.memory_space<vmem>>
    %dma_start3A_10 = tpu.memref_squeeze %dma_start3A_9 : memref<1x16x1024xf32, #tpu.memory_space<vmem>> -> memref<16x1024xf32, #tpu.memory_space<vmem>>
    %dma_start3A_11 = arith.constant 0 : i32
    %dma_start3A_12 = tpu.memref_slice %arg2[%add3A_6, %dma_start3A_11] : memref<16384x1024xf32, #tpu.memory_space<hbm>> -> memref<16x1024xf32, #tpu.memory_space<hbm>>
    %dma_start3A_13 = arith.constant 0 : i32
    %dma_start3A_14 = arith.constant 0 : i32
    %dma_start3A_15 = tpu.memref_slice %arg5[%dma_start3A, %dma_start3A_13, %dma_start3A_14] : memref<4x16x1024xf32, #tpu.memory_space<vmem>> -> memref<1x16x1024xf32, #tpu.memory_space<vmem>>
    %dma_start3A_16 = tpu.memref_squeeze %dma_start3A_15 : memref<1x16x1024xf32, #tpu.memory_space<vmem>> -> memref<16x1024xf32, #tpu.memory_space<vmem>>
    %dma_start3A_17 = arith.constant 0 : i32
    %dma_start3A_18 = tpu.memref_slice %arg2[%add3A_6, %dma_start3A_17] : memref<16384x1024xf32, #tpu.memory_space<hbm>> -> memref<16x1024xf32, #tpu.memory_space<hbm>>
    tpu.enqueue_dma source(%dma_start3A_18 : memref<16x1024xf32, #tpu.memory_space<hbm>>) target(%dma_start3A_16 : memref<16x1024xf32, #tpu.memory_space<vmem>>) target_semaphore(%arg7 : memref<!tpu.dma_semaphore, #tpu.memory_space<semaphore_mem>>)
    %add3A_19 = arith.constant 4096 : i32
    %add3A_20 = arith.addi %add3A_19, %mul3A_2 : i32
    %add3A_21 = arith.constant 0 : i32
    %add3A_22 = arith.addi %add3A_20, %add3A_21 : i32
    %dma_start3A_23 = arith.constant 1 : i32
    %dma_start3A_24 = arith.constant 0 : i32
    %dma_start3A_25 = arith.constant 0 : i32
    %dma_start3A_26 = tpu.memref_slice %arg5[%dma_start3A_23, %dma_start3A_24, %dma_start3A_25] : memref<4x16x1024xf32, #tpu.memory_space<vmem>> -> memref<1x16x1024xf32, #tpu.memory_space<vmem>>
    %dma_start3A_27 = tpu.memref_squeeze %dma_start3A_26 : memref<1x16x1024xf32, #tpu.memory_space<vmem>> -> memref<16x1024xf32, #tpu.memory_space<vmem>>
    %dma_start3A_28 = arith.constant 0 : i32
    %dma_start3A_29 = tpu.memref_slice %arg2[%add3A_22, %dma_start3A_28] : memref<16384x1024xf32, #tpu.memory_space<hbm>> -> memref<16x1024xf32, #tpu.memory_space<hbm>>
    %dma_start3A_30 = arith.constant 0 : i32
    %dma_start3A_31 = arith.constant 0 : i32
    %dma_start3A_32 = tpu.memref_slice %arg5[%dma_start3A_23, %dma_start3A_30, %dma_start3A_31] : memref<4x16x1024xf32, #tpu.memory_space<vmem>> -> memref<1x16x1024xf32, #tpu.memory_space<vmem>>
    %dma_start3A_33 = tpu.memref_squeeze %dma_start3A_32 : memref<1x16x1024xf32, #tpu.memory_space<vmem>> -> memref<16x1024xf32, #tpu.memory_space<vmem>>
    %dma_start3A_34 = arith.constant 0 : i32
    %dma_start3A_35 = tpu.memref_slice %arg2[%add3A_22, %dma_start3A_34] : memref<16384x1024xf32, #tpu.memory_space<hbm>> -> memref<16x1024xf32, #tpu.memory_space<hbm>>
    tpu.enqueue_dma source(%dma_start3A_35 : memref<16x1024xf32, #tpu.memory_space<hbm>>) target(%dma_start3A_33 : memref<16x1024xf32, #tpu.memory_space<vmem>>) target_semaphore(%arg8 : memref<!tpu.dma_semaphore, #tpu.memory_space<semaphore_mem>>)
    %add3A_36 = arith.constant 0 : i32
    %add3A_37 = arith.addi %mul3A_2, %add3A_36 : i32
    %dma_start3A_38 = arith.constant 0 : i32
    %dma_start3A_39 = arith.constant 0 : i32
    %dma_start3A_40 = arith.constant 0 : i32
    %dma_start3A_41 = tpu.memref_slice %arg6[%dma_start3A_38, %dma_start3A_39, %dma_start3A_40] : memref<2x16x1024xf32, #tpu.memory_space<vmem>> -> memref<1x16x1024xf32, #tpu.memory_space<vmem>>
    %dma_start3A_42 = tpu.memref_squeeze %dma_start3A_41 : memref<1x16x1024xf32, #tpu.memory_space<vmem>> -> memref<16x1024xf32, #tpu.memory_space<vmem>>
    %dma_start3A_43 = arith.constant 0 : i32
    %dma_start3A_44 = tpu.memref_slice %arg3[%add3A_37, %dma_start3A_43] : memref<4096x1024xf32, #tpu.memory_space<hbm>> -> memref<16x1024xf32, #tpu.memory_space<hbm>>
    %dma_start3A_45 = arith.constant 0 : i32
    %dma_start3A_46 = arith.constant 0 : i32
    %dma_start3A_47 = tpu.memref_slice %arg6[%dma_start3A_38, %dma_start3A_45, %dma_start3A_46] : memref<2x16x1024xf32, #tpu.memory_space<vmem>> -> memref<1x16x1024xf32, #tpu.memory_space<vmem>>
    %dma_start3A_48 = tpu.memref_squeeze %dma_start3A_47 : memref<1x16x1024xf32, #tpu.memory_space<vmem>> -> memref<16x1024xf32, #tpu.memory_space<vmem>>
    %dma_start3A_49 = arith.constant 0 : i32
    %dma_start3A_50 = tpu.memref_slice %arg3[%add3A_37, %dma_start3A_49] : memref<4096x1024xf32, #tpu.memory_space<hbm>> -> memref<16x1024xf32, #tpu.memory_space<hbm>>
    tpu.enqueue_dma source(%dma_start3A_50 : memref<16x1024xf32, #tpu.memory_space<hbm>>) target(%dma_start3A_48 : memref<16x1024xf32, #tpu.memory_space<vmem>>) target_semaphore(%arg11 : memref<!tpu.dma_semaphore, #tpu.memory_space<semaphore_mem>>)
    %scan3A = arith.constant 0 : i32
    %scan3A_51 = arith.constant 4 : i32
    %scan3A_52 = arith.addi %scan3A, %scan3A_51 : i32
    %scan3A_53 = arith.constant 1 : i32
    scf.for %scan3A_88 = %scan3A to %scan3A_52 step %scan3A_53  : i32 {
      %mul3A_89 = arith.constant 1 : i32
      %mul3A_90 = arith.muli %scan3A_88, %mul3A_89 : i32
      %add3A_91 = arith.constant 0 : i32
      %add3A_92 = arith.addi %add3A_91, %mul3A_90 : i32
      %mul3A_93 = arith.constant 2 : i32
      %mul3A_94 = arith.muli %add3A_92, %mul3A_93 : i32
      %add3A_95 = arith.constant 0 : i32
      %add3A_96 = arith.addi %mul3A_94, %add3A_95 : i32
      %mul3A_97 = arith.constant 4 : i32
      %mul3A_98 = arith.muli %add3A_96, %mul3A_97 : i32
      %add3A_99 = arith.constant 0 : i32
      %add3A_100 = arith.addi %mul3A_98, %add3A_99 : i32
      %ge3A = arith.constant 2 : i32
      %ge3A_101 = arith.cmpi sge, %add3A_100, %ge3A : i32
      %convert_element_type3A = arith.extui %ge3A_101 : i1 to i32
      %cond3A = arith.constant 0 : i32
      %cond3A_102 = arith.cmpi ne, %convert_element_type3A, %cond3A : i32
      scf.if %cond3A_102 {
        %sub3A_1229 = arith.constant 2 : i32
        %sub3A_1230 = arith.subi %add3A_100, %sub3A_1229 : i32
        %jit3A_1231 = arith.constant 4 : i32
        %eq3A_1232 = arith.constant 0 : i32
        %eq3A_1233 = arith.cmpi eq, %jit3A_1231, %eq3A_1232 : i32
        %jit3A_1234 = arith.constant 1 : i32
        %select_n3A_1235 = arith.select %eq3A_1233, %jit3A_1234, %jit3A_1231 : i32
        %rem3A_1236 = arith.remsi %sub3A_1230, %select_n3A_1235 : i32
        %ne3A_1237 = arith.constant 0 : i32
        %ne3A_1238 = arith.cmpi ne, %rem3A_1236, %ne3A_1237 : i32
        %lt3A_1239 = arith.constant 0 : i32
        %lt3A_1240 = arith.cmpi slt, %rem3A_1236, %lt3A_1239 : i32
        %lt3A_1241 = arith.constant 0 : i32
        %lt3A_1242 = arith.cmpi slt, %select_n3A_1235, %lt3A_1241 : i32
        %ne3A_1243 = arith.xori %lt3A_1240, %lt3A_1242 : i1
        %and3A_1244 = arith.andi %ne3A_1243, %ne3A_1238 : i1
        %add3A_1245 = arith.addi %rem3A_1236, %select_n3A_1235 : i32
        %select_n3A_1246 = arith.select %and3A_1244, %add3A_1245, %rem3A_1236 : i32
        %mul3A_1247 = arith.constant 4096 : i32
        %mul3A_1248 = arith.muli %select_n3A_1246, %mul3A_1247 : i32
        %add3A_1249 = arith.addi %mul3A_1248, %mul3A_2 : i32
        %jit3A_1250 = arith.constant 4 : i32
        %div3A_1251 = arith.divsi %sub3A_1230, %jit3A_1250 : i32
        %sign3A_1252 = arith.constant 0 : i32
        %sign3A_1253 = arith.cmpi sgt, %sub3A_1230, %sign3A_1252 : i32
        %sign3A_1254 = arith.extui %sign3A_1253 : i1 to i32
        %sign3A_1255 = arith.constant 0 : i32
        %sign3A_1256 = arith.cmpi slt, %sub3A_1230, %sign3A_1255 : i32
        %sign3A_1257 = arith.extui %sign3A_1256 : i1 to i32
        %sign3A_1258 = arith.subi %sign3A_1254, %sign3A_1257 : i32
        %sign3A_1259 = arith.constant 0 : i32
        %sign3A_1260 = arith.cmpi sgt, %jit3A_1250, %sign3A_1259 : i32
        %sign3A_1261 = arith.extui %sign3A_1260 : i1 to i32
        %sign3A_1262 = arith.constant 0 : i32
        %sign3A_1263 = arith.cmpi slt, %jit3A_1250, %sign3A_1262 : i32
        %sign3A_1264 = arith.extui %sign3A_1263 : i1 to i32
        %sign3A_1265 = arith.subi %sign3A_1261, %sign3A_1264 : i32
        %ne3A_1266 = arith.cmpi ne, %sign3A_1258, %sign3A_1265 : i32
        %rem3A_1267 = arith.remsi %sub3A_1230, %jit3A_1250 : i32
        %ne3A_1268 = arith.constant 0 : i32
        %ne3A_1269 = arith.cmpi ne, %rem3A_1267, %ne3A_1268 : i32
        %and3A_1270 = arith.andi %ne3A_1266, %ne3A_1269 : i1
        %sub3A_1271 = arith.constant 1 : i32
        %sub3A_1272 = arith.subi %div3A_1251, %sub3A_1271 : i32
        %select_n3A_1273 = arith.select %and3A_1270, %sub3A_1272, %div3A_1251 : i32
        %mul3A_1274 = arith.constant 16 : i32
        %mul3A_1275 = arith.muli %select_n3A_1273, %mul3A_1274 : i32
        %add3A_1276 = arith.addi %add3A_1249, %mul3A_1275 : i32
        %dma_wait3A_1277 = arith.constant 2 : i32
        %dma_wait3A_1278 = arith.constant 0 : i32
        %dma_wait3A_1279 = arith.constant 0 : i32
        %dma_wait3A_1280 = tpu.memref_slice %arg5[%dma_wait3A_1277, %dma_wait3A_1278, %dma_wait3A_1279] : memref<4x16x1024xf32, #tpu.memory_space<vmem>> -> memref<1x16x1024xf32, #tpu.memory_space<vmem>>
        %dma_wait3A_1281 = tpu.memref_squeeze %dma_wait3A_1280 : memref<1x16x1024xf32, #tpu.memory_space<vmem>> -> memref<16x1024xf32, #tpu.memory_space<vmem>>
        %dma_wait3A_1282 = arith.constant 0 : i32
        %dma_wait3A_1283 = tpu.memref_slice %arg4[%add3A_1276, %dma_wait3A_1282] : memref<16384x1024xf32, #tpu.memory_space<hbm>> -> memref<16x1024xf32, #tpu.memory_space<hbm>>
        %dma_wait3A_1284 = arith.constant 0 : i32
        %dma_wait3A_1285 = tpu.memref_slice %arg4[%add3A_1276, %dma_wait3A_1284] : memref<16384x1024xf32, #tpu.memory_space<hbm>> -> memref<16x1024xf32, #tpu.memory_space<hbm>>
        %dma_wait3A_1286 = arith.constant 0 : i32
        %dma_wait3A_1287 = arith.constant 0 : i32
        %dma_wait3A_1288 = tpu.memref_slice %arg5[%dma_wait3A_1277, %dma_wait3A_1286, %dma_wait3A_1287] : memref<4x16x1024xf32, #tpu.memory_space<vmem>> -> memref<1x16x1024xf32, #tpu.memory_space<vmem>>
        %dma_wait3A_1289 = tpu.memref_squeeze %dma_wait3A_1288 : memref<1x16x1024xf32, #tpu.memory_space<vmem>> -> memref<16x1024xf32, #tpu.memory_space<vmem>>
        tpu.wait_dma2 semaphore(%arg15 : memref<!tpu.dma_semaphore, #tpu.memory_space<semaphore_mem>>) src(%dma_wait3A_1289 : memref<16x1024xf32, #tpu.memory_space<vmem>>) dst(%dma_wait3A_1285 : memref<16x1024xf32, #tpu.memory_space<hbm>>)
      } else {
      }
      %add3A_103 = arith.constant 2 : i32
      %add3A_104 = arith.addi %add3A_100, %add3A_103 : i32
      %lt3A = arith.constant 32 : i32
      %lt3A_105 = arith.cmpi slt, %add3A_104, %lt3A : i32
      %convert_element_type3A_106 = arith.extui %lt3A_105 : i1 to i32
      %cond3A_107 = arith.constant 0 : i32
      %cond3A_108 = arith.cmpi ne, %convert_element_type3A_106, %cond3A_107 : i32
      scf.if %cond3A_108 {
        %add3A_1229 = arith.constant 2 : i32
        %add3A_1230 = arith.addi %add3A_100, %add3A_1229 : i32
        %jit3A_1231 = arith.constant 4 : i32
        %eq3A_1232 = arith.constant 0 : i32
        %eq3A_1233 = arith.cmpi eq, %jit3A_1231, %eq3A_1232 : i32
        %jit3A_1234 = arith.constant 1 : i32
        %select_n3A_1235 = arith.select %eq3A_1233, %jit3A_1234, %jit3A_1231 : i32
        %rem3A_1236 = arith.remsi %add3A_1230, %select_n3A_1235 : i32
        %ne3A_1237 = arith.constant 0 : i32
        %ne3A_1238 = arith.cmpi ne, %rem3A_1236, %ne3A_1237 : i32
        %lt3A_1239 = arith.constant 0 : i32
        %lt3A_1240 = arith.cmpi slt, %rem3A_1236, %lt3A_1239 : i32
        %lt3A_1241 = arith.constant 0 : i32
        %lt3A_1242 = arith.cmpi slt, %select_n3A_1235, %lt3A_1241 : i32
        %ne3A_1243 = arith.xori %lt3A_1240, %lt3A_1242 : i1
        %and3A_1244 = arith.andi %ne3A_1243, %ne3A_1238 : i1
        %add3A_1245 = arith.addi %rem3A_1236, %select_n3A_1235 : i32
        %select_n3A_1246 = arith.select %and3A_1244, %add3A_1245, %rem3A_1236 : i32
        %mul3A_1247 = arith.constant 4096 : i32
        %mul3A_1248 = arith.muli %select_n3A_1246, %mul3A_1247 : i32
        %add3A_1249 = arith.addi %mul3A_1248, %mul3A_2 : i32
        %jit3A_1250 = arith.constant 4 : i32
        %div3A_1251 = arith.divsi %add3A_1230, %jit3A_1250 : i32
        %sign3A_1252 = arith.constant 0 : i32
        %sign3A_1253 = arith.cmpi sgt, %add3A_1230, %sign3A_1252 : i32
        %sign3A_1254 = arith.extui %sign3A_1253 : i1 to i32
        %sign3A_1255 = arith.constant 0 : i32
        %sign3A_1256 = arith.cmpi slt, %add3A_1230, %sign3A_1255 : i32
        %sign3A_1257 = arith.extui %sign3A_1256 : i1 to i32
        %sign3A_1258 = arith.subi %sign3A_1254, %sign3A_1257 : i32
        %sign3A_1259 = arith.constant 0 : i32
        %sign3A_1260 = arith.cmpi sgt, %jit3A_1250, %sign3A_1259 : i32
        %sign3A_1261 = arith.extui %sign3A_1260 : i1 to i32
        %sign3A_1262 = arith.constant 0 : i32
        %sign3A_1263 = arith.cmpi slt, %jit3A_1250, %sign3A_1262 : i32
        %sign3A_1264 = arith.extui %sign3A_1263 : i1 to i32
        %sign3A_1265 = arith.subi %sign3A_1261, %sign3A_1264 : i32
        %ne3A_1266 = arith.cmpi ne, %sign3A_1258, %sign3A_1265 : i32
        %rem3A_1267 = arith.remsi %add3A_1230, %jit3A_1250 : i32
        %ne3A_1268 = arith.constant 0 : i32
        %ne3A_1269 = arith.cmpi ne, %rem3A_1267, %ne3A_1268 : i32
        %and3A_1270 = arith.andi %ne3A_1266, %ne3A_1269 : i1
        %sub3A_1271 = arith.constant 1 : i32
        %sub3A_1272 = arith.subi %div3A_1251, %sub3A_1271 : i32
        %select_n3A_1273 = arith.select %and3A_1270, %sub3A_1272, %div3A_1251 : i32
        %mul3A_1274 = arith.constant 16 : i32
        %mul3A_1275 = arith.muli %select_n3A_1273, %mul3A_1274 : i32
        %add3A_1276 = arith.addi %add3A_1249, %mul3A_1275 : i32
        %dma_start3A_1277 = arith.constant 2 : i32
        %dma_start3A_1278 = arith.constant 0 : i32
        %dma_start3A_1279 = arith.constant 0 : i32
        %dma_start3A_1280 = tpu.memref_slice %arg5[%dma_start3A_1277, %dma_start3A_1278, %dma_start3A_1279] : memref<4x16x1024xf32, #tpu.memory_space<vmem>> -> memref<1x16x1024xf32, #tpu.memory_space<vmem>>
        %dma_start3A_1281 = tpu.memref_squeeze %dma_start3A_1280 : memref<1x16x1024xf32, #tpu.memory_space<vmem>> -> memref<16x1024xf32, #tpu.memory_space<vmem>>
        %dma_start3A_1282 = arith.constant 0 : i32
        %dma_start3A_1283 = tpu.memref_slice %arg2[%add3A_1276, %dma_start3A_1282] : memref<16384x1024xf32, #tpu.memory_space<hbm>> -> memref<16x1024xf32, #tpu.memory_space<hbm>>
        %dma_start3A_1284 = arith.constant 0 : i32
        %dma_start3A_1285 = arith.constant 0 : i32
        %dma_start3A_1286 = tpu.memref_slice %arg5[%dma_start3A_1277, %dma_start3A_1284, %dma_start3A_1285] : memref<4x16x1024xf32, #tpu.memory_space<vmem>> -> memref<1x16x1024xf32, #tpu.memory_space<vmem>>
        %dma_start3A_1287 = tpu.memref_squeeze %dma_start3A_1286 : memref<1x16x1024xf32, #tpu.memory_space<vmem>> -> memref<16x1024xf32, #tpu.memory_space<vmem>>
        %dma_start3A_1288 = arith.constant 0 : i32
        %dma_start3A_1289 = tpu.memref_slice %arg2[%add3A_1276, %dma_start3A_1288] : memref<16384x1024xf32, #tpu.memory_space<hbm>> -> memref<16x1024xf32, #tpu.memory_space<hbm>>
        tpu.enqueue_dma source(%dma_start3A_1289 : memref<16x1024xf32, #tpu.memory_space<hbm>>) target(%dma_start3A_1287 : memref<16x1024xf32, #tpu.memory_space<vmem>>) target_semaphore(%arg9 : memref<!tpu.dma_semaphore, #tpu.memory_space<semaphore_mem>>)
      } else {
      }
      %jit3A = arith.constant 4 : i32
      %eq3A = arith.constant 0 : i32
      %eq3A_109 = arith.cmpi eq, %jit3A, %eq3A : i32
      %jit3A_110 = arith.constant 1 : i32
      %select_n3A = arith.select %eq3A_109, %jit3A_110, %jit3A : i32
      %rem3A = arith.remsi %add3A_100, %select_n3A : i32
      %ne3A = arith.constant 0 : i32
      %ne3A_111 = arith.cmpi ne, %rem3A, %ne3A : i32
      %lt3A_112 = arith.constant 0 : i32
      %lt3A_113 = arith.cmpi slt, %rem3A, %lt3A_112 : i32
      %lt3A_114 = arith.constant 0 : i32
      %lt3A_115 = arith.cmpi slt, %select_n3A, %lt3A_114 : i32
      %ne3A_116 = arith.xori %lt3A_113, %lt3A_115 : i1
      %and3A = arith.andi %ne3A_116, %ne3A_111 : i1
      %add3A_117 = arith.addi %rem3A, %select_n3A : i32
      %select_n3A_118 = arith.select %and3A, %add3A_117, %rem3A : i32
      %mul3A_119 = arith.constant 4096 : i32
      %mul3A_120 = arith.muli %select_n3A_118, %mul3A_119 : i32
      %add3A_121 = arith.addi %mul3A_120, %mul3A_2 : i32
      %jit3A_122 = arith.constant 4 : i32
      %div3A = arith.divsi %add3A_100, %jit3A_122 : i32
      %sign3A = arith.constant 0 : i32
      %sign3A_123 = arith.cmpi sgt, %add3A_100, %sign3A : i32
      %sign3A_124 = arith.extui %sign3A_123 : i1 to i32
      %sign3A_125 = arith.constant 0 : i32
      %sign3A_126 = arith.cmpi slt, %add3A_100, %sign3A_125 : i32
      %sign3A_127 = arith.extui %sign3A_126 : i1 to i32
      %sign3A_128 = arith.subi %sign3A_124, %sign3A_127 : i32
      %sign3A_129 = arith.constant 0 : i32
      %sign3A_130 = arith.cmpi sgt, %jit3A_122, %sign3A_129 : i32
      %sign3A_131 = arith.extui %sign3A_130 : i1 to i32
      %sign3A_132 = arith.constant 0 : i32
      %sign3A_133 = arith.cmpi slt, %jit3A_122, %sign3A_132 : i32
      %sign3A_134 = arith.extui %sign3A_133 : i1 to i32
      %sign3A_135 = arith.subi %sign3A_131, %sign3A_134 : i32
      %ne3A_136 = arith.cmpi ne, %sign3A_128, %sign3A_135 : i32
      %rem3A_137 = arith.remsi %add3A_100, %jit3A_122 : i32
      %ne3A_138 = arith.constant 0 : i32
      %ne3A_139 = arith.cmpi ne, %rem3A_137, %ne3A_138 : i32
      %and3A_140 = arith.andi %ne3A_136, %ne3A_139 : i1
      %sub3A = arith.constant 1 : i32
      %sub3A_141 = arith.subi %div3A, %sub3A : i32
      %select_n3A_142 = arith.select %and3A_140, %sub3A_141, %div3A : i32
      %mul3A_143 = arith.constant 16 : i32
      %mul3A_144 = arith.muli %select_n3A_142, %mul3A_143 : i32
      %add3A_145 = arith.addi %add3A_121, %mul3A_144 : i32
      %dma_wait3A_146 = arith.constant 0 : i32
      %dma_wait3A_147 = arith.constant 0 : i32
      %dma_wait3A_148 = arith.constant 0 : i32
      %dma_wait3A_149 = tpu.memref_slice %arg5[%dma_wait3A_146, %dma_wait3A_147, %dma_wait3A_148] : memref<4x16x1024xf32, #tpu.memory_space<vmem>> -> memref<1x16x1024xf32, #tpu.memory_space<vmem>>
      %dma_wait3A_150 = tpu.memref_squeeze %dma_wait3A_149 : memref<1x16x1024xf32, #tpu.memory_space<vmem>> -> memref<16x1024xf32, #tpu.memory_space<vmem>>
      %dma_wait3A_151 = arith.constant 0 : i32
      %dma_wait3A_152 = tpu.memref_slice %arg2[%add3A_145, %dma_wait3A_151] : memref<16384x1024xf32, #tpu.memory_space<hbm>> -> memref<16x1024xf32, #tpu.memory_space<hbm>>
      %dma_wait3A_153 = arith.constant 0 : i32
      %dma_wait3A_154 = arith.constant 0 : i32
      %dma_wait3A_155 = tpu.memref_slice %arg5[%dma_wait3A_146, %dma_wait3A_153, %dma_wait3A_154] : memref<4x16x1024xf32, #tpu.memory_space<vmem>> -> memref<1x16x1024xf32, #tpu.memory_space<vmem>>
      %dma_wait3A_156 = tpu.memref_squeeze %dma_wait3A_155 : memref<1x16x1024xf32, #tpu.memory_space<vmem>> -> memref<16x1024xf32, #tpu.memory_space<vmem>>
      %dma_wait3A_157 = arith.constant 0 : i32
      %dma_wait3A_158 = tpu.memref_slice %arg2[%add3A_145, %dma_wait3A_157] : memref<16384x1024xf32, #tpu.memory_space<hbm>> -> memref<16x1024xf32, #tpu.memory_space<hbm>>
      tpu.wait_dma2 semaphore(%arg7 : memref<!tpu.dma_semaphore, #tpu.memory_space<semaphore_mem>>) src(%dma_wait3A_158 : memref<16x1024xf32, #tpu.memory_space<hbm>>) dst(%dma_wait3A_156 : memref<16x1024xf32, #tpu.memory_space<vmem>>)
      %mul3A_159 = arith.constant 16 : i32
      %mul3A_160 = arith.muli %add3A_96, %mul3A_159 : i32
      %add3A_161 = arith.addi %mul3A_2, %mul3A_160 : i32
      %dma_wait3A_162 = arith.constant 0 : i32
      %dma_wait3A_163 = arith.constant 0 : i32
      %dma_wait3A_164 = arith.constant 0 : i32
      %dma_wait3A_165 = tpu.memref_slice %arg6[%dma_wait3A_162, %dma_wait3A_163, %dma_wait3A_164] : memref<2x16x1024xf32, #tpu.memory_space<vmem>> -> memref<1x16x1024xf32, #tpu.memory_space<vmem>>
      %dma_wait3A_166 = tpu.memref_squeeze %dma_wait3A_165 : memref<1x16x1024xf32, #tpu.memory_space<vmem>> -> memref<16x1024xf32, #tpu.memory_space<vmem>>
      %dma_wait3A_167 = arith.constant 0 : i32
      %dma_wait3A_168 = tpu.memref_slice %arg3[%add3A_161, %dma_wait3A_167] : memref<4096x1024xf32, #tpu.memory_space<hbm>> -> memref<16x1024xf32, #tpu.memory_space<hbm>>
      %dma_wait3A_169 = arith.constant 0 : i32
      %dma_wait3A_170 = arith.constant 0 : i32
      %dma_wait3A_171 = tpu.memref_slice %arg6[%dma_wait3A_162, %dma_wait3A_169, %dma_wait3A_170] : memref<2x16x1024xf32, #tpu.memory_space<vmem>> -> memref<1x16x1024xf32, #tpu.memory_space<vmem>>
      %dma_wait3A_172 = tpu.memref_squeeze %dma_wait3A_171 : memref<1x16x1024xf32, #tpu.memory_space<vmem>> -> memref<16x1024xf32, #tpu.memory_space<vmem>>
      %dma_wait3A_173 = arith.constant 0 : i32
      %dma_wait3A_174 = tpu.memref_slice %arg3[%add3A_161, %dma_wait3A_173] : memref<4096x1024xf32, #tpu.memory_space<hbm>> -> memref<16x1024xf32, #tpu.memory_space<hbm>>
      tpu.wait_dma2 semaphore(%arg11 : memref<!tpu.dma_semaphore, #tpu.memory_space<semaphore_mem>>) src(%dma_wait3A_174 : memref<16x1024xf32, #tpu.memory_space<hbm>>) dst(%dma_wait3A_172 : memref<16x1024xf32, #tpu.memory_space<vmem>>)
      %parallel_loop3A = arith.constant 0 : i32
      %parallel_loop3A_175 = arith.constant 1024 : i32
      %parallel_loop3A_176 = arith.constant 1 : i32
      scf.for %parallel_loop3A_1229 = %parallel_loop3A to %parallel_loop3A_175 step %parallel_loop3A_176  : i32 {
        %parallel_loop3A_1230 = arith.constant 64 : i32
        %parallel_loop3A_1231 = arith.divsi %parallel_loop3A_1229, %parallel_loop3A_1230 : i32
        %parallel_loop3A_1232 = arith.constant 0 : i32
        %parallel_loop3A_1233 = arith.cmpi sgt, %parallel_loop3A_1229, %parallel_loop3A_1232 : i32
        %parallel_loop3A_1234 = arith.extui %parallel_loop3A_1233 : i1 to i32
        %parallel_loop3A_1235 = arith.constant 0 : i32
        %parallel_loop3A_1236 = arith.cmpi slt, %parallel_loop3A_1229, %parallel_loop3A_1235 : i32
        %parallel_loop3A_1237 = arith.extui %parallel_loop3A_1236 : i1 to i32
        %parallel_loop3A_1238 = arith.subi %parallel_loop3A_1234, %parallel_loop3A_1237 : i32
        %parallel_loop3A_1239 = arith.constant 0 : i32
        %parallel_loop3A_1240 = arith.cmpi sgt, %parallel_loop3A_1230, %parallel_loop3A_1239 : i32
        %parallel_loop3A_1241 = arith.extui %parallel_loop3A_1240 : i1 to i32
        %parallel_loop3A_1242 = arith.constant 0 : i32
        %parallel_loop3A_1243 = arith.cmpi slt, %parallel_loop3A_1230, %parallel_loop3A_1242 : i32
        %parallel_loop3A_1244 = arith.extui %parallel_loop3A_1243 : i1 to i32
        %parallel_loop3A_1245 = arith.subi %parallel_loop3A_1241, %parallel_loop3A_1244 : i32
        %parallel_loop3A_1246 = arith.cmpi ne, %parallel_loop3A_1238, %parallel_loop3A_1245 : i32
        %parallel_loop3A_1247 = arith.remsi %parallel_loop3A_1229, %parallel_loop3A_1230 : i32
        %parallel_loop3A_1248 = arith.constant 0 : i32
        %parallel_loop3A_1249 = arith.cmpi ne, %parallel_loop3A_1247, %parallel_loop3A_1248 : i32
        %parallel_loop3A_1250 = arith.andi %parallel_loop3A_1246, %parallel_loop3A_1249 : i1
        %parallel_loop3A_1251 = arith.constant 1 : i32
        %parallel_loop3A_1252 = arith.subi %parallel_loop3A_1231, %parallel_loop3A_1251 : i32
        %parallel_loop3A_1253 = arith.select %parallel_loop3A_1250, %parallel_loop3A_1252, %parallel_loop3A_1231 : i32
        %parallel_loop3A_1254 = arith.constant 64 : i32
        %parallel_loop3A_1255 = arith.constant 0 : i32
        %parallel_loop3A_1256 = arith.cmpi eq, %parallel_loop3A_1254, %parallel_loop3A_1255 : i32
        %parallel_loop3A_1257 = arith.constant 1 : i32
        %parallel_loop3A_1258 = arith.select %parallel_loop3A_1256, %parallel_loop3A_1257, %parallel_loop3A_1254 : i32
        %parallel_loop3A_1259 = arith.remsi %parallel_loop3A_1229, %parallel_loop3A_1258 : i32
        %parallel_loop3A_1260 = arith.constant 0 : i32
        %parallel_loop3A_1261 = arith.cmpi ne, %parallel_loop3A_1259, %parallel_loop3A_1260 : i32
        %parallel_loop3A_1262 = arith.constant 0 : i32
        %parallel_loop3A_1263 = arith.cmpi slt, %parallel_loop3A_1259, %parallel_loop3A_1262 : i32
        %parallel_loop3A_1264 = arith.constant 0 : i32
        %parallel_loop3A_1265 = arith.cmpi slt, %parallel_loop3A_1258, %parallel_loop3A_1264 : i32
        %parallel_loop3A_1266 = arith.xori %parallel_loop3A_1263, %parallel_loop3A_1265 : i1
        %parallel_loop3A_1267 = arith.andi %parallel_loop3A_1266, %parallel_loop3A_1261 : i1
        %parallel_loop3A_1268 = arith.addi %parallel_loop3A_1259, %parallel_loop3A_1258 : i32
        %parallel_loop3A_1269 = arith.select %parallel_loop3A_1267, %parallel_loop3A_1268, %parallel_loop3A_1259 : i32
        %parallel_loop3A_1270 = arith.constant 16 : i32
        %parallel_loop3A_1271 = arith.muli %parallel_loop3A_1269, %parallel_loop3A_1270 : i32
        %parallel_loop3A_1272 = arith.constant 0 : i32
        %parallel_loop3A_1273 = arith.index_cast %parallel_loop3A_1272 : i32 to index
        %parallel_loop3A_1274 = arith.index_cast %parallel_loop3A_1253 : i32 to index
        %parallel_loop3A_1275 = arith.index_cast %parallel_loop3A_1271 : i32 to index
        %parallel_loop3A_1276 = tpu.vector_load %arg6[%parallel_loop3A_1273, %parallel_loop3A_1274, %parallel_loop3A_1275] {strides = array<i32>} : memref<2x16x1024xf32, #tpu.memory_space<vmem>>, vector<1x1x16xf32>,
        %parallel_loop3A_1277 = vector.shape_cast %parallel_loop3A_1276 : vector<1x1x16xf32> to vector<16xf32>
        %parallel_loop3A_1278 = arith.constant 0 : i32
        %parallel_loop3A_1279 = arith.index_cast %parallel_loop3A_1278 : i32 to index
        %parallel_loop3A_1280 = arith.index_cast %parallel_loop3A_1253 : i32 to index
        %parallel_loop3A_1281 = arith.index_cast %parallel_loop3A_1271 : i32 to index
        %parallel_loop3A_1282 = tpu.vector_load %arg5[%parallel_loop3A_1279, %parallel_loop3A_1280, %parallel_loop3A_1281] {strides = array<i32>} : memref<4x16x1024xf32, #tpu.memory_space<vmem>>, vector<1x1x16xf32>,
        %parallel_loop3A_1283 = vector.shape_cast %parallel_loop3A_1282 : vector<1x1x16xf32> to vector<16xf32>
        %parallel_loop3A_1284 = vector.shape_cast %parallel_loop3A_1277 : vector<16xf32> to vector<1x1x16xf32>
        tpu.vector_store %arg5[%parallel_loop3A_1279, %parallel_loop3A_1280, %parallel_loop3A_1281], %parallel_loop3A_1284 {add = true, strides = array<i32>} : memref<4x16x1024xf32, #tpu.memory_space<vmem>>, vector<1x1x16xf32>,
      } {sc.loop_unroll_factor = 8 : i64, sc.parallel_access}
      %jit3A_177 = arith.constant 4 : i32
      %eq3A_178 = arith.constant 0 : i32
      %eq3A_179 = arith.cmpi eq, %jit3A_177, %eq3A_178 : i32
      %jit3A_180 = arith.constant 1 : i32
      %select_n3A_181 = arith.select %eq3A_179, %jit3A_180, %jit3A_177 : i32
      %rem3A_182 = arith.remsi %add3A_100, %select_n3A_181 : i32
      %ne3A_183 = arith.constant 0 : i32
      %ne3A_184 = arith.cmpi ne, %rem3A_182, %ne3A_183 : i32
      %lt3A_185 = arith.constant 0 : i32
      %lt3A_186 = arith.cmpi slt, %rem3A_182, %lt3A_185 : i32
      %lt3A_187 = arith.constant 0 : i32
      %lt3A_188 = arith.cmpi slt, %select_n3A_181, %lt3A_187 : i32
      %ne3A_189 = arith.xori %lt3A_186, %lt3A_188 : i1
      %and3A_190 = arith.andi %ne3A_189, %ne3A_184 : i1
      %add3A_191 = arith.addi %rem3A_182, %select_n3A_181 : i32
      %select_n3A_192 = arith.select %and3A_190, %add3A_191, %rem3A_182 : i32
      %mul3A_193 = arith.constant 4096 : i32
      %mul3A_194 = arith.muli %select_n3A_192, %mul3A_193 : i32
      %add3A_195 = arith.addi %mul3A_194, %mul3A_2 : i32
      %jit3A_196 = arith.constant 4 : i32
      %div3A_197 = arith.divsi %add3A_100, %jit3A_196 : i32
      %sign3A_198 = arith.constant 0 : i32
      %sign3A_199 = arith.cmpi sgt, %add3A_100, %sign3A_198 : i32
      %sign3A_200 = arith.extui %sign3A_199 : i1 to i32
      %sign3A_201 = arith.constant 0 : i32
      %sign3A_202 = arith.cmpi slt, %add3A_100, %sign3A_201 : i32
      %sign3A_203 = arith.extui %sign3A_202 : i1 to i32
      %sign3A_204 = arith.subi %sign3A_200, %sign3A_203 : i32
      %sign3A_205 = arith.constant 0 : i32
      %sign3A_206 = arith.cmpi sgt, %jit3A_196, %sign3A_205 : i32
      %sign3A_207 = arith.extui %sign3A_206 : i1 to i32
      %sign3A_208 = arith.constant 0 : i32
      %sign3A_209 = arith.cmpi slt, %jit3A_196, %sign3A_208 : i32
      %sign3A_210 = arith.extui %sign3A_209 : i1 to i32
      %sign3A_211 = arith.subi %sign3A_207, %sign3A_210 : i32
      %ne3A_212 = arith.cmpi ne, %sign3A_204, %sign3A_211 : i32
      %rem3A_213 = arith.remsi %add3A_100, %jit3A_196 : i32
      %ne3A_214 = arith.constant 0 : i32
      %ne3A_215 = arith.cmpi ne, %rem3A_213, %ne3A_214 : i32
      %and3A_216 = arith.andi %ne3A_212, %ne3A_215 : i1
      %sub3A_217 = arith.constant 1 : i32
      %sub3A_218 = arith.subi %div3A_197, %sub3A_217 : i32
      %select_n3A_219 = arith.select %and3A_216, %sub3A_218, %div3A_197 : i32
      %mul3A_220 = arith.constant 16 : i32
      %mul3A_221 = arith.muli %select_n3A_219, %mul3A_220 : i32
      %add3A_222 = arith.addi %add3A_195, %mul3A_221 : i32
      %dma_start3A_223 = arith.constant 0 : i32
      %dma_start3A_224 = arith.constant 0 : i32
      %dma_start3A_225 = arith.constant 0 : i32
      %dma_start3A_226 = tpu.memref_slice %arg5[%dma_start3A_223, %dma_start3A_224, %dma_start3A_225] : memref<4x16x1024xf32, #tpu.memory_space<vmem>> -> memref<1x16x1024xf32, #tpu.memory_space<vmem>>
      %dma_start3A_227 = tpu.memref_squeeze %dma_start3A_226 : memref<1x16x1024xf32, #tpu.memory_space<vmem>> -> memref<16x1024xf32, #tpu.memory_space<vmem>>
      %dma_start3A_228 = arith.constant 0 : i32
      %dma_start3A_229 = tpu.memref_slice %arg4[%add3A_222, %dma_start3A_228] : memref<16384x1024xf32, #tpu.memory_space<hbm>> -> memref<16x1024xf32, #tpu.memory_space<hbm>>
      %dma_start3A_230 = arith.constant 0 : i32
      %dma_start3A_231 = tpu.memref_slice %arg4[%add3A_222, %dma_start3A_230] : memref<16384x1024xf32, #tpu.memory_space<hbm>> -> memref<16x1024xf32, #tpu.memory_space<hbm>>
      %dma_start3A_232 = arith.constant 0 : i32
      %dma_start3A_233 = arith.constant 0 : i32
      %dma_start3A_234 = tpu.memref_slice %arg5[%dma_start3A_223, %dma_start3A_232, %dma_start3A_233] : memref<4x16x1024xf32, #tpu.memory_space<vmem>> -> memref<1x16x1024xf32, #tpu.memory_space<vmem>>
      %dma_start3A_235 = tpu.memref_squeeze %dma_start3A_234 : memref<1x16x1024xf32, #tpu.memory_space<vmem>> -> memref<16x1024xf32, #tpu.memory_space<vmem>>
      tpu.enqueue_dma source(%dma_start3A_235 : memref<16x1024xf32, #tpu.memory_space<vmem>>) target(%dma_start3A_231 : memref<16x1024xf32, #tpu.memory_space<hbm>>) target_semaphore(%arg13 : memref<!tpu.dma_semaphore, #tpu.memory_space<semaphore_mem>>)
      %mul3A_236 = arith.constant 4 : i32
      %mul3A_237 = arith.muli %add3A_96, %mul3A_236 : i32
      %add3A_238 = arith.constant 1 : i32
      %add3A_239 = arith.addi %mul3A_237, %add3A_238 : i32
      %ge3A_240 = arith.constant 2 : i32
      %ge3A_241 = arith.cmpi sge, %add3A_239, %ge3A_240 : i32
      %convert_element_type3A_242 = arith.extui %ge3A_241 : i1 to i32
      %cond3A_243 = arith.constant 0 : i32
      %cond3A_244 = arith.cmpi ne, %convert_element_type3A_242, %cond3A_243 : i32
      scf.if %cond3A_244 {
        %sub3A_1229 = arith.constant 2 : i32
        %sub3A_1230 = arith.subi %add3A_239, %sub3A_1229 : i32
        %jit3A_1231 = arith.constant 4 : i32
        %eq3A_1232 = arith.constant 0 : i32
        %eq3A_1233 = arith.cmpi eq, %jit3A_1231, %eq3A_1232 : i32
        %jit3A_1234 = arith.constant 1 : i32
        %select_n3A_1235 = arith.select %eq3A_1233, %jit3A_1234, %jit3A_1231 : i32
        %rem3A_1236 = arith.remsi %sub3A_1230, %select_n3A_1235 : i32
        %ne3A_1237 = arith.constant 0 : i32
        %ne3A_1238 = arith.cmpi ne, %rem3A_1236, %ne3A_1237 : i32
        %lt3A_1239 = arith.constant 0 : i32
        %lt3A_1240 = arith.cmpi slt, %rem3A_1236, %lt3A_1239 : i32
        %lt3A_1241 = arith.constant 0 : i32
        %lt3A_1242 = arith.cmpi slt, %select_n3A_1235, %lt3A_1241 : i32
        %ne3A_1243 = arith.xori %lt3A_1240, %lt3A_1242 : i1
        %and3A_1244 = arith.andi %ne3A_1243, %ne3A_1238 : i1
        %add3A_1245 = arith.addi %rem3A_1236, %select_n3A_1235 : i32
        %select_n3A_1246 = arith.select %and3A_1244, %add3A_1245, %rem3A_1236 : i32
        %mul3A_1247 = arith.constant 4096 : i32
        %mul3A_1248 = arith.muli %select_n3A_1246, %mul3A_1247 : i32
        %add3A_1249 = arith.addi %mul3A_1248, %mul3A_2 : i32
        %jit3A_1250 = arith.constant 4 : i32
        %div3A_1251 = arith.divsi %sub3A_1230, %jit3A_1250 : i32
        %sign3A_1252 = arith.constant 0 : i32
        %sign3A_1253 = arith.cmpi sgt, %sub3A_1230, %sign3A_1252 : i32
        %sign3A_1254 = arith.extui %sign3A_1253 : i1 to i32
        %sign3A_1255 = arith.constant 0 : i32
        %sign3A_1256 = arith.cmpi slt, %sub3A_1230, %sign3A_1255 : i32
        %sign3A_1257 = arith.extui %sign3A_1256 : i1 to i32
        %sign3A_1258 = arith.subi %sign3A_1254, %sign3A_1257 : i32
        %sign3A_1259 = arith.constant 0 : i32
        %sign3A_1260 = arith.cmpi sgt, %jit3A_1250, %sign3A_1259 : i32
        %sign3A_1261 = arith.extui %sign3A_1260 : i1 to i32
        %sign3A_1262 = arith.constant 0 : i32
        %sign3A_1263 = arith.cmpi slt, %jit3A_1250, %sign3A_1262 : i32
        %sign3A_1264 = arith.extui %sign3A_1263 : i1 to i32
        %sign3A_1265 = arith.subi %sign3A_1261, %sign3A_1264 : i32
        %ne3A_1266 = arith.cmpi ne, %sign3A_1258, %sign3A_1265 : i32
        %rem3A_1267 = arith.remsi %sub3A_1230, %jit3A_1250 : i32
        %ne3A_1268 = arith.constant 0 : i32
        %ne3A_1269 = arith.cmpi ne, %rem3A_1267, %ne3A_1268 : i32
        %and3A_1270 = arith.andi %ne3A_1266, %ne3A_1269 : i1
        %sub3A_1271 = arith.constant 1 : i32
        %sub3A_1272 = arith.subi %div3A_1251, %sub3A_1271 : i32
        %select_n3A_1273 = arith.select %and3A_1270, %sub3A_1272, %div3A_1251 : i32
        %mul3A_1274 = arith.constant 16 : i32
        %mul3A_1275 = arith.muli %select_n3A_1273, %mul3A_1274 : i32
        %add3A_1276 = arith.addi %add3A_1249, %mul3A_1275 : i32
        %dma_wait3A_1277 = arith.constant 3 : i32
        %dma_wait3A_1278 = arith.constant 0 : i32
        %dma_wait3A_1279 = arith.constant 0 : i32
        %dma_wait3A_1280 = tpu.memref_slice %arg5[%dma_wait3A_1277, %dma_wait3A_1278, %dma_wait3A_1279] : memref<4x16x1024xf32, #tpu.memory_space<vmem>> -> memref<1x16x1024xf32, #tpu.memory_space<vmem>>
        %dma_wait3A_1281 = tpu.memref_squeeze %dma_wait3A_1280 : memref<1x16x1024xf32, #tpu.memory_space<vmem>> -> memref<16x1024xf32, #tpu.memory_space<vmem>>
        %dma_wait3A_1282 = arith.constant 0 : i32
        %dma_wait3A_1283 = tpu.memref_slice %arg4[%add3A_1276, %dma_wait3A_1282] : memref<16384x1024xf32, #tpu.memory_space<hbm>> -> memref<16x1024xf32, #tpu.memory_space<hbm>>
        %dma_wait3A_1284 = arith.constant 0 : i32
        %dma_wait3A_1285 = tpu.memref_slice %arg4[%add3A_1276, %dma_wait3A_1284] : memref<16384x1024xf32, #tpu.memory_space<hbm>> -> memref<16x1024xf32, #tpu.memory_space<hbm>>
        %dma_wait3A_1286 = arith.constant 0 : i32
        %dma_wait3A_1287 = arith.constant 0 : i32
        %dma_wait3A_1288 = tpu.memref_slice %arg5[%dma_wait3A_1277, %dma_wait3A_1286, %dma_wait3A_1287] : memref<4x16x1024xf32, #tpu.memory_space<vmem>> -> memref<1x16x1024xf32, #tpu.memory_space<vmem>>
        %dma_wait3A_1289 = tpu.memref_squeeze %dma_wait3A_1288 : memref<1x16x1024xf32, #tpu.memory_space<vmem>> -> memref<16x1024xf32, #tpu.memory_space<vmem>>
        tpu.wait_dma2 semaphore(%arg16 : memref<!tpu.dma_semaphore, #tpu.memory_space<semaphore_mem>>) src(%dma_wait3A_1289 : memref<16x1024xf32, #tpu.memory_space<vmem>>) dst(%dma_wait3A_1285 : memref<16x1024xf32, #tpu.memory_space<hbm>>)
      } else {
      }
      %add3A_245 = arith.constant 2 : i32
      %add3A_246 = arith.addi %add3A_239, %add3A_245 : i32
      %lt3A_247 = arith.constant 32 : i32
      %lt3A_248 = arith.cmpi slt, %add3A_246, %lt3A_247 : i32
      %convert_element_type3A_249 = arith.extui %lt3A_248 : i1 to i32
      %cond3A_250 = arith.constant 0 : i32
      %cond3A_251 = arith.cmpi ne, %convert_element_type3A_249, %cond3A_250 : i32
      scf.if %cond3A_251 {
        %add3A_1229 = arith.constant 2 : i32
        %add3A_1230 = arith.addi %add3A_239, %add3A_1229 : i32
        %jit3A_1231 = arith.constant 4 : i32
        %eq3A_1232 = arith.constant 0 : i32
        %eq3A_1233 = arith.cmpi eq, %jit3A_1231, %eq3A_1232 : i32
        %jit3A_1234 = arith.constant 1 : i32
        %select_n3A_1235 = arith.select %eq3A_1233, %jit3A_1234, %jit3A_1231 : i32
        %rem3A_1236 = arith.remsi %add3A_1230, %select_n3A_1235 : i32
        %ne3A_1237 = arith.constant 0 : i32
        %ne3A_1238 = arith.cmpi ne, %rem3A_1236, %ne3A_1237 : i32
        %lt3A_1239 = arith.constant 0 : i32
        %lt3A_1240 = arith.cmpi slt, %rem3A_1236, %lt3A_1239 : i32
        %lt3A_1241 = arith.constant 0 : i32
        %lt3A_1242 = arith.cmpi slt, %select_n3A_1235, %lt3A_1241 : i32
        %ne3A_1243 = arith.xori %lt3A_1240, %lt3A_1242 : i1
        %and3A_1244 = arith.andi %ne3A_1243, %ne3A_1238 : i1
        %add3A_1245 = arith.addi %rem3A_1236, %select_n3A_1235 : i32
        %select_n3A_1246 = arith.select %and3A_1244, %add3A_1245, %rem3A_1236 : i32
        %mul3A_1247 = arith.constant 4096 : i32
        %mul3A_1248 = arith.muli %select_n3A_1246, %mul3A_1247 : i32
        %add3A_1249 = arith.addi %mul3A_1248, %mul3A_2 : i32
        %jit3A_1250 = arith.constant 4 : i32
        %div3A_1251 = arith.divsi %add3A_1230, %jit3A_1250 : i32
        %sign3A_1252 = arith.constant 0 : i32
        %sign3A_1253 = arith.cmpi sgt, %add3A_1230, %sign3A_1252 : i32
        %sign3A_1254 = arith.extui %sign3A_1253 : i1 to i32
        %sign3A_1255 = arith.constant 0 : i32
        %sign3A_1256 = arith.cmpi slt, %add3A_1230, %sign3A_1255 : i32
        %sign3A_1257 = arith.extui %sign3A_1256 : i1 to i32
        %sign3A_1258 = arith.subi %sign3A_1254, %sign3A_1257 : i32
        %sign3A_1259 = arith.constant 0 : i32
        %sign3A_1260 = arith.cmpi sgt, %jit3A_1250, %sign3A_1259 : i32
        %sign3A_1261 = arith.extui %sign3A_1260 : i1 to i32
        %sign3A_1262 = arith.constant 0 : i32
        %sign3A_1263 = arith.cmpi slt, %jit3A_1250, %sign3A_1262 : i32
        %sign3A_1264 = arith.extui %sign3A_1263 : i1 to i32
        %sign3A_1265 = arith.subi %sign3A_1261, %sign3A_1264 : i32
        %ne3A_1266 = arith.cmpi ne, %sign3A_1258, %sign3A_1265 : i32
        %rem3A_1267 = arith.remsi %add3A_1230, %jit3A_1250 : i32
        %ne3A_1268 = arith.constant 0 : i32
        %ne3A_1269 = arith.cmpi ne, %rem3A_1267, %ne3A_1268 : i32
        %and3A_1270 = arith.andi %ne3A_1266, %ne3A_1269 : i1
        %sub3A_1271 = arith.constant 1 : i32
        %sub3A_1272 = arith.subi %div3A_1251, %sub3A_1271 : i32
        %select_n3A_1273 = arith.select %and3A_1270, %sub3A_1272, %div3A_1251 : i32
        %mul3A_1274 = arith.constant 16 : i32
        %mul3A_1275 = arith.muli %select_n3A_1273, %mul3A_1274 : i32
        %add3A_1276 = arith.addi %add3A_1249, %mul3A_1275 : i32
        %dma_start3A_1277 = arith.constant 3 : i32
        %dma_start3A_1278 = arith.constant 0 : i32
        %dma_start3A_1279 = arith.constant 0 : i32
        %dma_start3A_1280 = tpu.memref_slice %arg5[%dma_start3A_1277, %dma_start3A_1278, %dma_start3A_1279] : memref<4x16x1024xf32, #tpu.memory_space<vmem>> -> memref<1x16x1024xf32, #tpu.memory_space<vmem>>
        %dma_start3A_1281 = tpu.memref_squeeze %dma_start3A_1280 : memref<1x16x1024xf32, #tpu.memory_space<vmem>> -> memref<16x1024xf32, #tpu.memory_space<vmem>>
        %dma_start3A_1282 = arith.constant 0 : i32
        %dma_start3A_1283 = tpu.memref_slice %arg2[%add3A_1276, %dma_start3A_1282] : memref<16384x1024xf32, #tpu.memory_space<hbm>> -> memref<16x1024xf32, #tpu.memory_space<hbm>>
        %dma_start3A_1284 = arith.constant 0 : i32
        %dma_start3A_1285 = arith.constant 0 : i32
        %dma_start3A_1286 = tpu.memref_slice %arg5[%dma_start3A_1277, %dma_start3A_1284, %dma_start3A_1285] : memref<4x16x1024xf32, #tpu.memory_space<vmem>> -> memref<1x16x1024xf32, #tpu.memory_space<vmem>>
        %dma_start3A_1287 = tpu.memref_squeeze %dma_start3A_1286 : memref<1x16x1024xf32, #tpu.memory_space<vmem>> -> memref<16x1024xf32, #tpu.memory_space<vmem>>
        %dma_start3A_1288 = arith.constant 0 : i32
        %dma_start3A_1289 = tpu.memref_slice %arg2[%add3A_1276, %dma_start3A_1288] : memref<16384x1024xf32, #tpu.memory_space<hbm>> -> memref<16x1024xf32, #tpu.memory_space<hbm>>
        tpu.enqueue_dma source(%dma_start3A_1289 : memref<16x1024xf32, #tpu.memory_space<hbm>>) target(%dma_start3A_1287 : memref<16x1024xf32, #tpu.memory_space<vmem>>) target_semaphore(%arg10 : memref<!tpu.dma_semaphore, #tpu.memory_space<semaphore_mem>>)
      } else {
      }
      %jit3A_252 = arith.constant 4 : i32
      %eq3A_253 = arith.constant 0 : i32
      %eq3A_254 = arith.cmpi eq, %jit3A_252, %eq3A_253 : i32
      %jit3A_255 = arith.constant 1 : i32
      %select_n3A_256 = arith.select %eq3A_254, %jit3A_255, %jit3A_252 : i32
      %rem3A_257 = arith.remsi %add3A_239, %select_n3A_256 : i32
      %ne3A_258 = arith.constant 0 : i32
      %ne3A_259 = arith.cmpi ne, %rem3A_257, %ne3A_258 : i32
      %lt3A_260 = arith.constant 0 : i32
      %lt3A_261 = arith.cmpi slt, %rem3A_257, %lt3A_260 : i32
      %lt3A_262 = arith.constant 0 : i32
      %lt3A_263 = arith.cmpi slt, %select_n3A_256, %lt3A_262 : i32
      %ne3A_264 = arith.xori %lt3A_261, %lt3A_263 : i1
      %and3A_265 = arith.andi %ne3A_264, %ne3A_259 : i1
      %add3A_266 = arith.addi %rem3A_257, %select_n3A_256 : i32
      %select_n3A_267 = arith.select %and3A_265, %add3A_266, %rem3A_257 : i32
      %mul3A_268 = arith.constant 4096 : i32
      %mul3A_269 = arith.muli %select_n3A_267, %mul3A_268 : i32
      %add3A_270 = arith.addi %mul3A_269, %mul3A_2 : i32
      %jit3A_271 = arith.constant 4 : i32
      %div3A_272 = arith.divsi %add3A_239, %jit3A_271 : i32
      %sign3A_273 = arith.constant 0 : i32
      %sign3A_274 = arith.cmpi sgt, %add3A_239, %sign3A_273 : i32
      %sign3A_275 = arith.extui %sign3A_274 : i1 to i32
      %sign3A_276 = arith.constant 0 : i32
      %sign3A_277 = arith.cmpi slt, %add3A_239, %sign3A_276 : i32
      %sign3A_278 = arith.extui %sign3A_277 : i1 to i32
      %sign3A_279 = arith.subi %sign3A_275, %sign3A_278 : i32
      %sign3A_280 = arith.constant 0 : i32
      %sign3A_281 = arith.cmpi sgt, %jit3A_271, %sign3A_280 : i32
      %sign3A_282 = arith.extui %sign3A_281 : i1 to i32
      %sign3A_283 = arith.constant 0 : i32
      %sign3A_284 = arith.cmpi slt, %jit3A_271, %sign3A_283 : i32
      %sign3A_285 = arith.extui %sign3A_284 : i1 to i32
      %sign3A_286 = arith.subi %sign3A_282, %sign3A_285 : i32
      %ne3A_287 = arith.cmpi ne, %sign3A_279, %sign3A_286 : i32
      %rem3A_288 = arith.remsi %add3A_239, %jit3A_271 : i32
      %ne3A_289 = arith.constant 0 : i32
      %ne3A_290 = arith.cmpi ne, %rem3A_288, %ne3A_289 : i32
      %and3A_291 = arith.andi %ne3A_287, %ne3A_290 : i1
      %sub3A_292 = arith.constant 1 : i32
      %sub3A_293 = arith.subi %div3A_272, %sub3A_292 : i32
      %select_n3A_294 = arith.select %and3A_291, %sub3A_293, %div3A_272 : i32
      %mul3A_295 = arith.constant 16 : i32
      %mul3A_296 = arith.muli %select_n3A_294, %mul3A_295 : i32
      %add3A_297 = arith.addi %add3A_270, %mul3A_296 : i32
      %dma_wait3A_298 = arith.constant 1 : i32
      %dma_wait3A_299 = arith.constant 0 : i32
      %dma_wait3A_300 = arith.constant 0 : i32
      %dma_wait3A_301 = tpu.memref_slice %arg5[%dma_wait3A_298, %dma_wait3A_299, %dma_wait3A_300] : memref<4x16x1024xf32, #tpu.memory_space<vmem>> -> memref<1x16x1024xf32, #tpu.memory_space<vmem>>
      %dma_wait3A_302 = tpu.memref_squeeze %dma_wait3A_301 : memref<1x16x1024xf32, #tpu.memory_space<vmem>> -> memref<16x1024xf32, #tpu.memory_space<vmem>>
      %dma_wait3A_303 = arith.constant 0 : i32
      %dma_wait3A_304 = tpu.memref_slice %arg2[%add3A_297, %dma_wait3A_303] : memref<16384x1024xf32, #tpu.memory_space<hbm>> -> memref<16x1024xf32, #tpu.memory_space<hbm>>
      %dma_wait3A_305 = arith.constant 0 : i32
      %dma_wait3A_306 = arith.constant 0 : i32
      %dma_wait3A_307 = tpu.memref_slice %arg5[%dma_wait3A_298, %dma_wait3A_305, %dma_wait3A_306] : memref<4x16x1024xf32, #tpu.memory_space<vmem>> -> memref<1x16x1024xf32, #tpu.memory_space<vmem>>
      %dma_wait3A_308 = tpu.memref_squeeze %dma_wait3A_307 : memref<1x16x1024xf32, #tpu.memory_space<vmem>> -> memref<16x1024xf32, #tpu.memory_space<vmem>>
      %dma_wait3A_309 = arith.constant 0 : i32
      %dma_wait3A_310 = tpu.memref_slice %arg2[%add3A_297, %dma_wait3A_309] : memref<16384x1024xf32, #tpu.memory_space<hbm>> -> memref<16x1024xf32, #tpu.memory_space<hbm>>
      tpu.wait_dma2 semaphore(%arg8 : memref<!tpu.dma_semaphore, #tpu.memory_space<semaphore_mem>>) src(%dma_wait3A_310 : memref<16x1024xf32, #tpu.memory_space<hbm>>) dst(%dma_wait3A_308 : memref<16x1024xf32, #tpu.memory_space<vmem>>)
      %parallel_loop3A_311 = arith.constant 0 : i32
      %parallel_loop3A_312 = arith.constant 1024 : i32
      %parallel_loop3A_313 = arith.constant 1 : i32
      scf.for %parallel_loop3A_1229 = %parallel_loop3A_311 to %parallel_loop3A_312 step %parallel_loop3A_313  : i32 {
        %parallel_loop3A_1230 = arith.constant 64 : i32
        %parallel_loop3A_1231 = arith.divsi %parallel_loop3A_1229, %parallel_loop3A_1230 : i32
        %parallel_loop3A_1232 = arith.constant 0 : i32
        %parallel_loop3A_1233 = arith.cmpi sgt, %parallel_loop3A_1229, %parallel_loop3A_1232 : i32
        %parallel_loop3A_1234 = arith.extui %parallel_loop3A_1233 : i1 to i32
        %parallel_loop3A_1235 = arith.constant 0 : i32
        %parallel_loop3A_1236 = arith.cmpi slt, %parallel_loop3A_1229, %parallel_loop3A_1235 : i32
        %parallel_loop3A_1237 = arith.extui %parallel_loop3A_1236 : i1 to i32
        %parallel_loop3A_1238 = arith.subi %parallel_loop3A_1234, %parallel_loop3A_1237 : i32
        %parallel_loop3A_1239 = arith.constant 0 : i32
        %parallel_loop3A_1240 = arith.cmpi sgt, %parallel_loop3A_1230, %parallel_loop3A_1239 : i32
        %parallel_loop3A_1241 = arith.extui %parallel_loop3A_1240 : i1 to i32
        %parallel_loop3A_1242 = arith.constant 0 : i32
        %parallel_loop3A_1243 = arith.cmpi slt, %parallel_loop3A_1230, %parallel_loop3A_1242 : i32
        %parallel_loop3A_1244 = arith.extui %parallel_loop3A_1243 : i1 to i32
        %parallel_loop3A_1245 = arith.subi %parallel_loop3A_1241, %parallel_loop3A_1244 : i32
        %parallel_loop3A_1246 = arith.cmpi ne, %parallel_loop3A_1238, %parallel_loop3A_1245 : i32
        %parallel_loop3A_1247 = arith.remsi %parallel_loop3A_1229, %parallel_loop3A_1230 : i32
        %parallel_loop3A_1248 = arith.constant 0 : i32
        %parallel_loop3A_1249 = arith.cmpi ne, %parallel_loop3A_1247, %parallel_loop3A_1248 : i32
        %parallel_loop3A_1250 = arith.andi %parallel_loop3A_1246, %parallel_loop3A_1249 : i1
        %parallel_loop3A_1251 = arith.constant 1 : i32
        %parallel_loop3A_1252 = arith.subi %parallel_loop3A_1231, %parallel_loop3A_1251 : i32
        %parallel_loop3A_1253 = arith.select %parallel_loop3A_1250, %parallel_loop3A_1252, %parallel_loop3A_1231 : i32
        %parallel_loop3A_1254 = arith.constant 64 : i32
        %parallel_loop3A_1255 = arith.constant 0 : i32
        %parallel_loop3A_1256 = arith.cmpi eq, %parallel_loop3A_1254, %parallel_loop3A_1255 : i32
        %parallel_loop3A_1257 = arith.constant 1 : i32
        %parallel_loop3A_1258 = arith.select %parallel_loop3A_1256, %parallel_loop3A_1257, %parallel_loop3A_1254 : i32
        %parallel_loop3A_1259 = arith.remsi %parallel_loop3A_1229, %parallel_loop3A_1258 : i32
        %parallel_loop3A_1260 = arith.constant 0 : i32
        %parallel_loop3A_1261 = arith.cmpi ne, %parallel_loop3A_1259, %parallel_loop3A_1260 : i32
        %parallel_loop3A_1262 = arith.constant 0 : i32
        %parallel_loop3A_1263 = arith.cmpi slt, %parallel_loop3A_1259, %parallel_loop3A_1262 : i32
        %parallel_loop3A_1264 = arith.constant 0 : i32
        %parallel_loop3A_1265 = arith.cmpi slt, %parallel_loop3A_1258, %parallel_loop3A_1264 : i32
        %parallel_loop3A_1266 = arith.xori %parallel_loop3A_1263, %parallel_loop3A_1265 : i1
        %parallel_loop3A_1267 = arith.andi %parallel_loop3A_1266, %parallel_loop3A_1261 : i1
        %parallel_loop3A_1268 = arith.addi %parallel_loop3A_1259, %parallel_loop3A_1258 : i32
        %parallel_loop3A_1269 = arith.select %parallel_loop3A_1267, %parallel_loop3A_1268, %parallel_loop3A_1259 : i32
        %parallel_loop3A_1270 = arith.constant 16 : i32
        %parallel_loop3A_1271 = arith.muli %parallel_loop3A_1269, %parallel_loop3A_1270 : i32
        %parallel_loop3A_1272 = arith.constant 0 : i32
        %parallel_loop3A_1273 = arith.index_cast %parallel_loop3A_1272 : i32 to index
        %parallel_loop3A_1274 = arith.index_cast %parallel_loop3A_1253 : i32 to index
        %parallel_loop3A_1275 = arith.index_cast %parallel_loop3A_1271 : i32 to index
        %parallel_loop3A_1276 = tpu.vector_load %arg6[%parallel_loop3A_1273, %parallel_loop3A_1274, %parallel_loop3A_1275] {strides = array<i32>} : memref<2x16x1024xf32, #tpu.memory_space<vmem>>, vector<1x1x16xf32>,
        %parallel_loop3A_1277 = vector.shape_cast %parallel_loop3A_1276 : vector<1x1x16xf32> to vector<16xf32>
        %parallel_loop3A_1278 = arith.constant 1 : i32
        %parallel_loop3A_1279 = arith.index_cast %parallel_loop3A_1278 : i32 to index
        %parallel_loop3A_1280 = arith.index_cast %parallel_loop3A_1253 : i32 to index
        %parallel_loop3A_1281 = arith.index_cast %parallel_loop3A_1271 : i32 to index
        %parallel_loop3A_1282 = tpu.vector_load %arg5[%parallel_loop3A_1279, %parallel_loop3A_1280, %parallel_loop3A_1281] {strides = array<i32>} : memref<4x16x1024xf32, #tpu.memory_space<vmem>>, vector<1x1x16xf32>,
        %parallel_loop3A_1283 = vector.shape_cast %parallel_loop3A_1282 : vector<1x1x16xf32> to vector<16xf32>
        %parallel_loop3A_1284 = vector.shape_cast %parallel_loop3A_1277 : vector<16xf32> to vector<1x1x16xf32>
        tpu.vector_store %arg5[%parallel_loop3A_1279, %parallel_loop3A_1280, %parallel_loop3A_1281], %parallel_loop3A_1284 {add = true, strides = array<i32>} : memref<4x16x1024xf32, #tpu.memory_space<vmem>>, vector<1x1x16xf32>,
      } {sc.loop_unroll_factor = 8 : i64, sc.parallel_access}
      %jit3A_314 = arith.constant 4 : i32
      %eq3A_315 = arith.constant 0 : i32
      %eq3A_316 = arith.cmpi eq, %jit3A_314, %eq3A_315 : i32
      %jit3A_317 = arith.constant 1 : i32
      %select_n3A_318 = arith.select %eq3A_316, %jit3A_317, %jit3A_314 : i32
      %rem3A_319 = arith.remsi %add3A_239, %select_n3A_318 : i32
      %ne3A_320 = arith.constant 0 : i32
      %ne3A_321 = arith.cmpi ne, %rem3A_319, %ne3A_320 : i32
      %lt3A_322 = arith.constant 0 : i32
      %lt3A_323 = arith.cmpi slt, %rem3A_319, %lt3A_322 : i32
      %lt3A_324 = arith.constant 0 : i32
      %lt3A_325 = arith.cmpi slt, %select_n3A_318, %lt3A_324 : i32
      %ne3A_326 = arith.xori %lt3A_323, %lt3A_325 : i1
      %and3A_327 = arith.andi %ne3A_326, %ne3A_321 : i1
      %add3A_328 = arith.addi %rem3A_319, %select_n3A_318 : i32
      %select_n3A_329 = arith.select %and3A_327, %add3A_328, %rem3A_319 : i32
      %mul3A_330 = arith.constant 4096 : i32
      %mul3A_331 = arith.muli %select_n3A_329, %mul3A_330 : i32
      %add3A_332 = arith.addi %mul3A_331, %mul3A_2 : i32
      %jit3A_333 = arith.constant 4 : i32
      %div3A_334 = arith.divsi %add3A_239, %jit3A_333 : i32
      %sign3A_335 = arith.constant 0 : i32
      %sign3A_336 = arith.cmpi sgt, %add3A_239, %sign3A_335 : i32
      %sign3A_337 = arith.extui %sign3A_336 : i1 to i32
      %sign3A_338 = arith.constant 0 : i32
      %sign3A_339 = arith.cmpi slt, %add3A_239, %sign3A_338 : i32
      %sign3A_340 = arith.extui %sign3A_339 : i1 to i32
      %sign3A_341 = arith.subi %sign3A_337, %sign3A_340 : i32
      %sign3A_342 = arith.constant 0 : i32
      %sign3A_343 = arith.cmpi sgt, %jit3A_333, %sign3A_342 : i32
      %sign3A_344 = arith.extui %sign3A_343 : i1 to i32
      %sign3A_345 = arith.constant 0 : i32
      %sign3A_346 = arith.cmpi slt, %jit3A_333, %sign3A_345 : i32
      %sign3A_347 = arith.extui %sign3A_346 : i1 to i32
      %sign3A_348 = arith.subi %sign3A_344, %sign3A_347 : i32
      %ne3A_349 = arith.cmpi ne, %sign3A_341, %sign3A_348 : i32
      %rem3A_350 = arith.remsi %add3A_239, %jit3A_333 : i32
      %ne3A_351 = arith.constant 0 : i32
      %ne3A_352 = arith.cmpi ne, %rem3A_350, %ne3A_351 : i32
      %and3A_353 = arith.andi %ne3A_349, %ne3A_352 : i1
      %sub3A_354 = arith.constant 1 : i32
      %sub3A_355 = arith.subi %div3A_334, %sub3A_354 : i32
      %select_n3A_356 = arith.select %and3A_353, %sub3A_355, %div3A_334 : i32
      %mul3A_357 = arith.constant 16 : i32
      %mul3A_358 = arith.muli %select_n3A_356, %mul3A_357 : i32
      %add3A_359 = arith.addi %add3A_332, %mul3A_358 : i32
      %dma_start3A_360 = arith.constant 1 : i32
      %dma_start3A_361 = arith.constant 0 : i32
      %dma_start3A_362 = arith.constant 0 : i32
      %dma_start3A_363 = tpu.memref_slice %arg5[%dma_start3A_360, %dma_start3A_361, %dma_start3A_362] : memref<4x16x1024xf32, #tpu.memory_space<vmem>> -> memref<1x16x1024xf32, #tpu.memory_space<vmem>>
      %dma_start3A_364 = tpu.memref_squeeze %dma_start3A_363 : memref<1x16x1024xf32, #tpu.memory_space<vmem>> -> memref<16x1024xf32, #tpu.memory_space<vmem>>
      %dma_start3A_365 = arith.constant 0 : i32
      %dma_start3A_366 = tpu.memref_slice %arg4[%add3A_359, %dma_start3A_365] : memref<16384x1024xf32, #tpu.memory_space<hbm>> -> memref<16x1024xf32, #tpu.memory_space<hbm>>
      %dma_start3A_367 = arith.constant 0 : i32
      %dma_start3A_368 = tpu.memref_slice %arg4[%add3A_359, %dma_start3A_367] : memref<16384x1024xf32, #tpu.memory_space<hbm>> -> memref<16x1024xf32, #tpu.memory_space<hbm>>
      %dma_start3A_369 = arith.constant 0 : i32
      %dma_start3A_370 = arith.constant 0 : i32
      %dma_start3A_371 = tpu.memref_slice %arg5[%dma_start3A_360, %dma_start3A_369, %dma_start3A_370] : memref<4x16x1024xf32, #tpu.memory_space<vmem>> -> memref<1x16x1024xf32, #tpu.memory_space<vmem>>
      %dma_start3A_372 = tpu.memref_squeeze %dma_start3A_371 : memref<1x16x1024xf32, #tpu.memory_space<vmem>> -> memref<16x1024xf32, #tpu.memory_space<vmem>>
      tpu.enqueue_dma source(%dma_start3A_372 : memref<16x1024xf32, #tpu.memory_space<vmem>>) target(%dma_start3A_368 : memref<16x1024xf32, #tpu.memory_space<hbm>>) target_semaphore(%arg14 : memref<!tpu.dma_semaphore, #tpu.memory_space<semaphore_mem>>)
      %mul3A_373 = arith.constant 4 : i32
      %mul3A_374 = arith.muli %add3A_96, %mul3A_373 : i32
      %add3A_375 = arith.constant 2 : i32
      %add3A_376 = arith.addi %mul3A_374, %add3A_375 : i32
      %ge3A_377 = arith.constant 2 : i32
      %ge3A_378 = arith.cmpi sge, %add3A_376, %ge3A_377 : i32
      %convert_element_type3A_379 = arith.extui %ge3A_378 : i1 to i32
      %cond3A_380 = arith.constant 0 : i32
      %cond3A_381 = arith.cmpi ne, %convert_element_type3A_379, %cond3A_380 : i32
      scf.if %cond3A_381 {
        %sub3A_1229 = arith.constant 2 : i32
        %sub3A_1230 = arith.subi %add3A_376, %sub3A_1229 : i32
        %jit3A_1231 = arith.constant 4 : i32
        %eq3A_1232 = arith.constant 0 : i32
        %eq3A_1233 = arith.cmpi eq, %jit3A_1231, %eq3A_1232 : i32
        %jit3A_1234 = arith.constant 1 : i32
        %select_n3A_1235 = arith.select %eq3A_1233, %jit3A_1234, %jit3A_1231 : i32
        %rem3A_1236 = arith.remsi %sub3A_1230, %select_n3A_1235 : i32
        %ne3A_1237 = arith.constant 0 : i32
        %ne3A_1238 = arith.cmpi ne, %rem3A_1236, %ne3A_1237 : i32
        %lt3A_1239 = arith.constant 0 : i32
        %lt3A_1240 = arith.cmpi slt, %rem3A_1236, %lt3A_1239 : i32
        %lt3A_1241 = arith.constant 0 : i32
        %lt3A_1242 = arith.cmpi slt, %select_n3A_1235, %lt3A_1241 : i32
        %ne3A_1243 = arith.xori %lt3A_1240, %lt3A_1242 : i1
        %and3A_1244 = arith.andi %ne3A_1243, %ne3A_1238 : i1
        %add3A_1245 = arith.addi %rem3A_1236, %select_n3A_1235 : i32
        %select_n3A_1246 = arith.select %and3A_1244, %add3A_1245, %rem3A_1236 : i32
        %mul3A_1247 = arith.constant 4096 : i32
        %mul3A_1248 = arith.muli %select_n3A_1246, %mul3A_1247 : i32
        %add3A_1249 = arith.addi %mul3A_1248, %mul3A_2 : i32
        %jit3A_1250 = arith.constant 4 : i32
        %div3A_1251 = arith.divsi %sub3A_1230, %jit3A_1250 : i32
        %sign3A_1252 = arith.constant 0 : i32
        %sign3A_1253 = arith.cmpi sgt, %sub3A_1230, %sign3A_1252 : i32
        %sign3A_1254 = arith.extui %sign3A_1253 : i1 to i32
        %sign3A_1255 = arith.constant 0 : i32
        %sign3A_1256 = arith.cmpi slt, %sub3A_1230, %sign3A_1255 : i32
        %sign3A_1257 = arith.extui %sign3A_1256 : i1 to i32
        %sign3A_1258 = arith.subi %sign3A_1254, %sign3A_1257 : i32
        %sign3A_1259 = arith.constant 0 : i32
        %sign3A_1260 = arith.cmpi sgt, %jit3A_1250, %sign3A_1259 : i32
        %sign3A_1261 = arith.extui %sign3A_1260 : i1 to i32
        %sign3A_1262 = arith.constant 0 : i32
        %sign3A_1263 = arith.cmpi slt, %jit3A_1250, %sign3A_1262 : i32
        %sign3A_1264 = arith.extui %sign3A_1263 : i1 to i32
        %sign3A_1265 = arith.subi %sign3A_1261, %sign3A_1264 : i32
        %ne3A_1266 = arith.cmpi ne, %sign3A_1258, %sign3A_1265 : i32
        %rem3A_1267 = arith.remsi %sub3A_1230, %jit3A_1250 : i32
        %ne3A_1268 = arith.constant 0 : i32
        %ne3A_1269 = arith.cmpi ne, %rem3A_1267, %ne3A_1268 : i32
        %and3A_1270 = arith.andi %ne3A_1266, %ne3A_1269 : i1
        %sub3A_1271 = arith.constant 1 : i32
        %sub3A_1272 = arith.subi %div3A_1251, %sub3A_1271 : i32
        %select_n3A_1273 = arith.select %and3A_1270, %sub3A_1272, %div3A_1251 : i32
        %mul3A_1274 = arith.constant 16 : i32
        %mul3A_1275 = arith.muli %select_n3A_1273, %mul3A_1274 : i32
        %add3A_1276 = arith.addi %add3A_1249, %mul3A_1275 : i32
        %dma_wait3A_1277 = arith.constant 0 : i32
        %dma_wait3A_1278 = arith.constant 0 : i32
        %dma_wait3A_1279 = arith.constant 0 : i32
        %dma_wait3A_1280 = tpu.memref_slice %arg5[%dma_wait3A_1277, %dma_wait3A_1278, %dma_wait3A_1279] : memref<4x16x1024xf32, #tpu.memory_space<vmem>> -> memref<1x16x1024xf32, #tpu.memory_space<vmem>>
        %dma_wait3A_1281 = tpu.memref_squeeze %dma_wait3A_1280 : memref<1x16x1024xf32, #tpu.memory_space<vmem>> -> memref<16x1024xf32, #tpu.memory_space<vmem>>
        %dma_wait3A_1282 = arith.constant 0 : i32
        %dma_wait3A_1283 = tpu.memref_slice %arg4[%add3A_1276, %dma_wait3A_1282] : memref<16384x1024xf32, #tpu.memory_space<hbm>> -> memref<16x1024xf32, #tpu.memory_space<hbm>>
        %dma_wait3A_1284 = arith.constant 0 : i32
        %dma_wait3A_1285 = tpu.memref_slice %arg4[%add3A_1276, %dma_wait3A_1284] : memref<16384x1024xf32, #tpu.memory_space<hbm>> -> memref<16x1024xf32, #tpu.memory_space<hbm>>
        %dma_wait3A_1286 = arith.constant 0 : i32
        %dma_wait3A_1287 = arith.constant 0 : i32
        %dma_wait3A_1288 = tpu.memref_slice %arg5[%dma_wait3A_1277, %dma_wait3A_1286, %dma_wait3A_1287] : memref<4x16x1024xf32, #tpu.memory_space<vmem>> -> memref<1x16x1024xf32, #tpu.memory_space<vmem>>
        %dma_wait3A_1289 = tpu.memref_squeeze %dma_wait3A_1288 : memref<1x16x1024xf32, #tpu.memory_space<vmem>> -> memref<16x1024xf32, #tpu.memory_space<vmem>>
        tpu.wait_dma2 semaphore(%arg13 : memref<!tpu.dma_semaphore, #tpu.memory_space<semaphore_mem>>) src(%dma_wait3A_1289 : memref<16x1024xf32, #tpu.memory_space<vmem>>) dst(%dma_wait3A_1285 : memref<16x1024xf32, #tpu.memory_space<hbm>>)
      } else {
      }
      %add3A_382 = arith.constant 2 : i32
      %add3A_383 = arith.addi %add3A_376, %add3A_382 : i32
      %lt3A_384 = arith.constant 32 : i32
      %lt3A_385 = arith.cmpi slt, %add3A_383, %lt3A_384 : i32
      %convert_element_type3A_386 = arith.extui %lt3A_385 : i1 to i32
      %cond3A_387 = arith.constant 0 : i32
      %cond3A_388 = arith.cmpi ne, %convert_element_type3A_386, %cond3A_387 : i32
      scf.if %cond3A_388 {
        %add3A_1229 = arith.constant 2 : i32
        %add3A_1230 = arith.addi %add3A_376, %add3A_1229 : i32
        %jit3A_1231 = arith.constant 4 : i32
        %eq3A_1232 = arith.constant 0 : i32
        %eq3A_1233 = arith.cmpi eq, %jit3A_1231, %eq3A_1232 : i32
        %jit3A_1234 = arith.constant 1 : i32
        %select_n3A_1235 = arith.select %eq3A_1233, %jit3A_1234, %jit3A_1231 : i32
        %rem3A_1236 = arith.remsi %add3A_1230, %select_n3A_1235 : i32
        %ne3A_1237 = arith.constant 0 : i32
        %ne3A_1238 = arith.cmpi ne, %rem3A_1236, %ne3A_1237 : i32
        %lt3A_1239 = arith.constant 0 : i32
        %lt3A_1240 = arith.cmpi slt, %rem3A_1236, %lt3A_1239 : i32
        %lt3A_1241 = arith.constant 0 : i32
        %lt3A_1242 = arith.cmpi slt, %select_n3A_1235, %lt3A_1241 : i32
        %ne3A_1243 = arith.xori %lt3A_1240, %lt3A_1242 : i1
        %and3A_1244 = arith.andi %ne3A_1243, %ne3A_1238 : i1
        %add3A_1245 = arith.addi %rem3A_1236, %select_n3A_1235 : i32
        %select_n3A_1246 = arith.select %and3A_1244, %add3A_1245, %rem3A_1236 : i32
        %mul3A_1247 = arith.constant 4096 : i32
        %mul3A_1248 = arith.muli %select_n3A_1246, %mul3A_1247 : i32
        %add3A_1249 = arith.addi %mul3A_1248, %mul3A_2 : i32
        %jit3A_1250 = arith.constant 4 : i32
        %div3A_1251 = arith.divsi %add3A_1230, %jit3A_1250 : i32
        %sign3A_1252 = arith.constant 0 : i32
        %sign3A_1253 = arith.cmpi sgt, %add3A_1230, %sign3A_1252 : i32
        %sign3A_1254 = arith.extui %sign3A_1253 : i1 to i32
        %sign3A_1255 = arith.constant 0 : i32
        %sign3A_1256 = arith.cmpi slt, %add3A_1230, %sign3A_1255 : i32
        %sign3A_1257 = arith.extui %sign3A_1256 : i1 to i32
        %sign3A_1258 = arith.subi %sign3A_1254, %sign3A_1257 : i32
        %sign3A_1259 = arith.constant 0 : i32
        %sign3A_1260 = arith.cmpi sgt, %jit3A_1250, %sign3A_1259 : i32
        %sign3A_1261 = arith.extui %sign3A_1260 : i1 to i32
        %sign3A_1262 = arith.constant 0 : i32
        %sign3A_1263 = arith.cmpi slt, %jit3A_1250, %sign3A_1262 : i32
        %sign3A_1264 = arith.extui %sign3A_1263 : i1 to i32
        %sign3A_1265 = arith.subi %sign3A_1261, %sign3A_1264 : i32
        %ne3A_1266 = arith.cmpi ne, %sign3A_1258, %sign3A_1265 : i32
        %rem3A_1267 = arith.remsi %add3A_1230, %jit3A_1250 : i32
        %ne3A_1268 = arith.constant 0 : i32
        %ne3A_1269 = arith.cmpi ne, %rem3A_1267, %ne3A_1268 : i32
        %and3A_1270 = arith.andi %ne3A_1266, %ne3A_1269 : i1
        %sub3A_1271 = arith.constant 1 : i32
        %sub3A_1272 = arith.subi %div3A_1251, %sub3A_1271 : i32
        %select_n3A_1273 = arith.select %and3A_1270, %sub3A_1272, %div3A_1251 : i32
        %mul3A_1274 = arith.constant 16 : i32
        %mul3A_1275 = arith.muli %select_n3A_1273, %mul3A_1274 : i32
        %add3A_1276 = arith.addi %add3A_1249, %mul3A_1275 : i32
        %dma_start3A_1277 = arith.constant 0 : i32
        %dma_start3A_1278 = arith.constant 0 : i32
        %dma_start3A_1279 = arith.constant 0 : i32
        %dma_start3A_1280 = tpu.memref_slice %arg5[%dma_start3A_1277, %dma_start3A_1278, %dma_start3A_1279] : memref<4x16x1024xf32, #tpu.memory_space<vmem>> -> memref<1x16x1024xf32, #tpu.memory_space<vmem>>
        %dma_start3A_1281 = tpu.memref_squeeze %dma_start3A_1280 : memref<1x16x1024xf32, #tpu.memory_space<vmem>> -> memref<16x1024xf32, #tpu.memory_space<vmem>>
        %dma_start3A_1282 = arith.constant 0 : i32
        %dma_start3A_1283 = tpu.memref_slice %arg2[%add3A_1276, %dma_start3A_1282] : memref<16384x1024xf32, #tpu.memory_space<hbm>> -> memref<16x1024xf32, #tpu.memory_space<hbm>>
        %dma_start3A_1284 = arith.constant 0 : i32
        %dma_start3A_1285 = arith.constant 0 : i32
        %dma_start3A_1286 = tpu.memref_slice %arg5[%dma_start3A_1277, %dma_start3A_1284, %dma_start3A_1285] : memref<4x16x1024xf32, #tpu.memory_space<vmem>> -> memref<1x16x1024xf32, #tpu.memory_space<vmem>>
        %dma_start3A_1287 = tpu.memref_squeeze %dma_start3A_1286 : memref<1x16x1024xf32, #tpu.memory_space<vmem>> -> memref<16x1024xf32, #tpu.memory_space<vmem>>
        %dma_start3A_1288 = arith.constant 0 : i32
        %dma_start3A_1289 = tpu.memref_slice %arg2[%add3A_1276, %dma_start3A_1288] : memref<16384x1024xf32, #tpu.memory_space<hbm>> -> memref<16x1024xf32, #tpu.memory_space<hbm>>
        tpu.enqueue_dma source(%dma_start3A_1289 : memref<16x1024xf32, #tpu.memory_space<hbm>>) target(%dma_start3A_1287 : memref<16x1024xf32, #tpu.memory_space<vmem>>) target_semaphore(%arg7 : memref<!tpu.dma_semaphore, #tpu.memory_space<semaphore_mem>>)
      } else {
      }
      %jit3A_389 = arith.constant 4 : i32
      %eq3A_390 = arith.constant 0 : i32
      %eq3A_391 = arith.cmpi eq, %jit3A_389, %eq3A_390 : i32
      %jit3A_392 = arith.constant 1 : i32
      %select_n3A_393 = arith.select %eq3A_391, %jit3A_392, %jit3A_389 : i32
      %rem3A_394 = arith.remsi %add3A_376, %select_n3A_393 : i32
      %ne3A_395 = arith.constant 0 : i32
      %ne3A_396 = arith.cmpi ne, %rem3A_394, %ne3A_395 : i32
      %lt3A_397 = arith.constant 0 : i32
      %lt3A_398 = arith.cmpi slt, %rem3A_394, %lt3A_397 : i32
      %lt3A_399 = arith.constant 0 : i32
      %lt3A_400 = arith.cmpi slt, %select_n3A_393, %lt3A_399 : i32
      %ne3A_401 = arith.xori %lt3A_398, %lt3A_400 : i1
      %and3A_402 = arith.andi %ne3A_401, %ne3A_396 : i1
      %add3A_403 = arith.addi %rem3A_394, %select_n3A_393 : i32
      %select_n3A_404 = arith.select %and3A_402, %add3A_403, %rem3A_394 : i32
      %mul3A_405 = arith.constant 4096 : i32
      %mul3A_406 = arith.muli %select_n3A_404, %mul3A_405 : i32
      %add3A_407 = arith.addi %mul3A_406, %mul3A_2 : i32
      %jit3A_408 = arith.constant 4 : i32
      %div3A_409 = arith.divsi %add3A_376, %jit3A_408 : i32
      %sign3A_410 = arith.constant 0 : i32
      %sign3A_411 = arith.cmpi sgt, %add3A_376, %sign3A_410 : i32
      %sign3A_412 = arith.extui %sign3A_411 : i1 to i32
      %sign3A_413 = arith.constant 0 : i32
      %sign3A_414 = arith.cmpi slt, %add3A_376, %sign3A_413 : i32
      %sign3A_415 = arith.extui %sign3A_414 : i1 to i32
      %sign3A_416 = arith.subi %sign3A_412, %sign3A_415 : i32
      %sign3A_417 = arith.constant 0 : i32
      %sign3A_418 = arith.cmpi sgt, %jit3A_408, %sign3A_417 : i32
      %sign3A_419 = arith.extui %sign3A_418 : i1 to i32
      %sign3A_420 = arith.constant 0 : i32
      %sign3A_421 = arith.cmpi slt, %jit3A_408, %sign3A_420 : i32
      %sign3A_422 = arith.extui %sign3A_421 : i1 to i32
      %sign3A_423 = arith.subi %sign3A_419, %sign3A_422 : i32
      %ne3A_424 = arith.cmpi ne, %sign3A_416, %sign3A_423 : i32
      %rem3A_425 = arith.remsi %add3A_376, %jit3A_408 : i32
      %ne3A_426 = arith.constant 0 : i32
      %ne3A_427 = arith.cmpi ne, %rem3A_425, %ne3A_426 : i32
      %and3A_428 = arith.andi %ne3A_424, %ne3A_427 : i1
      %sub3A_429 = arith.constant 1 : i32
      %sub3A_430 = arith.subi %div3A_409, %sub3A_429 : i32
      %select_n3A_431 = arith.select %and3A_428, %sub3A_430, %div3A_409 : i32
      %mul3A_432 = arith.constant 16 : i32
      %mul3A_433 = arith.muli %select_n3A_431, %mul3A_432 : i32
      %add3A_434 = arith.addi %add3A_407, %mul3A_433 : i32
      %dma_wait3A_435 = arith.constant 2 : i32
      %dma_wait3A_436 = arith.constant 0 : i32
      %dma_wait3A_437 = arith.constant 0 : i32
      %dma_wait3A_438 = tpu.memref_slice %arg5[%dma_wait3A_435, %dma_wait3A_436, %dma_wait3A_437] : memref<4x16x1024xf32, #tpu.memory_space<vmem>> -> memref<1x16x1024xf32, #tpu.memory_space<vmem>>
      %dma_wait3A_439 = tpu.memref_squeeze %dma_wait3A_438 : memref<1x16x1024xf32, #tpu.memory_space<vmem>> -> memref<16x1024xf32, #tpu.memory_space<vmem>>
      %dma_wait3A_440 = arith.constant 0 : i32
      %dma_wait3A_441 = tpu.memref_slice %arg2[%add3A_434, %dma_wait3A_440] : memref<16384x1024xf32, #tpu.memory_space<hbm>> -> memref<16x1024xf32, #tpu.memory_space<hbm>>
      %dma_wait3A_442 = arith.constant 0 : i32
      %dma_wait3A_443 = arith.constant 0 : i32
      %dma_wait3A_444 = tpu.memref_slice %arg5[%dma_wait3A_435, %dma_wait3A_442, %dma_wait3A_443] : memref<4x16x1024xf32, #tpu.memory_space<vmem>> -> memref<1x16x1024xf32, #tpu.memory_space<vmem>>
      %dma_wait3A_445 = tpu.memref_squeeze %dma_wait3A_444 : memref<1x16x1024xf32, #tpu.memory_space<vmem>> -> memref<16x1024xf32, #tpu.memory_space<vmem>>
      %dma_wait3A_446 = arith.constant 0 : i32
      %dma_wait3A_447 = tpu.memref_slice %arg2[%add3A_434, %dma_wait3A_446] : memref<16384x1024xf32, #tpu.memory_space<hbm>> -> memref<16x1024xf32, #tpu.memory_space<hbm>>
      tpu.wait_dma2 semaphore(%arg9 : memref<!tpu.dma_semaphore, #tpu.memory_space<semaphore_mem>>) src(%dma_wait3A_447 : memref<16x1024xf32, #tpu.memory_space<hbm>>) dst(%dma_wait3A_445 : memref<16x1024xf32, #tpu.memory_space<vmem>>)
      %parallel_loop3A_448 = arith.constant 0 : i32
      %parallel_loop3A_449 = arith.constant 1024 : i32
      %parallel_loop3A_450 = arith.constant 1 : i32
      scf.for %parallel_loop3A_1229 = %parallel_loop3A_448 to %parallel_loop3A_449 step %parallel_loop3A_450  : i32 {
        %parallel_loop3A_1230 = arith.constant 64 : i32
        %parallel_loop3A_1231 = arith.divsi %parallel_loop3A_1229, %parallel_loop3A_1230 : i32
        %parallel_loop3A_1232 = arith.constant 0 : i32
        %parallel_loop3A_1233 = arith.cmpi sgt, %parallel_loop3A_1229, %parallel_loop3A_1232 : i32
        %parallel_loop3A_1234 = arith.extui %parallel_loop3A_1233 : i1 to i32
        %parallel_loop3A_1235 = arith.constant 0 : i32
        %parallel_loop3A_1236 = arith.cmpi slt, %parallel_loop3A_1229, %parallel_loop3A_1235 : i32
        %parallel_loop3A_1237 = arith.extui %parallel_loop3A_1236 : i1 to i32
        %parallel_loop3A_1238 = arith.subi %parallel_loop3A_1234, %parallel_loop3A_1237 : i32
        %parallel_loop3A_1239 = arith.constant 0 : i32
        %parallel_loop3A_1240 = arith.cmpi sgt, %parallel_loop3A_1230, %parallel_loop3A_1239 : i32
        %parallel_loop3A_1241 = arith.extui %parallel_loop3A_1240 : i1 to i32
        %parallel_loop3A_1242 = arith.constant 0 : i32
        %parallel_loop3A_1243 = arith.cmpi slt, %parallel_loop3A_1230, %parallel_loop3A_1242 : i32
        %parallel_loop3A_1244 = arith.extui %parallel_loop3A_1243 : i1 to i32
        %parallel_loop3A_1245 = arith.subi %parallel_loop3A_1241, %parallel_loop3A_1244 : i32
        %parallel_loop3A_1246 = arith.cmpi ne, %parallel_loop3A_1238, %parallel_loop3A_1245 : i32
        %parallel_loop3A_1247 = arith.remsi %parallel_loop3A_1229, %parallel_loop3A_1230 : i32
        %parallel_loop3A_1248 = arith.constant 0 : i32
        %parallel_loop3A_1249 = arith.cmpi ne, %parallel_loop3A_1247, %parallel_loop3A_1248 : i32
        %parallel_loop3A_1250 = arith.andi %parallel_loop3A_1246, %parallel_loop3A_1249 : i1
        %parallel_loop3A_1251 = arith.constant 1 : i32
        %parallel_loop3A_1252 = arith.subi %parallel_loop3A_1231, %parallel_loop3A_1251 : i32
        %parallel_loop3A_1253 = arith.select %parallel_loop3A_1250, %parallel_loop3A_1252, %parallel_loop3A_1231 : i32
        %parallel_loop3A_1254 = arith.constant 64 : i32
        %parallel_loop3A_1255 = arith.constant 0 : i32
        %parallel_loop3A_1256 = arith.cmpi eq, %parallel_loop3A_1254, %parallel_loop3A_1255 : i32
        %parallel_loop3A_1257 = arith.constant 1 : i32
        %parallel_loop3A_1258 = arith.select %parallel_loop3A_1256, %parallel_loop3A_1257, %parallel_loop3A_1254 : i32
        %parallel_loop3A_1259 = arith.remsi %parallel_loop3A_1229, %parallel_loop3A_1258 : i32
        %parallel_loop3A_1260 = arith.constant 0 : i32
        %parallel_loop3A_1261 = arith.cmpi ne, %parallel_loop3A_1259, %parallel_loop3A_1260 : i32
        %parallel_loop3A_1262 = arith.constant 0 : i32
        %parallel_loop3A_1263 = arith.cmpi slt, %parallel_loop3A_1259, %parallel_loop3A_1262 : i32
        %parallel_loop3A_1264 = arith.constant 0 : i32
        %parallel_loop3A_1265 = arith.cmpi slt, %parallel_loop3A_1258, %parallel_loop3A_1264 : i32
        %parallel_loop3A_1266 = arith.xori %parallel_loop3A_1263, %parallel_loop3A_1265 : i1
        %parallel_loop3A_1267 = arith.andi %parallel_loop3A_1266, %parallel_loop3A_1261 : i1
        %parallel_loop3A_1268 = arith.addi %parallel_loop3A_1259, %parallel_loop3A_1258 : i32
        %parallel_loop3A_1269 = arith.select %parallel_loop3A_1267, %parallel_loop3A_1268, %parallel_loop3A_1259 : i32
        %parallel_loop3A_1270 = arith.constant 16 : i32
        %parallel_loop3A_1271 = arith.muli %parallel_loop3A_1269, %parallel_loop3A_1270 : i32
        %parallel_loop3A_1272 = arith.constant 0 : i32
        %parallel_loop3A_1273 = arith.index_cast %parallel_loop3A_1272 : i32 to index
        %parallel_loop3A_1274 = arith.index_cast %parallel_loop3A_1253 : i32 to index
        %parallel_loop3A_1275 = arith.index_cast %parallel_loop3A_1271 : i32 to index
        %parallel_loop3A_1276 = tpu.vector_load %arg6[%parallel_loop3A_1273, %parallel_loop3A_1274, %parallel_loop3A_1275] {strides = array<i32>} : memref<2x16x1024xf32, #tpu.memory_space<vmem>>, vector<1x1x16xf32>,
        %parallel_loop3A_1277 = vector.shape_cast %parallel_loop3A_1276 : vector<1x1x16xf32> to vector<16xf32>
        %parallel_loop3A_1278 = arith.constant 2 : i32
        %parallel_loop3A_1279 = arith.index_cast %parallel_loop3A_1278 : i32 to index
        %parallel_loop3A_1280 = arith.index_cast %parallel_loop3A_1253 : i32 to index
        %parallel_loop3A_1281 = arith.index_cast %parallel_loop3A_1271 : i32 to index
        %parallel_loop3A_1282 = tpu.vector_load %arg5[%parallel_loop3A_1279, %parallel_loop3A_1280, %parallel_loop3A_1281] {strides = array<i32>} : memref<4x16x1024xf32, #tpu.memory_space<vmem>>, vector<1x1x16xf32>,
        %parallel_loop3A_1283 = vector.shape_cast %parallel_loop3A_1282 : vector<1x1x16xf32> to vector<16xf32>
        %parallel_loop3A_1284 = vector.shape_cast %parallel_loop3A_1277 : vector<16xf32> to vector<1x1x16xf32>
        tpu.vector_store %arg5[%parallel_loop3A_1279, %parallel_loop3A_1280, %parallel_loop3A_1281], %parallel_loop3A_1284 {add = true, strides = array<i32>} : memref<4x16x1024xf32, #tpu.memory_space<vmem>>, vector<1x1x16xf32>,
      } {sc.loop_unroll_factor = 8 : i64, sc.parallel_access}
      %jit3A_451 = arith.constant 4 : i32
      %eq3A_452 = arith.constant 0 : i32
      %eq3A_453 = arith.cmpi eq, %jit3A_451, %eq3A_452 : i32
      %jit3A_454 = arith.constant 1 : i32
      %select_n3A_455 = arith.select %eq3A_453, %jit3A_454, %jit3A_451 : i32
      %rem3A_456 = arith.remsi %add3A_376, %select_n3A_455 : i32
      %ne3A_457 = arith.constant 0 : i32
      %ne3A_458 = arith.cmpi ne, %rem3A_456, %ne3A_457 : i32
      %lt3A_459 = arith.constant 0 : i32
      %lt3A_460 = arith.cmpi slt, %rem3A_456, %lt3A_459 : i32
      %lt3A_461 = arith.constant 0 : i32
      %lt3A_462 = arith.cmpi slt, %select_n3A_455, %lt3A_461 : i32
      %ne3A_463 = arith.xori %lt3A_460, %lt3A_462 : i1
      %and3A_464 = arith.andi %ne3A_463, %ne3A_458 : i1
      %add3A_465 = arith.addi %rem3A_456, %select_n3A_455 : i32
      %select_n3A_466 = arith.select %and3A_464, %add3A_465, %rem3A_456 : i32
      %mul3A_467 = arith.constant 4096 : i32
      %mul3A_468 = arith.muli %select_n3A_466, %mul3A_467 : i32
      %add3A_469 = arith.addi %mul3A_468, %mul3A_2 : i32
      %jit3A_470 = arith.constant 4 : i32
      %div3A_471 = arith.divsi %add3A_376, %jit3A_470 : i32
      %sign3A_472 = arith.constant 0 : i32
      %sign3A_473 = arith.cmpi sgt, %add3A_376, %sign3A_472 : i32
      %sign3A_474 = arith.extui %sign3A_473 : i1 to i32
      %sign3A_475 = arith.constant 0 : i32
      %sign3A_476 = arith.cmpi slt, %add3A_376, %sign3A_475 : i32
      %sign3A_477 = arith.extui %sign3A_476 : i1 to i32
      %sign3A_478 = arith.subi %sign3A_474, %sign3A_477 : i32
      %sign3A_479 = arith.constant 0 : i32
      %sign3A_480 = arith.cmpi sgt, %jit3A_470, %sign3A_479 : i32
      %sign3A_481 = arith.extui %sign3A_480 : i1 to i32
      %sign3A_482 = arith.constant 0 : i32
      %sign3A_483 = arith.cmpi slt, %jit3A_470, %sign3A_482 : i32
      %sign3A_484 = arith.extui %sign3A_483 : i1 to i32
      %sign3A_485 = arith.subi %sign3A_481, %sign3A_484 : i32
      %ne3A_486 = arith.cmpi ne, %sign3A_478, %sign3A_485 : i32
      %rem3A_487 = arith.remsi %add3A_376, %jit3A_470 : i32
      %ne3A_488 = arith.constant 0 : i32
      %ne3A_489 = arith.cmpi ne, %rem3A_487, %ne3A_488 : i32
      %and3A_490 = arith.andi %ne3A_486, %ne3A_489 : i1
      %sub3A_491 = arith.constant 1 : i32
      %sub3A_492 = arith.subi %div3A_471, %sub3A_491 : i32
      %select_n3A_493 = arith.select %and3A_490, %sub3A_492, %div3A_471 : i32
      %mul3A_494 = arith.constant 16 : i32
      %mul3A_495 = arith.muli %select_n3A_493, %mul3A_494 : i32
      %add3A_496 = arith.addi %add3A_469, %mul3A_495 : i32
      %dma_start3A_497 = arith.constant 2 : i32
      %dma_start3A_498 = arith.constant 0 : i32
      %dma_start3A_499 = arith.constant 0 : i32
      %dma_start3A_500 = tpu.memref_slice %arg5[%dma_start3A_497, %dma_start3A_498, %dma_start3A_499] : memref<4x16x1024xf32, #tpu.memory_space<vmem>> -> memref<1x16x1024xf32, #tpu.memory_space<vmem>>
      %dma_start3A_501 = tpu.memref_squeeze %dma_start3A_500 : memref<1x16x1024xf32, #tpu.memory_space<vmem>> -> memref<16x1024xf32, #tpu.memory_space<vmem>>
      %dma_start3A_502 = arith.constant 0 : i32
      %dma_start3A_503 = tpu.memref_slice %arg4[%add3A_496, %dma_start3A_502] : memref<16384x1024xf32, #tpu.memory_space<hbm>> -> memref<16x1024xf32, #tpu.memory_space<hbm>>
      %dma_start3A_504 = arith.constant 0 : i32
      %dma_start3A_505 = tpu.memref_slice %arg4[%add3A_496, %dma_start3A_504] : memref<16384x1024xf32, #tpu.memory_space<hbm>> -> memref<16x1024xf32, #tpu.memory_space<hbm>>
      %dma_start3A_506 = arith.constant 0 : i32
      %dma_start3A_507 = arith.constant 0 : i32
      %dma_start3A_508 = tpu.memref_slice %arg5[%dma_start3A_497, %dma_start3A_506, %dma_start3A_507] : memref<4x16x1024xf32, #tpu.memory_space<vmem>> -> memref<1x16x1024xf32, #tpu.memory_space<vmem>>
      %dma_start3A_509 = tpu.memref_squeeze %dma_start3A_508 : memref<1x16x1024xf32, #tpu.memory_space<vmem>> -> memref<16x1024xf32, #tpu.memory_space<vmem>>
      tpu.enqueue_dma source(%dma_start3A_509 : memref<16x1024xf32, #tpu.memory_space<vmem>>) target(%dma_start3A_505 : memref<16x1024xf32, #tpu.memory_space<hbm>>) target_semaphore(%arg15 : memref<!tpu.dma_semaphore, #tpu.memory_space<semaphore_mem>>)
      %mul3A_510 = arith.constant 4 : i32
      %mul3A_511 = arith.muli %add3A_96, %mul3A_510 : i32
      %add3A_512 = arith.constant 3 : i32
      %add3A_513 = arith.addi %mul3A_511, %add3A_512 : i32
      %ge3A_514 = arith.constant 2 : i32
      %ge3A_515 = arith.cmpi sge, %add3A_513, %ge3A_514 : i32
      %convert_element_type3A_516 = arith.extui %ge3A_515 : i1 to i32
      %cond3A_517 = arith.constant 0 : i32
      %cond3A_518 = arith.cmpi ne, %convert_element_type3A_516, %cond3A_517 : i32
      scf.if %cond3A_518 {
        %sub3A_1229 = arith.constant 2 : i32
        %sub3A_1230 = arith.subi %add3A_513, %sub3A_1229 : i32
        %jit3A_1231 = arith.constant 4 : i32
        %eq3A_1232 = arith.constant 0 : i32
        %eq3A_1233 = arith.cmpi eq, %jit3A_1231, %eq3A_1232 : i32
        %jit3A_1234 = arith.constant 1 : i32
        %select_n3A_1235 = arith.select %eq3A_1233, %jit3A_1234, %jit3A_1231 : i32
        %rem3A_1236 = arith.remsi %sub3A_1230, %select_n3A_1235 : i32
        %ne3A_1237 = arith.constant 0 : i32
        %ne3A_1238 = arith.cmpi ne, %rem3A_1236, %ne3A_1237 : i32
        %lt3A_1239 = arith.constant 0 : i32
        %lt3A_1240 = arith.cmpi slt, %rem3A_1236, %lt3A_1239 : i32
        %lt3A_1241 = arith.constant 0 : i32
        %lt3A_1242 = arith.cmpi slt, %select_n3A_1235, %lt3A_1241 : i32
        %ne3A_1243 = arith.xori %lt3A_1240, %lt3A_1242 : i1
        %and3A_1244 = arith.andi %ne3A_1243, %ne3A_1238 : i1
        %add3A_1245 = arith.addi %rem3A_1236, %select_n3A_1235 : i32
        %select_n3A_1246 = arith.select %and3A_1244, %add3A_1245, %rem3A_1236 : i32
        %mul3A_1247 = arith.constant 4096 : i32
        %mul3A_1248 = arith.muli %select_n3A_1246, %mul3A_1247 : i32
        %add3A_1249 = arith.addi %mul3A_1248, %mul3A_2 : i32
        %jit3A_1250 = arith.constant 4 : i32
        %div3A_1251 = arith.divsi %sub3A_1230, %jit3A_1250 : i32
        %sign3A_1252 = arith.constant 0 : i32
        %sign3A_1253 = arith.cmpi sgt, %sub3A_1230, %sign3A_1252 : i32
        %sign3A_1254 = arith.extui %sign3A_1253 : i1 to i32
        %sign3A_1255 = arith.constant 0 : i32
        %sign3A_1256 = arith.cmpi slt, %sub3A_1230, %sign3A_1255 : i32
        %sign3A_1257 = arith.extui %sign3A_1256 : i1 to i32
        %sign3A_1258 = arith.subi %sign3A_1254, %sign3A_1257 : i32
        %sign3A_1259 = arith.constant 0 : i32
        %sign3A_1260 = arith.cmpi sgt, %jit3A_1250, %sign3A_1259 : i32
        %sign3A_1261 = arith.extui %sign3A_1260 : i1 to i32
        %sign3A_1262 = arith.constant 0 : i32
        %sign3A_1263 = arith.cmpi slt, %jit3A_1250, %sign3A_1262 : i32
        %sign3A_1264 = arith.extui %sign3A_1263 : i1 to i32
        %sign3A_1265 = arith.subi %sign3A_1261, %sign3A_1264 : i32
        %ne3A_1266 = arith.cmpi ne, %sign3A_1258, %sign3A_1265 : i32
        %rem3A_1267 = arith.remsi %sub3A_1230, %jit3A_1250 : i32
        %ne3A_1268 = arith.constant 0 : i32
        %ne3A_1269 = arith.cmpi ne, %rem3A_1267, %ne3A_1268 : i32
        %and3A_1270 = arith.andi %ne3A_1266, %ne3A_1269 : i1
        %sub3A_1271 = arith.constant 1 : i32
        %sub3A_1272 = arith.subi %div3A_1251, %sub3A_1271 : i32
        %select_n3A_1273 = arith.select %and3A_1270, %sub3A_1272, %div3A_1251 : i32
        %mul3A_1274 = arith.constant 16 : i32
        %mul3A_1275 = arith.muli %select_n3A_1273, %mul3A_1274 : i32
        %add3A_1276 = arith.addi %add3A_1249, %mul3A_1275 : i32
        %dma_wait3A_1277 = arith.constant 1 : i32
        %dma_wait3A_1278 = arith.constant 0 : i32
        %dma_wait3A_1279 = arith.constant 0 : i32
        %dma_wait3A_1280 = tpu.memref_slice %arg5[%dma_wait3A_1277, %dma_wait3A_1278, %dma_wait3A_1279] : memref<4x16x1024xf32, #tpu.memory_space<vmem>> -> memref<1x16x1024xf32, #tpu.memory_space<vmem>>
        %dma_wait3A_1281 = tpu.memref_squeeze %dma_wait3A_1280 : memref<1x16x1024xf32, #tpu.memory_space<vmem>> -> memref<16x1024xf32, #tpu.memory_space<vmem>>
        %dma_wait3A_1282 = arith.constant 0 : i32
        %dma_wait3A_1283 = tpu.memref_slice %arg4[%add3A_1276, %dma_wait3A_1282] : memref<16384x1024xf32, #tpu.memory_space<hbm>> -> memref<16x1024xf32, #tpu.memory_space<hbm>>
        %dma_wait3A_1284 = arith.constant 0 : i32
        %dma_wait3A_1285 = tpu.memref_slice %arg4[%add3A_1276, %dma_wait3A_1284] : memref<16384x1024xf32, #tpu.memory_space<hbm>> -> memref<16x1024xf32, #tpu.memory_space<hbm>>
        %dma_wait3A_1286 = arith.constant 0 : i32
        %dma_wait3A_1287 = arith.constant 0 : i32
        %dma_wait3A_1288 = tpu.memref_slice %arg5[%dma_wait3A_1277, %dma_wait3A_1286, %dma_wait3A_1287] : memref<4x16x1024xf32, #tpu.memory_space<vmem>> -> memref<1x16x1024xf32, #tpu.memory_space<vmem>>
        %dma_wait3A_1289 = tpu.memref_squeeze %dma_wait3A_1288 : memref<1x16x1024xf32, #tpu.memory_space<vmem>> -> memref<16x1024xf32, #tpu.memory_space<vmem>>
        tpu.wait_dma2 semaphore(%arg14 : memref<!tpu.dma_semaphore, #tpu.memory_space<semaphore_mem>>) src(%dma_wait3A_1289 : memref<16x1024xf32, #tpu.memory_space<vmem>>) dst(%dma_wait3A_1285 : memref<16x1024xf32, #tpu.memory_space<hbm>>)
      } else {
      }
      %add3A_519 = arith.constant 2 : i32
      %add3A_520 = arith.addi %add3A_513, %add3A_519 : i32
      %lt3A_521 = arith.constant 32 : i32
      %lt3A_522 = arith.cmpi slt, %add3A_520, %lt3A_521 : i32
      %convert_element_type3A_523 = arith.extui %lt3A_522 : i1 to i32
      %cond3A_524 = arith.constant 0 : i32
      %cond3A_525 = arith.cmpi ne, %convert_element_type3A_523, %cond3A_524 : i32
      scf.if %cond3A_525 {
        %add3A_1229 = arith.constant 2 : i32
        %add3A_1230 = arith.addi %add3A_513, %add3A_1229 : i32
        %jit3A_1231 = arith.constant 4 : i32
        %eq3A_1232 = arith.constant 0 : i32
        %eq3A_1233 = arith.cmpi eq, %jit3A_1231, %eq3A_1232 : i32
        %jit3A_1234 = arith.constant 1 : i32
        %select_n3A_1235 = arith.select %eq3A_1233, %jit3A_1234, %jit3A_1231 : i32
        %rem3A_1236 = arith.remsi %add3A_1230, %select_n3A_1235 : i32
        %ne3A_1237 = arith.constant 0 : i32
        %ne3A_1238 = arith.cmpi ne, %rem3A_1236, %ne3A_1237 : i32
        %lt3A_1239 = arith.constant 0 : i32
        %lt3A_1240 = arith.cmpi slt, %rem3A_1236, %lt3A_1239 : i32
        %lt3A_1241 = arith.constant 0 : i32
        %lt3A_1242 = arith.cmpi slt, %select_n3A_1235, %lt3A_1241 : i32
        %ne3A_1243 = arith.xori %lt3A_1240, %lt3A_1242 : i1
        %and3A_1244 = arith.andi %ne3A_1243, %ne3A_1238 : i1
        %add3A_1245 = arith.addi %rem3A_1236, %select_n3A_1235 : i32
        %select_n3A_1246 = arith.select %and3A_1244, %add3A_1245, %rem3A_1236 : i32
        %mul3A_1247 = arith.constant 4096 : i32
        %mul3A_1248 = arith.muli %select_n3A_1246, %mul3A_1247 : i32
        %add3A_1249 = arith.addi %mul3A_1248, %mul3A_2 : i32
        %jit3A_1250 = arith.constant 4 : i32
        %div3A_1251 = arith.divsi %add3A_1230, %jit3A_1250 : i32
        %sign3A_1252 = arith.constant 0 : i32
        %sign3A_1253 = arith.cmpi sgt, %add3A_1230, %sign3A_1252 : i32
        %sign3A_1254 = arith.extui %sign3A_1253 : i1 to i32
        %sign3A_1255 = arith.constant 0 : i32
        %sign3A_1256 = arith.cmpi slt, %add3A_1230, %sign3A_1255 : i32
        %sign3A_1257 = arith.extui %sign3A_1256 : i1 to i32
        %sign3A_1258 = arith.subi %sign3A_1254, %sign3A_1257 : i32
        %sign3A_1259 = arith.constant 0 : i32
        %sign3A_1260 = arith.cmpi sgt, %jit3A_1250, %sign3A_1259 : i32
        %sign3A_1261 = arith.extui %sign3A_1260 : i1 to i32
        %sign3A_1262 = arith.constant 0 : i32
        %sign3A_1263 = arith.cmpi slt, %jit3A_1250, %sign3A_1262 : i32
        %sign3A_1264 = arith.extui %sign3A_1263 : i1 to i32
        %sign3A_1265 = arith.subi %sign3A_1261, %sign3A_1264 : i32
        %ne3A_1266 = arith.cmpi ne, %sign3A_1258, %sign3A_1265 : i32
        %rem3A_1267 = arith.remsi %add3A_1230, %jit3A_1250 : i32
        %ne3A_1268 = arith.constant 0 : i32
        %ne3A_1269 = arith.cmpi ne, %rem3A_1267, %ne3A_1268 : i32
        %and3A_1270 = arith.andi %ne3A_1266, %ne3A_1269 : i1
        %sub3A_1271 = arith.constant 1 : i32
        %sub3A_1272 = arith.subi %div3A_1251, %sub3A_1271 : i32
        %select_n3A_1273 = arith.select %and3A_1270, %sub3A_1272, %div3A_1251 : i32
        %mul3A_1274 = arith.constant 16 : i32
        %mul3A_1275 = arith.muli %select_n3A_1273, %mul3A_1274 : i32
        %add3A_1276 = arith.addi %add3A_1249, %mul3A_1275 : i32
        %dma_start3A_1277 = arith.constant 1 : i32
        %dma_start3A_1278 = arith.constant 0 : i32
        %dma_start3A_1279 = arith.constant 0 : i32
        %dma_start3A_1280 = tpu.memref_slice %arg5[%dma_start3A_1277, %dma_start3A_1278, %dma_start3A_1279] : memref<4x16x1024xf32, #tpu.memory_space<vmem>> -> memref<1x16x1024xf32, #tpu.memory_space<vmem>>
        %dma_start3A_1281 = tpu.memref_squeeze %dma_start3A_1280 : memref<1x16x1024xf32, #tpu.memory_space<vmem>> -> memref<16x1024xf32, #tpu.memory_space<vmem>>
        %dma_start3A_1282 = arith.constant 0 : i32
        %dma_start3A_1283 = tpu.memref_slice %arg2[%add3A_1276, %dma_start3A_1282] : memref<16384x1024xf32, #tpu.memory_space<hbm>> -> memref<16x1024xf32, #tpu.memory_space<hbm>>
        %dma_start3A_1284 = arith.constant 0 : i32
        %dma_start3A_1285 = arith.constant 0 : i32
        %dma_start3A_1286 = tpu.memref_slice %arg5[%dma_start3A_1277, %dma_start3A_1284, %dma_start3A_1285] : memref<4x16x1024xf32, #tpu.memory_space<vmem>> -> memref<1x16x1024xf32, #tpu.memory_space<vmem>>
        %dma_start3A_1287 = tpu.memref_squeeze %dma_start3A_1286 : memref<1x16x1024xf32, #tpu.memory_space<vmem>> -> memref<16x1024xf32, #tpu.memory_space<vmem>>
        %dma_start3A_1288 = arith.constant 0 : i32
        %dma_start3A_1289 = tpu.memref_slice %arg2[%add3A_1276, %dma_start3A_1288] : memref<16384x1024xf32, #tpu.memory_space<hbm>> -> memref<16x1024xf32, #tpu.memory_space<hbm>>
        tpu.enqueue_dma source(%dma_start3A_1289 : memref<16x1024xf32, #tpu.memory_space<hbm>>) target(%dma_start3A_1287 : memref<16x1024xf32, #tpu.memory_space<vmem>>) target_semaphore(%arg8 : memref<!tpu.dma_semaphore, #tpu.memory_space<semaphore_mem>>)
      } else {
      }
      %add3A_526 = arith.constant 1 : i32
      %add3A_527 = arith.addi %add3A_96, %add3A_526 : i32
      %lt3A_528 = arith.constant 8 : i32
      %lt3A_529 = arith.cmpi slt, %add3A_527, %lt3A_528 : i32
      %convert_element_type3A_530 = arith.extui %lt3A_529 : i1 to i32
      %cond3A_531 = arith.constant 0 : i32
      %cond3A_532 = arith.cmpi ne, %convert_element_type3A_530, %cond3A_531 : i32
      scf.if %cond3A_532 {
        %add3A_1229 = arith.constant 1 : i32
        %add3A_1230 = arith.addi %add3A_96, %add3A_1229 : i32
        %mul3A_1231 = arith.constant 16 : i32
        %mul3A_1232 = arith.muli %add3A_1230, %mul3A_1231 : i32
        %add3A_1233 = arith.addi %mul3A_2, %mul3A_1232 : i32
        %dma_start3A_1234 = arith.constant 1 : i32
        %dma_start3A_1235 = arith.constant 0 : i32
        %dma_start3A_1236 = arith.constant 0 : i32
        %dma_start3A_1237 = tpu.memref_slice %arg6[%dma_start3A_1234, %dma_start3A_1235, %dma_start3A_1236] : memref<2x16x1024xf32, #tpu.memory_space<vmem>> -> memref<1x16x1024xf32, #tpu.memory_space<vmem>>
        %dma_start3A_1238 = tpu.memref_squeeze %dma_start3A_1237 : memref<1x16x1024xf32, #tpu.memory_space<vmem>> -> memref<16x1024xf32, #tpu.memory_space<vmem>>
        %dma_start3A_1239 = arith.constant 0 : i32
        %dma_start3A_1240 = tpu.memref_slice %arg3[%add3A_1233, %dma_start3A_1239] : memref<4096x1024xf32, #tpu.memory_space<hbm>> -> memref<16x1024xf32, #tpu.memory_space<hbm>>
        %dma_start3A_1241 = arith.constant 0 : i32
        %dma_start3A_1242 = arith.constant 0 : i32
        %dma_start3A_1243 = tpu.memref_slice %arg6[%dma_start3A_1234, %dma_start3A_1241, %dma_start3A_1242] : memref<2x16x1024xf32, #tpu.memory_space<vmem>> -> memref<1x16x1024xf32, #tpu.memory_space<vmem>>
        %dma_start3A_1244 = tpu.memref_squeeze %dma_start3A_1243 : memref<1x16x1024xf32, #tpu.memory_space<vmem>> -> memref<16x1024xf32, #tpu.memory_space<vmem>>
        %dma_start3A_1245 = arith.constant 0 : i32
        %dma_start3A_1246 = tpu.memref_slice %arg3[%add3A_1233, %dma_start3A_1245] : memref<4096x1024xf32, #tpu.memory_space<hbm>> -> memref<16x1024xf32, #tpu.memory_space<hbm>>
        tpu.enqueue_dma source(%dma_start3A_1246 : memref<16x1024xf32, #tpu.memory_space<hbm>>) target(%dma_start3A_1244 : memref<16x1024xf32, #tpu.memory_space<vmem>>) target_semaphore(%arg12 : memref<!tpu.dma_semaphore, #tpu.memory_space<semaphore_mem>>)
      } else {
      }
      %jit3A_533 = arith.constant 4 : i32
      %eq3A_534 = arith.constant 0 : i32
      %eq3A_535 = arith.cmpi eq, %jit3A_533, %eq3A_534 : i32
      %jit3A_536 = arith.constant 1 : i32
      %select_n3A_537 = arith.select %eq3A_535, %jit3A_536, %jit3A_533 : i32
      %rem3A_538 = arith.remsi %add3A_513, %select_n3A_537 : i32
      %ne3A_539 = arith.constant 0 : i32
      %ne3A_540 = arith.cmpi ne, %rem3A_538, %ne3A_539 : i32
      %lt3A_541 = arith.constant 0 : i32
      %lt3A_542 = arith.cmpi slt, %rem3A_538, %lt3A_541 : i32
      %lt3A_543 = arith.constant 0 : i32
      %lt3A_544 = arith.cmpi slt, %select_n3A_537, %lt3A_543 : i32
      %ne3A_545 = arith.xori %lt3A_542, %lt3A_544 : i1
      %and3A_546 = arith.andi %ne3A_545, %ne3A_540 : i1
      %add3A_547 = arith.addi %rem3A_538, %select_n3A_537 : i32
      %select_n3A_548 = arith.select %and3A_546, %add3A_547, %rem3A_538 : i32
      %mul3A_549 = arith.constant 4096 : i32
      %mul3A_550 = arith.muli %select_n3A_548, %mul3A_549 : i32
      %add3A_551 = arith.addi %mul3A_550, %mul3A_2 : i32
      %jit3A_552 = arith.constant 4 : i32
      %div3A_553 = arith.divsi %add3A_513, %jit3A_552 : i32
      %sign3A_554 = arith.constant 0 : i32
      %sign3A_555 = arith.cmpi sgt, %add3A_513, %sign3A_554 : i32
      %sign3A_556 = arith.extui %sign3A_555 : i1 to i32
      %sign3A_557 = arith.constant 0 : i32
      %sign3A_558 = arith.cmpi slt, %add3A_513, %sign3A_557 : i32
      %sign3A_559 = arith.extui %sign3A_558 : i1 to i32
      %sign3A_560 = arith.subi %sign3A_556, %sign3A_559 : i32
      %sign3A_561 = arith.constant 0 : i32
      %sign3A_562 = arith.cmpi sgt, %jit3A_552, %sign3A_561 : i32
      %sign3A_563 = arith.extui %sign3A_562 : i1 to i32
      %sign3A_564 = arith.constant 0 : i32
      %sign3A_565 = arith.cmpi slt, %jit3A_552, %sign3A_564 : i32
      %sign3A_566 = arith.extui %sign3A_565 : i1 to i32
      %sign3A_567 = arith.subi %sign3A_563, %sign3A_566 : i32
      %ne3A_568 = arith.cmpi ne, %sign3A_560, %sign3A_567 : i32
      %rem3A_569 = arith.remsi %add3A_513, %jit3A_552 : i32
      %ne3A_570 = arith.constant 0 : i32
      %ne3A_571 = arith.cmpi ne, %rem3A_569, %ne3A_570 : i32
      %and3A_572 = arith.andi %ne3A_568, %ne3A_571 : i1
      %sub3A_573 = arith.constant 1 : i32
      %sub3A_574 = arith.subi %div3A_553, %sub3A_573 : i32
      %select_n3A_575 = arith.select %and3A_572, %sub3A_574, %div3A_553 : i32
      %mul3A_576 = arith.constant 16 : i32
      %mul3A_577 = arith.muli %select_n3A_575, %mul3A_576 : i32
      %add3A_578 = arith.addi %add3A_551, %mul3A_577 : i32
      %dma_wait3A_579 = arith.constant 3 : i32
      %dma_wait3A_580 = arith.constant 0 : i32
      %dma_wait3A_581 = arith.constant 0 : i32
      %dma_wait3A_582 = tpu.memref_slice %arg5[%dma_wait3A_579, %dma_wait3A_580, %dma_wait3A_581] : memref<4x16x1024xf32, #tpu.memory_space<vmem>> -> memref<1x16x1024xf32, #tpu.memory_space<vmem>>
      %dma_wait3A_583 = tpu.memref_squeeze %dma_wait3A_582 : memref<1x16x1024xf32, #tpu.memory_space<vmem>> -> memref<16x1024xf32, #tpu.memory_space<vmem>>
      %dma_wait3A_584 = arith.constant 0 : i32
      %dma_wait3A_585 = tpu.memref_slice %arg2[%add3A_578, %dma_wait3A_584] : memref<16384x1024xf32, #tpu.memory_space<hbm>> -> memref<16x1024xf32, #tpu.memory_space<hbm>>
      %dma_wait3A_586 = arith.constant 0 : i32
      %dma_wait3A_587 = arith.constant 0 : i32
      %dma_wait3A_588 = tpu.memref_slice %arg5[%dma_wait3A_579, %dma_wait3A_586, %dma_wait3A_587] : memref<4x16x1024xf32, #tpu.memory_space<vmem>> -> memref<1x16x1024xf32, #tpu.memory_space<vmem>>
      %dma_wait3A_589 = tpu.memref_squeeze %dma_wait3A_588 : memref<1x16x1024xf32, #tpu.memory_space<vmem>> -> memref<16x1024xf32, #tpu.memory_space<vmem>>
      %dma_wait3A_590 = arith.constant 0 : i32
      %dma_wait3A_591 = tpu.memref_slice %arg2[%add3A_578, %dma_wait3A_590] : memref<16384x1024xf32, #tpu.memory_space<hbm>> -> memref<16x1024xf32, #tpu.memory_space<hbm>>
      tpu.wait_dma2 semaphore(%arg10 : memref<!tpu.dma_semaphore, #tpu.memory_space<semaphore_mem>>) src(%dma_wait3A_591 : memref<16x1024xf32, #tpu.memory_space<hbm>>) dst(%dma_wait3A_589 : memref<16x1024xf32, #tpu.memory_space<vmem>>)
      %parallel_loop3A_592 = arith.constant 0 : i32
      %parallel_loop3A_593 = arith.constant 1024 : i32
      %parallel_loop3A_594 = arith.constant 1 : i32
      scf.for %parallel_loop3A_1229 = %parallel_loop3A_592 to %parallel_loop3A_593 step %parallel_loop3A_594  : i32 {
        %parallel_loop3A_1230 = arith.constant 64 : i32
        %parallel_loop3A_1231 = arith.divsi %parallel_loop3A_1229, %parallel_loop3A_1230 : i32
        %parallel_loop3A_1232 = arith.constant 0 : i32
        %parallel_loop3A_1233 = arith.cmpi sgt, %parallel_loop3A_1229, %parallel_loop3A_1232 : i32
        %parallel_loop3A_1234 = arith.extui %parallel_loop3A_1233 : i1 to i32
        %parallel_loop3A_1235 = arith.constant 0 : i32
        %parallel_loop3A_1236 = arith.cmpi slt, %parallel_loop3A_1229, %parallel_loop3A_1235 : i32
        %parallel_loop3A_1237 = arith.extui %parallel_loop3A_1236 : i1 to i32
        %parallel_loop3A_1238 = arith.subi %parallel_loop3A_1234, %parallel_loop3A_1237 : i32
        %parallel_loop3A_1239 = arith.constant 0 : i32
        %parallel_loop3A_1240 = arith.cmpi sgt, %parallel_loop3A_1230, %parallel_loop3A_1239 : i32
        %parallel_loop3A_1241 = arith.extui %parallel_loop3A_1240 : i1 to i32
        %parallel_loop3A_1242 = arith.constant 0 : i32
        %parallel_loop3A_1243 = arith.cmpi slt, %parallel_loop3A_1230, %parallel_loop3A_1242 : i32
        %parallel_loop3A_1244 = arith.extui %parallel_loop3A_1243 : i1 to i32
        %parallel_loop3A_1245 = arith.subi %parallel_loop3A_1241, %parallel_loop3A_1244 : i32
        %parallel_loop3A_1246 = arith.cmpi ne, %parallel_loop3A_1238, %parallel_loop3A_1245 : i32
        %parallel_loop3A_1247 = arith.remsi %parallel_loop3A_1229, %parallel_loop3A_1230 : i32
        %parallel_loop3A_1248 = arith.constant 0 : i32
        %parallel_loop3A_1249 = arith.cmpi ne, %parallel_loop3A_1247, %parallel_loop3A_1248 : i32
        %parallel_loop3A_1250 = arith.andi %parallel_loop3A_1246, %parallel_loop3A_1249 : i1
        %parallel_loop3A_1251 = arith.constant 1 : i32
        %parallel_loop3A_1252 = arith.subi %parallel_loop3A_1231, %parallel_loop3A_1251 : i32
        %parallel_loop3A_1253 = arith.select %parallel_loop3A_1250, %parallel_loop3A_1252, %parallel_loop3A_1231 : i32
        %parallel_loop3A_1254 = arith.constant 64 : i32
        %parallel_loop3A_1255 = arith.constant 0 : i32
        %parallel_loop3A_1256 = arith.cmpi eq, %parallel_loop3A_1254, %parallel_loop3A_1255 : i32
        %parallel_loop3A_1257 = arith.constant 1 : i32
        %parallel_loop3A_1258 = arith.select %parallel_loop3A_1256, %parallel_loop3A_1257, %parallel_loop3A_1254 : i32
        %parallel_loop3A_1259 = arith.remsi %parallel_loop3A_1229, %parallel_loop3A_1258 : i32
        %parallel_loop3A_1260 = arith.constant 0 : i32
        %parallel_loop3A_1261 = arith.cmpi ne, %parallel_loop3A_1259, %parallel_loop3A_1260 : i32
        %parallel_loop3A_1262 = arith.constant 0 : i32
        %parallel_loop3A_1263 = arith.cmpi slt, %parallel_loop3A_1259, %parallel_loop3A_1262 : i32
        %parallel_loop3A_1264 = arith.constant 0 : i32
        %parallel_loop3A_1265 = arith.cmpi slt, %parallel_loop3A_1258, %parallel_loop3A_1264 : i32
        %parallel_loop3A_1266 = arith.xori %parallel_loop3A_1263, %parallel_loop3A_1265 : i1
        %parallel_loop3A_1267 = arith.andi %parallel_loop3A_1266, %parallel_loop3A_1261 : i1
        %parallel_loop3A_1268 = arith.addi %parallel_loop3A_1259, %parallel_loop3A_1258 : i32
        %parallel_loop3A_1269 = arith.select %parallel_loop3A_1267, %parallel_loop3A_1268, %parallel_loop3A_1259 : i32
        %parallel_loop3A_1270 = arith.constant 16 : i32
        %parallel_loop3A_1271 = arith.muli %parallel_loop3A_1269, %parallel_loop3A_1270 : i32
        %parallel_loop3A_1272 = arith.constant 0 : i32
        %parallel_loop3A_1273 = arith.index_cast %parallel_loop3A_1272 : i32 to index
        %parallel_loop3A_1274 = arith.index_cast %parallel_loop3A_1253 : i32 to index
        %parallel_loop3A_1275 = arith.index_cast %parallel_loop3A_1271 : i32 to index
        %parallel_loop3A_1276 = tpu.vector_load %arg6[%parallel_loop3A_1273, %parallel_loop3A_1274, %parallel_loop3A_1275] {strides = array<i32>} : memref<2x16x1024xf32, #tpu.memory_space<vmem>>, vector<1x1x16xf32>,
        %parallel_loop3A_1277 = vector.shape_cast %parallel_loop3A_1276 : vector<1x1x16xf32> to vector<16xf32>
        %parallel_loop3A_1278 = arith.constant 3 : i32
        %parallel_loop3A_1279 = arith.index_cast %parallel_loop3A_1278 : i32 to index
        %parallel_loop3A_1280 = arith.index_cast %parallel_loop3A_1253 : i32 to index
        %parallel_loop3A_1281 = arith.index_cast %parallel_loop3A_1271 : i32 to index
        %parallel_loop3A_1282 = tpu.vector_load %arg5[%parallel_loop3A_1279, %parallel_loop3A_1280, %parallel_loop3A_1281] {strides = array<i32>} : memref<4x16x1024xf32, #tpu.memory_space<vmem>>, vector<1x1x16xf32>,
        %parallel_loop3A_1283 = vector.shape_cast %parallel_loop3A_1282 : vector<1x1x16xf32> to vector<16xf32>
        %parallel_loop3A_1284 = vector.shape_cast %parallel_loop3A_1277 : vector<16xf32> to vector<1x1x16xf32>
        tpu.vector_store %arg5[%parallel_loop3A_1279, %parallel_loop3A_1280, %parallel_loop3A_1281], %parallel_loop3A_1284 {add = true, strides = array<i32>} : memref<4x16x1024xf32, #tpu.memory_space<vmem>>, vector<1x1x16xf32>,
      } {sc.loop_unroll_factor = 8 : i64, sc.parallel_access}
      %jit3A_595 = arith.constant 4 : i32
      %eq3A_596 = arith.constant 0 : i32
      %eq3A_597 = arith.cmpi eq, %jit3A_595, %eq3A_596 : i32
      %jit3A_598 = arith.constant 1 : i32
      %select_n3A_599 = arith.select %eq3A_597, %jit3A_598, %jit3A_595 : i32
      %rem3A_600 = arith.remsi %add3A_513, %select_n3A_599 : i32
      %ne3A_601 = arith.constant 0 : i32
      %ne3A_602 = arith.cmpi ne, %rem3A_600, %ne3A_601 : i32
      %lt3A_603 = arith.constant 0 : i32
      %lt3A_604 = arith.cmpi slt, %rem3A_600, %lt3A_603 : i32
      %lt3A_605 = arith.constant 0 : i32
      %lt3A_606 = arith.cmpi slt, %select_n3A_599, %lt3A_605 : i32
      %ne3A_607 = arith.xori %lt3A_604, %lt3A_606 : i1
      %and3A_608 = arith.andi %ne3A_607, %ne3A_602 : i1
      %add3A_609 = arith.addi %rem3A_600, %select_n3A_599 : i32
      %select_n3A_610 = arith.select %and3A_608, %add3A_609, %rem3A_600 : i32
      %mul3A_611 = arith.constant 4096 : i32
      %mul3A_612 = arith.muli %select_n3A_610, %mul3A_611 : i32
      %add3A_613 = arith.addi %mul3A_612, %mul3A_2 : i32
      %jit3A_614 = arith.constant 4 : i32
      %div3A_615 = arith.divsi %add3A_513, %jit3A_614 : i32
      %sign3A_616 = arith.constant 0 : i32
      %sign3A_617 = arith.cmpi sgt, %add3A_513, %sign3A_616 : i32
      %sign3A_618 = arith.extui %sign3A_617 : i1 to i32
      %sign3A_619 = arith.constant 0 : i32
      %sign3A_620 = arith.cmpi slt, %add3A_513, %sign3A_619 : i32
      %sign3A_621 = arith.extui %sign3A_620 : i1 to i32
      %sign3A_622 = arith.subi %sign3A_618, %sign3A_621 : i32
      %sign3A_623 = arith.constant 0 : i32
      %sign3A_624 = arith.cmpi sgt, %jit3A_614, %sign3A_623 : i32
      %sign3A_625 = arith.extui %sign3A_624 : i1 to i32
      %sign3A_626 = arith.constant 0 : i32
      %sign3A_627 = arith.cmpi slt, %jit3A_614, %sign3A_626 : i32
      %sign3A_628 = arith.extui %sign3A_627 : i1 to i32
      %sign3A_629 = arith.subi %sign3A_625, %sign3A_628 : i32
      %ne3A_630 = arith.cmpi ne, %sign3A_622, %sign3A_629 : i32
      %rem3A_631 = arith.remsi %add3A_513, %jit3A_614 : i32
      %ne3A_632 = arith.constant 0 : i32
      %ne3A_633 = arith.cmpi ne, %rem3A_631, %ne3A_632 : i32
      %and3A_634 = arith.andi %ne3A_630, %ne3A_633 : i1
      %sub3A_635 = arith.constant 1 : i32
      %sub3A_636 = arith.subi %div3A_615, %sub3A_635 : i32
      %select_n3A_637 = arith.select %and3A_634, %sub3A_636, %div3A_615 : i32
      %mul3A_638 = arith.constant 16 : i32
      %mul3A_639 = arith.muli %select_n3A_637, %mul3A_638 : i32
      %add3A_640 = arith.addi %add3A_613, %mul3A_639 : i32
      %dma_start3A_641 = arith.constant 3 : i32
      %dma_start3A_642 = arith.constant 0 : i32
      %dma_start3A_643 = arith.constant 0 : i32
      %dma_start3A_644 = tpu.memref_slice %arg5[%dma_start3A_641, %dma_start3A_642, %dma_start3A_643] : memref<4x16x1024xf32, #tpu.memory_space<vmem>> -> memref<1x16x1024xf32, #tpu.memory_space<vmem>>
      %dma_start3A_645 = tpu.memref_squeeze %dma_start3A_644 : memref<1x16x1024xf32, #tpu.memory_space<vmem>> -> memref<16x1024xf32, #tpu.memory_space<vmem>>
      %dma_start3A_646 = arith.constant 0 : i32
      %dma_start3A_647 = tpu.memref_slice %arg4[%add3A_640, %dma_start3A_646] : memref<16384x1024xf32, #tpu.memory_space<hbm>> -> memref<16x1024xf32, #tpu.memory_space<hbm>>
      %dma_start3A_648 = arith.constant 0 : i32
      %dma_start3A_649 = tpu.memref_slice %arg4[%add3A_640, %dma_start3A_648] : memref<16384x1024xf32, #tpu.memory_space<hbm>> -> memref<16x1024xf32, #tpu.memory_space<hbm>>
      %dma_start3A_650 = arith.constant 0 : i32
      %dma_start3A_651 = arith.constant 0 : i32
      %dma_start3A_652 = tpu.memref_slice %arg5[%dma_start3A_641, %dma_start3A_650, %dma_start3A_651] : memref<4x16x1024xf32, #tpu.memory_space<vmem>> -> memref<1x16x1024xf32, #tpu.memory_space<vmem>>
      %dma_start3A_653 = tpu.memref_squeeze %dma_start3A_652 : memref<1x16x1024xf32, #tpu.memory_space<vmem>> -> memref<16x1024xf32, #tpu.memory_space<vmem>>
      tpu.enqueue_dma source(%dma_start3A_653 : memref<16x1024xf32, #tpu.memory_space<vmem>>) target(%dma_start3A_649 : memref<16x1024xf32, #tpu.memory_space<hbm>>) target_semaphore(%arg16 : memref<!tpu.dma_semaphore, #tpu.memory_space<semaphore_mem>>)
      %mul3A_654 = arith.constant 2 : i32
      %mul3A_655 = arith.muli %add3A_92, %mul3A_654 : i32
      %add3A_656 = arith.constant 1 : i32
      %add3A_657 = arith.addi %mul3A_655, %add3A_656 : i32
      %mul3A_658 = arith.constant 4 : i32
      %mul3A_659 = arith.muli %add3A_657, %mul3A_658 : i32
      %add3A_660 = arith.constant 0 : i32
      %add3A_661 = arith.addi %mul3A_659, %add3A_660 : i32
      %ge3A_662 = arith.constant 2 : i32
      %ge3A_663 = arith.cmpi sge, %add3A_661, %ge3A_662 : i32
      %convert_element_type3A_664 = arith.extui %ge3A_663 : i1 to i32
      %cond3A_665 = arith.constant 0 : i32
      %cond3A_666 = arith.cmpi ne, %convert_element_type3A_664, %cond3A_665 : i32
      scf.if %cond3A_666 {
        %sub3A_1229 = arith.constant 2 : i32
        %sub3A_1230 = arith.subi %add3A_661, %sub3A_1229 : i32
        %jit3A_1231 = arith.constant 4 : i32
        %eq3A_1232 = arith.constant 0 : i32
        %eq3A_1233 = arith.cmpi eq, %jit3A_1231, %eq3A_1232 : i32
        %jit3A_1234 = arith.constant 1 : i32
        %select_n3A_1235 = arith.select %eq3A_1233, %jit3A_1234, %jit3A_1231 : i32
        %rem3A_1236 = arith.remsi %sub3A_1230, %select_n3A_1235 : i32
        %ne3A_1237 = arith.constant 0 : i32
        %ne3A_1238 = arith.cmpi ne, %rem3A_1236, %ne3A_1237 : i32
        %lt3A_1239 = arith.constant 0 : i32
        %lt3A_1240 = arith.cmpi slt, %rem3A_1236, %lt3A_1239 : i32
        %lt3A_1241 = arith.constant 0 : i32
        %lt3A_1242 = arith.cmpi slt, %select_n3A_1235, %lt3A_1241 : i32
        %ne3A_1243 = arith.xori %lt3A_1240, %lt3A_1242 : i1
        %and3A_1244 = arith.andi %ne3A_1243, %ne3A_1238 : i1
        %add3A_1245 = arith.addi %rem3A_1236, %select_n3A_1235 : i32
        %select_n3A_1246 = arith.select %and3A_1244, %add3A_1245, %rem3A_1236 : i32
        %mul3A_1247 = arith.constant 4096 : i32
        %mul3A_1248 = arith.muli %select_n3A_1246, %mul3A_1247 : i32
        %add3A_1249 = arith.addi %mul3A_1248, %mul3A_2 : i32
        %jit3A_1250 = arith.constant 4 : i32
        %div3A_1251 = arith.divsi %sub3A_1230, %jit3A_1250 : i32
        %sign3A_1252 = arith.constant 0 : i32
        %sign3A_1253 = arith.cmpi sgt, %sub3A_1230, %sign3A_1252 : i32
        %sign3A_1254 = arith.extui %sign3A_1253 : i1 to i32
        %sign3A_1255 = arith.constant 0 : i32
        %sign3A_1256 = arith.cmpi slt, %sub3A_1230, %sign3A_1255 : i32
        %sign3A_1257 = arith.extui %sign3A_1256 : i1 to i32
        %sign3A_1258 = arith.subi %sign3A_1254, %sign3A_1257 : i32
        %sign3A_1259 = arith.constant 0 : i32
        %sign3A_1260 = arith.cmpi sgt, %jit3A_1250, %sign3A_1259 : i32
        %sign3A_1261 = arith.extui %sign3A_1260 : i1 to i32
        %sign3A_1262 = arith.constant 0 : i32
        %sign3A_1263 = arith.cmpi slt, %jit3A_1250, %sign3A_1262 : i32
        %sign3A_1264 = arith.extui %sign3A_1263 : i1 to i32
        %sign3A_1265 = arith.subi %sign3A_1261, %sign3A_1264 : i32
        %ne3A_1266 = arith.cmpi ne, %sign3A_1258, %sign3A_1265 : i32
        %rem3A_1267 = arith.remsi %sub3A_1230, %jit3A_1250 : i32
        %ne3A_1268 = arith.constant 0 : i32
        %ne3A_1269 = arith.cmpi ne, %rem3A_1267, %ne3A_1268 : i32
        %and3A_1270 = arith.andi %ne3A_1266, %ne3A_1269 : i1
        %sub3A_1271 = arith.constant 1 : i32
        %sub3A_1272 = arith.subi %div3A_1251, %sub3A_1271 : i32
        %select_n3A_1273 = arith.select %and3A_1270, %sub3A_1272, %div3A_1251 : i32
        %mul3A_1274 = arith.constant 16 : i32
        %mul3A_1275 = arith.muli %select_n3A_1273, %mul3A_1274 : i32
        %add3A_1276 = arith.addi %add3A_1249, %mul3A_1275 : i32
        %dma_wait3A_1277 = arith.constant 2 : i32
        %dma_wait3A_1278 = arith.constant 0 : i32
        %dma_wait3A_1279 = arith.constant 0 : i32
        %dma_wait3A_1280 = tpu.memref_slice %arg5[%dma_wait3A_1277, %dma_wait3A_1278, %dma_wait3A_1279] : memref<4x16x1024xf32, #tpu.memory_space<vmem>> -> memref<1x16x1024xf32, #tpu.memory_space<vmem>>
        %dma_wait3A_1281 = tpu.memref_squeeze %dma_wait3A_1280 : memref<1x16x1024xf32, #tpu.memory_space<vmem>> -> memref<16x1024xf32, #tpu.memory_space<vmem>>
        %dma_wait3A_1282 = arith.constant 0 : i32
        %dma_wait3A_1283 = tpu.memref_slice %arg4[%add3A_1276, %dma_wait3A_1282] : memref<16384x1024xf32, #tpu.memory_space<hbm>> -> memref<16x1024xf32, #tpu.memory_space<hbm>>
        %dma_wait3A_1284 = arith.constant 0 : i32
        %dma_wait3A_1285 = tpu.memref_slice %arg4[%add3A_1276, %dma_wait3A_1284] : memref<16384x1024xf32, #tpu.memory_space<hbm>> -> memref<16x1024xf32, #tpu.memory_space<hbm>>
        %dma_wait3A_1286 = arith.constant 0 : i32
        %dma_wait3A_1287 = arith.constant 0 : i32
        %dma_wait3A_1288 = tpu.memref_slice %arg5[%dma_wait3A_1277, %dma_wait3A_1286, %dma_wait3A_1287] : memref<4x16x1024xf32, #tpu.memory_space<vmem>> -> memref<1x16x1024xf32, #tpu.memory_space<vmem>>
        %dma_wait3A_1289 = tpu.memref_squeeze %dma_wait3A_1288 : memref<1x16x1024xf32, #tpu.memory_space<vmem>> -> memref<16x1024xf32, #tpu.memory_space<vmem>>
        tpu.wait_dma2 semaphore(%arg15 : memref<!tpu.dma_semaphore, #tpu.memory_space<semaphore_mem>>) src(%dma_wait3A_1289 : memref<16x1024xf32, #tpu.memory_space<vmem>>) dst(%dma_wait3A_1285 : memref<16x1024xf32, #tpu.memory_space<hbm>>)
      } else {
      }
      %add3A_667 = arith.constant 2 : i32
      %add3A_668 = arith.addi %add3A_661, %add3A_667 : i32
      %lt3A_669 = arith.constant 32 : i32
      %lt3A_670 = arith.cmpi slt, %add3A_668, %lt3A_669 : i32
      %convert_element_type3A_671 = arith.extui %lt3A_670 : i1 to i32
      %cond3A_672 = arith.constant 0 : i32
      %cond3A_673 = arith.cmpi ne, %convert_element_type3A_671, %cond3A_672 : i32
      scf.if %cond3A_673 {
        %add3A_1229 = arith.constant 2 : i32
        %add3A_1230 = arith.addi %add3A_661, %add3A_1229 : i32
        %jit3A_1231 = arith.constant 4 : i32
        %eq3A_1232 = arith.constant 0 : i32
        %eq3A_1233 = arith.cmpi eq, %jit3A_1231, %eq3A_1232 : i32
        %jit3A_1234 = arith.constant 1 : i32
        %select_n3A_1235 = arith.select %eq3A_1233, %jit3A_1234, %jit3A_1231 : i32
        %rem3A_1236 = arith.remsi %add3A_1230, %select_n3A_1235 : i32
        %ne3A_1237 = arith.constant 0 : i32
        %ne3A_1238 = arith.cmpi ne, %rem3A_1236, %ne3A_1237 : i32
        %lt3A_1239 = arith.constant 0 : i32
        %lt3A_1240 = arith.cmpi slt, %rem3A_1236, %lt3A_1239 : i32
        %lt3A_1241 = arith.constant 0 : i32
        %lt3A_1242 = arith.cmpi slt, %select_n3A_1235, %lt3A_1241 : i32
        %ne3A_1243 = arith.xori %lt3A_1240, %lt3A_1242 : i1
        %and3A_1244 = arith.andi %ne3A_1243, %ne3A_1238 : i1
        %add3A_1245 = arith.addi %rem3A_1236, %select_n3A_1235 : i32
        %select_n3A_1246 = arith.select %and3A_1244, %add3A_1245, %rem3A_1236 : i32
        %mul3A_1247 = arith.constant 4096 : i32
        %mul3A_1248 = arith.muli %select_n3A_1246, %mul3A_1247 : i32
        %add3A_1249 = arith.addi %mul3A_1248, %mul3A_2 : i32
        %jit3A_1250 = arith.constant 4 : i32
        %div3A_1251 = arith.divsi %add3A_1230, %jit3A_1250 : i32
        %sign3A_1252 = arith.constant 0 : i32
        %sign3A_1253 = arith.cmpi sgt, %add3A_1230, %sign3A_1252 : i32
        %sign3A_1254 = arith.extui %sign3A_1253 : i1 to i32
        %sign3A_1255 = arith.constant 0 : i32
        %sign3A_1256 = arith.cmpi slt, %add3A_1230, %sign3A_1255 : i32
        %sign3A_1257 = arith.extui %sign3A_1256 : i1 to i32
        %sign3A_1258 = arith.subi %sign3A_1254, %sign3A_1257 : i32
        %sign3A_1259 = arith.constant 0 : i32
        %sign3A_1260 = arith.cmpi sgt, %jit3A_1250, %sign3A_1259 : i32
        %sign3A_1261 = arith.extui %sign3A_1260 : i1 to i32
        %sign3A_1262 = arith.constant 0 : i32
        %sign3A_1263 = arith.cmpi slt, %jit3A_1250, %sign3A_1262 : i32
        %sign3A_1264 = arith.extui %sign3A_1263 : i1 to i32
        %sign3A_1265 = arith.subi %sign3A_1261, %sign3A_1264 : i32
        %ne3A_1266 = arith.cmpi ne, %sign3A_1258, %sign3A_1265 : i32
        %rem3A_1267 = arith.remsi %add3A_1230, %jit3A_1250 : i32
        %ne3A_1268 = arith.constant 0 : i32
        %ne3A_1269 = arith.cmpi ne, %rem3A_1267, %ne3A_1268 : i32
        %and3A_1270 = arith.andi %ne3A_1266, %ne3A_1269 : i1
        %sub3A_1271 = arith.constant 1 : i32
        %sub3A_1272 = arith.subi %div3A_1251, %sub3A_1271 : i32
        %select_n3A_1273 = arith.select %and3A_1270, %sub3A_1272, %div3A_1251 : i32
        %mul3A_1274 = arith.constant 16 : i32
        %mul3A_1275 = arith.muli %select_n3A_1273, %mul3A_1274 : i32
        %add3A_1276 = arith.addi %add3A_1249, %mul3A_1275 : i32
        %dma_start3A_1277 = arith.constant 2 : i32
        %dma_start3A_1278 = arith.constant 0 : i32
        %dma_start3A_1279 = arith.constant 0 : i32
        %dma_start3A_1280 = tpu.memref_slice %arg5[%dma_start3A_1277, %dma_start3A_1278, %dma_start3A_1279] : memref<4x16x1024xf32, #tpu.memory_space<vmem>> -> memref<1x16x1024xf32, #tpu.memory_space<vmem>>
        %dma_start3A_1281 = tpu.memref_squeeze %dma_start3A_1280 : memref<1x16x1024xf32, #tpu.memory_space<vmem>> -> memref<16x1024xf32, #tpu.memory_space<vmem>>
        %dma_start3A_1282 = arith.constant 0 : i32
        %dma_start3A_1283 = tpu.memref_slice %arg2[%add3A_1276, %dma_start3A_1282] : memref<16384x1024xf32, #tpu.memory_space<hbm>> -> memref<16x1024xf32, #tpu.memory_space<hbm>>
        %dma_start3A_1284 = arith.constant 0 : i32
        %dma_start3A_1285 = arith.constant 0 : i32
        %dma_start3A_1286 = tpu.memref_slice %arg5[%dma_start3A_1277, %dma_start3A_1284, %dma_start3A_1285] : memref<4x16x1024xf32, #tpu.memory_space<vmem>> -> memref<1x16x1024xf32, #tpu.memory_space<vmem>>
        %dma_start3A_1287 = tpu.memref_squeeze %dma_start3A_1286 : memref<1x16x1024xf32, #tpu.memory_space<vmem>> -> memref<16x1024xf32, #tpu.memory_space<vmem>>
        %dma_start3A_1288 = arith.constant 0 : i32
        %dma_start3A_1289 = tpu.memref_slice %arg2[%add3A_1276, %dma_start3A_1288] : memref<16384x1024xf32, #tpu.memory_space<hbm>> -> memref<16x1024xf32, #tpu.memory_space<hbm>>
        tpu.enqueue_dma source(%dma_start3A_1289 : memref<16x1024xf32, #tpu.memory_space<hbm>>) target(%dma_start3A_1287 : memref<16x1024xf32, #tpu.memory_space<vmem>>) target_semaphore(%arg9 : memref<!tpu.dma_semaphore, #tpu.memory_space<semaphore_mem>>)
      } else {
      }
      %jit3A_674 = arith.constant 4 : i32
      %eq3A_675 = arith.constant 0 : i32
      %eq3A_676 = arith.cmpi eq, %jit3A_674, %eq3A_675 : i32
      %jit3A_677 = arith.constant 1 : i32
      %select_n3A_678 = arith.select %eq3A_676, %jit3A_677, %jit3A_674 : i32
      %rem3A_679 = arith.remsi %add3A_661, %select_n3A_678 : i32
      %ne3A_680 = arith.constant 0 : i32
      %ne3A_681 = arith.cmpi ne, %rem3A_679, %ne3A_680 : i32
      %lt3A_682 = arith.constant 0 : i32
      %lt3A_683 = arith.cmpi slt, %rem3A_679, %lt3A_682 : i32
      %lt3A_684 = arith.constant 0 : i32
      %lt3A_685 = arith.cmpi slt, %select_n3A_678, %lt3A_684 : i32
      %ne3A_686 = arith.xori %lt3A_683, %lt3A_685 : i1
      %and3A_687 = arith.andi %ne3A_686, %ne3A_681 : i1
      %add3A_688 = arith.addi %rem3A_679, %select_n3A_678 : i32
      %select_n3A_689 = arith.select %and3A_687, %add3A_688, %rem3A_679 : i32
      %mul3A_690 = arith.constant 4096 : i32
      %mul3A_691 = arith.muli %select_n3A_689, %mul3A_690 : i32
      %add3A_692 = arith.addi %mul3A_691, %mul3A_2 : i32
      %jit3A_693 = arith.constant 4 : i32
      %div3A_694 = arith.divsi %add3A_661, %jit3A_693 : i32
      %sign3A_695 = arith.constant 0 : i32
      %sign3A_696 = arith.cmpi sgt, %add3A_661, %sign3A_695 : i32
      %sign3A_697 = arith.extui %sign3A_696 : i1 to i32
      %sign3A_698 = arith.constant 0 : i32
      %sign3A_699 = arith.cmpi slt, %add3A_661, %sign3A_698 : i32
      %sign3A_700 = arith.extui %sign3A_699 : i1 to i32
      %sign3A_701 = arith.subi %sign3A_697, %sign3A_700 : i32
      %sign3A_702 = arith.constant 0 : i32
      %sign3A_703 = arith.cmpi sgt, %jit3A_693, %sign3A_702 : i32
      %sign3A_704 = arith.extui %sign3A_703 : i1 to i32
      %sign3A_705 = arith.constant 0 : i32
      %sign3A_706 = arith.cmpi slt, %jit3A_693, %sign3A_705 : i32
      %sign3A_707 = arith.extui %sign3A_706 : i1 to i32
      %sign3A_708 = arith.subi %sign3A_704, %sign3A_707 : i32
      %ne3A_709 = arith.cmpi ne, %sign3A_701, %sign3A_708 : i32
      %rem3A_710 = arith.remsi %add3A_661, %jit3A_693 : i32
      %ne3A_711 = arith.constant 0 : i32
      %ne3A_712 = arith.cmpi ne, %rem3A_710, %ne3A_711 : i32
      %and3A_713 = arith.andi %ne3A_709, %ne3A_712 : i1
      %sub3A_714 = arith.constant 1 : i32
      %sub3A_715 = arith.subi %div3A_694, %sub3A_714 : i32
      %select_n3A_716 = arith.select %and3A_713, %sub3A_715, %div3A_694 : i32
      %mul3A_717 = arith.constant 16 : i32
      %mul3A_718 = arith.muli %select_n3A_716, %mul3A_717 : i32
      %add3A_719 = arith.addi %add3A_692, %mul3A_718 : i32
      %dma_wait3A_720 = arith.constant 0 : i32
      %dma_wait3A_721 = arith.constant 0 : i32
      %dma_wait3A_722 = arith.constant 0 : i32
      %dma_wait3A_723 = tpu.memref_slice %arg5[%dma_wait3A_720, %dma_wait3A_721, %dma_wait3A_722] : memref<4x16x1024xf32, #tpu.memory_space<vmem>> -> memref<1x16x1024xf32, #tpu.memory_space<vmem>>
      %dma_wait3A_724 = tpu.memref_squeeze %dma_wait3A_723 : memref<1x16x1024xf32, #tpu.memory_space<vmem>> -> memref<16x1024xf32, #tpu.memory_space<vmem>>
      %dma_wait3A_725 = arith.constant 0 : i32
      %dma_wait3A_726 = tpu.memref_slice %arg2[%add3A_719, %dma_wait3A_725] : memref<16384x1024xf32, #tpu.memory_space<hbm>> -> memref<16x1024xf32, #tpu.memory_space<hbm>>
      %dma_wait3A_727 = arith.constant 0 : i32
      %dma_wait3A_728 = arith.constant 0 : i32
      %dma_wait3A_729 = tpu.memref_slice %arg5[%dma_wait3A_720, %dma_wait3A_727, %dma_wait3A_728] : memref<4x16x1024xf32, #tpu.memory_space<vmem>> -> memref<1x16x1024xf32, #tpu.memory_space<vmem>>
      %dma_wait3A_730 = tpu.memref_squeeze %dma_wait3A_729 : memref<1x16x1024xf32, #tpu.memory_space<vmem>> -> memref<16x1024xf32, #tpu.memory_space<vmem>>
      %dma_wait3A_731 = arith.constant 0 : i32
      %dma_wait3A_732 = tpu.memref_slice %arg2[%add3A_719, %dma_wait3A_731] : memref<16384x1024xf32, #tpu.memory_space<hbm>> -> memref<16x1024xf32, #tpu.memory_space<hbm>>
      tpu.wait_dma2 semaphore(%arg7 : memref<!tpu.dma_semaphore, #tpu.memory_space<semaphore_mem>>) src(%dma_wait3A_732 : memref<16x1024xf32, #tpu.memory_space<hbm>>) dst(%dma_wait3A_730 : memref<16x1024xf32, #tpu.memory_space<vmem>>)
      %mul3A_733 = arith.constant 16 : i32
      %mul3A_734 = arith.muli %add3A_657, %mul3A_733 : i32
      %add3A_735 = arith.addi %mul3A_2, %mul3A_734 : i32
      %dma_wait3A_736 = arith.constant 1 : i32
      %dma_wait3A_737 = arith.constant 0 : i32
      %dma_wait3A_738 = arith.constant 0 : i32
      %dma_wait3A_739 = tpu.memref_slice %arg6[%dma_wait3A_736, %dma_wait3A_737, %dma_wait3A_738] : memref<2x16x1024xf32, #tpu.memory_space<vmem>> -> memref<1x16x1024xf32, #tpu.memory_space<vmem>>
      %dma_wait3A_740 = tpu.memref_squeeze %dma_wait3A_739 : memref<1x16x1024xf32, #tpu.memory_space<vmem>> -> memref<16x1024xf32, #tpu.memory_space<vmem>>
      %dma_wait3A_741 = arith.constant 0 : i32
      %dma_wait3A_742 = tpu.memref_slice %arg3[%add3A_735, %dma_wait3A_741] : memref<4096x1024xf32, #tpu.memory_space<hbm>> -> memref<16x1024xf32, #tpu.memory_space<hbm>>
      %dma_wait3A_743 = arith.constant 0 : i32
      %dma_wait3A_744 = arith.constant 0 : i32
      %dma_wait3A_745 = tpu.memref_slice %arg6[%dma_wait3A_736, %dma_wait3A_743, %dma_wait3A_744] : memref<2x16x1024xf32, #tpu.memory_space<vmem>> -> memref<1x16x1024xf32, #tpu.memory_space<vmem>>
      %dma_wait3A_746 = tpu.memref_squeeze %dma_wait3A_745 : memref<1x16x1024xf32, #tpu.memory_space<vmem>> -> memref<16x1024xf32, #tpu.memory_space<vmem>>
      %dma_wait3A_747 = arith.constant 0 : i32
      %dma_wait3A_748 = tpu.memref_slice %arg3[%add3A_735, %dma_wait3A_747] : memref<4096x1024xf32, #tpu.memory_space<hbm>> -> memref<16x1024xf32, #tpu.memory_space<hbm>>
      tpu.wait_dma2 semaphore(%arg12 : memref<!tpu.dma_semaphore, #tpu.memory_space<semaphore_mem>>) src(%dma_wait3A_748 : memref<16x1024xf32, #tpu.memory_space<hbm>>) dst(%dma_wait3A_746 : memref<16x1024xf32, #tpu.memory_space<vmem>>)
      %parallel_loop3A_749 = arith.constant 0 : i32
      %parallel_loop3A_750 = arith.constant 1024 : i32
      %parallel_loop3A_751 = arith.constant 1 : i32
      scf.for %parallel_loop3A_1229 = %parallel_loop3A_749 to %parallel_loop3A_750 step %parallel_loop3A_751  : i32 {
        %parallel_loop3A_1230 = arith.constant 64 : i32
        %parallel_loop3A_1231 = arith.divsi %parallel_loop3A_1229, %parallel_loop3A_1230 : i32
        %parallel_loop3A_1232 = arith.constant 0 : i32
        %parallel_loop3A_1233 = arith.cmpi sgt, %parallel_loop3A_1229, %parallel_loop3A_1232 : i32
        %parallel_loop3A_1234 = arith.extui %parallel_loop3A_1233 : i1 to i32
        %parallel_loop3A_1235 = arith.constant 0 : i32
        %parallel_loop3A_1236 = arith.cmpi slt, %parallel_loop3A_1229, %parallel_loop3A_1235 : i32
        %parallel_loop3A_1237 = arith.extui %parallel_loop3A_1236 : i1 to i32
        %parallel_loop3A_1238 = arith.subi %parallel_loop3A_1234, %parallel_loop3A_1237 : i32
        %parallel_loop3A_1239 = arith.constant 0 : i32
        %parallel_loop3A_1240 = arith.cmpi sgt, %parallel_loop3A_1230, %parallel_loop3A_1239 : i32
        %parallel_loop3A_1241 = arith.extui %parallel_loop3A_1240 : i1 to i32
        %parallel_loop3A_1242 = arith.constant 0 : i32
        %parallel_loop3A_1243 = arith.cmpi slt, %parallel_loop3A_1230, %parallel_loop3A_1242 : i32
        %parallel_loop3A_1244 = arith.extui %parallel_loop3A_1243 : i1 to i32
        %parallel_loop3A_1245 = arith.subi %parallel_loop3A_1241, %parallel_loop3A_1244 : i32
        %parallel_loop3A_1246 = arith.cmpi ne, %parallel_loop3A_1238, %parallel_loop3A_1245 : i32
        %parallel_loop3A_1247 = arith.remsi %parallel_loop3A_1229, %parallel_loop3A_1230 : i32
        %parallel_loop3A_1248 = arith.constant 0 : i32
        %parallel_loop3A_1249 = arith.cmpi ne, %parallel_loop3A_1247, %parallel_loop3A_1248 : i32
        %parallel_loop3A_1250 = arith.andi %parallel_loop3A_1246, %parallel_loop3A_1249 : i1
        %parallel_loop3A_1251 = arith.constant 1 : i32
        %parallel_loop3A_1252 = arith.subi %parallel_loop3A_1231, %parallel_loop3A_1251 : i32
        %parallel_loop3A_1253 = arith.select %parallel_loop3A_1250, %parallel_loop3A_1252, %parallel_loop3A_1231 : i32
        %parallel_loop3A_1254 = arith.constant 64 : i32
        %parallel_loop3A_1255 = arith.constant 0 : i32
        %parallel_loop3A_1256 = arith.cmpi eq, %parallel_loop3A_1254, %parallel_loop3A_1255 : i32
        %parallel_loop3A_1257 = arith.constant 1 : i32
        %parallel_loop3A_1258 = arith.select %parallel_loop3A_1256, %parallel_loop3A_1257, %parallel_loop3A_1254 : i32
        %parallel_loop3A_1259 = arith.remsi %parallel_loop3A_1229, %parallel_loop3A_1258 : i32
        %parallel_loop3A_1260 = arith.constant 0 : i32
        %parallel_loop3A_1261 = arith.cmpi ne, %parallel_loop3A_1259, %parallel_loop3A_1260 : i32
        %parallel_loop3A_1262 = arith.constant 0 : i32
        %parallel_loop3A_1263 = arith.cmpi slt, %parallel_loop3A_1259, %parallel_loop3A_1262 : i32
        %parallel_loop3A_1264 = arith.constant 0 : i32
        %parallel_loop3A_1265 = arith.cmpi slt, %parallel_loop3A_1258, %parallel_loop3A_1264 : i32
        %parallel_loop3A_1266 = arith.xori %parallel_loop3A_1263, %parallel_loop3A_1265 : i1
        %parallel_loop3A_1267 = arith.andi %parallel_loop3A_1266, %parallel_loop3A_1261 : i1
        %parallel_loop3A_1268 = arith.addi %parallel_loop3A_1259, %parallel_loop3A_1258 : i32
        %parallel_loop3A_1269 = arith.select %parallel_loop3A_1267, %parallel_loop3A_1268, %parallel_loop3A_1259 : i32
        %parallel_loop3A_1270 = arith.constant 16 : i32
        %parallel_loop3A_1271 = arith.muli %parallel_loop3A_1269, %parallel_loop3A_1270 : i32
        %parallel_loop3A_1272 = arith.constant 1 : i32
        %parallel_loop3A_1273 = arith.index_cast %parallel_loop3A_1272 : i32 to index
        %parallel_loop3A_1274 = arith.index_cast %parallel_loop3A_1253 : i32 to index
        %parallel_loop3A_1275 = arith.index_cast %parallel_loop3A_1271 : i32 to index
        %parallel_loop3A_1276 = tpu.vector_load %arg6[%parallel_loop3A_1273, %parallel_loop3A_1274, %parallel_loop3A_1275] {strides = array<i32>} : memref<2x16x1024xf32, #tpu.memory_space<vmem>>, vector<1x1x16xf32>,
        %parallel_loop3A_1277 = vector.shape_cast %parallel_loop3A_1276 : vector<1x1x16xf32> to vector<16xf32>
        %parallel_loop3A_1278 = arith.constant 0 : i32
        %parallel_loop3A_1279 = arith.index_cast %parallel_loop3A_1278 : i32 to index
        %parallel_loop3A_1280 = arith.index_cast %parallel_loop3A_1253 : i32 to index
        %parallel_loop3A_1281 = arith.index_cast %parallel_loop3A_1271 : i32 to index
        %parallel_loop3A_1282 = tpu.vector_load %arg5[%parallel_loop3A_1279, %parallel_loop3A_1280, %parallel_loop3A_1281] {strides = array<i32>} : memref<4x16x1024xf32, #tpu.memory_space<vmem>>, vector<1x1x16xf32>,
        %parallel_loop3A_1283 = vector.shape_cast %parallel_loop3A_1282 : vector<1x1x16xf32> to vector<16xf32>
        %parallel_loop3A_1284 = vector.shape_cast %parallel_loop3A_1277 : vector<16xf32> to vector<1x1x16xf32>
        tpu.vector_store %arg5[%parallel_loop3A_1279, %parallel_loop3A_1280, %parallel_loop3A_1281], %parallel_loop3A_1284 {add = true, strides = array<i32>} : memref<4x16x1024xf32, #tpu.memory_space<vmem>>, vector<1x1x16xf32>,
      } {sc.loop_unroll_factor = 8 : i64, sc.parallel_access}
      %jit3A_752 = arith.constant 4 : i32
      %eq3A_753 = arith.constant 0 : i32
      %eq3A_754 = arith.cmpi eq, %jit3A_752, %eq3A_753 : i32
      %jit3A_755 = arith.constant 1 : i32
      %select_n3A_756 = arith.select %eq3A_754, %jit3A_755, %jit3A_752 : i32
      %rem3A_757 = arith.remsi %add3A_661, %select_n3A_756 : i32
      %ne3A_758 = arith.constant 0 : i32
      %ne3A_759 = arith.cmpi ne, %rem3A_757, %ne3A_758 : i32
      %lt3A_760 = arith.constant 0 : i32
      %lt3A_761 = arith.cmpi slt, %rem3A_757, %lt3A_760 : i32
      %lt3A_762 = arith.constant 0 : i32
      %lt3A_763 = arith.cmpi slt, %select_n3A_756, %lt3A_762 : i32
      %ne3A_764 = arith.xori %lt3A_761, %lt3A_763 : i1
      %and3A_765 = arith.andi %ne3A_764, %ne3A_759 : i1
      %add3A_766 = arith.addi %rem3A_757, %select_n3A_756 : i32
      %select_n3A_767 = arith.select %and3A_765, %add3A_766, %rem3A_757 : i32
      %mul3A_768 = arith.constant 4096 : i32
      %mul3A_769 = arith.muli %select_n3A_767, %mul3A_768 : i32
      %add3A_770 = arith.addi %mul3A_769, %mul3A_2 : i32
      %jit3A_771 = arith.constant 4 : i32
      %div3A_772 = arith.divsi %add3A_661, %jit3A_771 : i32
      %sign3A_773 = arith.constant 0 : i32
      %sign3A_774 = arith.cmpi sgt, %add3A_661, %sign3A_773 : i32
      %sign3A_775 = arith.extui %sign3A_774 : i1 to i32
      %sign3A_776 = arith.constant 0 : i32
      %sign3A_777 = arith.cmpi slt, %add3A_661, %sign3A_776 : i32
      %sign3A_778 = arith.extui %sign3A_777 : i1 to i32
      %sign3A_779 = arith.subi %sign3A_775, %sign3A_778 : i32
      %sign3A_780 = arith.constant 0 : i32
      %sign3A_781 = arith.cmpi sgt, %jit3A_771, %sign3A_780 : i32
      %sign3A_782 = arith.extui %sign3A_781 : i1 to i32
      %sign3A_783 = arith.constant 0 : i32
      %sign3A_784 = arith.cmpi slt, %jit3A_771, %sign3A_783 : i32
      %sign3A_785 = arith.extui %sign3A_784 : i1 to i32
      %sign3A_786 = arith.subi %sign3A_782, %sign3A_785 : i32
      %ne3A_787 = arith.cmpi ne, %sign3A_779, %sign3A_786 : i32
      %rem3A_788 = arith.remsi %add3A_661, %jit3A_771 : i32
      %ne3A_789 = arith.constant 0 : i32
      %ne3A_790 = arith.cmpi ne, %rem3A_788, %ne3A_789 : i32
      %and3A_791 = arith.andi %ne3A_787, %ne3A_790 : i1
      %sub3A_792 = arith.constant 1 : i32
      %sub3A_793 = arith.subi %div3A_772, %sub3A_792 : i32
      %select_n3A_794 = arith.select %and3A_791, %sub3A_793, %div3A_772 : i32
      %mul3A_795 = arith.constant 16 : i32
      %mul3A_796 = arith.muli %select_n3A_794, %mul3A_795 : i32
      %add3A_797 = arith.addi %add3A_770, %mul3A_796 : i32
      %dma_start3A_798 = arith.constant 0 : i32
      %dma_start3A_799 = arith.constant 0 : i32
      %dma_start3A_800 = arith.constant 0 : i32
      %dma_start3A_801 = tpu.memref_slice %arg5[%dma_start3A_798, %dma_start3A_799, %dma_start3A_800] : memref<4x16x1024xf32, #tpu.memory_space<vmem>> -> memref<1x16x1024xf32, #tpu.memory_space<vmem>>
      %dma_start3A_802 = tpu.memref_squeeze %dma_start3A_801 : memref<1x16x1024xf32, #tpu.memory_space<vmem>> -> memref<16x1024xf32, #tpu.memory_space<vmem>>
      %dma_start3A_803 = arith.constant 0 : i32
      %dma_start3A_804 = tpu.memref_slice %arg4[%add3A_797, %dma_start3A_803] : memref<16384x1024xf32, #tpu.memory_space<hbm>> -> memref<16x1024xf32, #tpu.memory_space<hbm>>
      %dma_start3A_805 = arith.constant 0 : i32
      %dma_start3A_806 = tpu.memref_slice %arg4[%add3A_797, %dma_start3A_805] : memref<16384x1024xf32, #tpu.memory_space<hbm>> -> memref<16x1024xf32, #tpu.memory_space<hbm>>
      %dma_start3A_807 = arith.constant 0 : i32
      %dma_start3A_808 = arith.constant 0 : i32
      %dma_start3A_809 = tpu.memref_slice %arg5[%dma_start3A_798, %dma_start3A_807, %dma_start3A_808] : memref<4x16x1024xf32, #tpu.memory_space<vmem>> -> memref<1x16x1024xf32, #tpu.memory_space<vmem>>
      %dma_start3A_810 = tpu.memref_squeeze %dma_start3A_809 : memref<1x16x1024xf32, #tpu.memory_space<vmem>> -> memref<16x1024xf32, #tpu.memory_space<vmem>>
      tpu.enqueue_dma source(%dma_start3A_810 : memref<16x1024xf32, #tpu.memory_space<vmem>>) target(%dma_start3A_806 : memref<16x1024xf32, #tpu.memory_space<hbm>>) target_semaphore(%arg13 : memref<!tpu.dma_semaphore, #tpu.memory_space<semaphore_mem>>)
      %mul3A_811 = arith.constant 4 : i32
      %mul3A_812 = arith.muli %add3A_657, %mul3A_811 : i32
      %add3A_813 = arith.constant 1 : i32
      %add3A_814 = arith.addi %mul3A_812, %add3A_813 : i32
      %ge3A_815 = arith.constant 2 : i32
      %ge3A_816 = arith.cmpi sge, %add3A_814, %ge3A_815 : i32
      %convert_element_type3A_817 = arith.extui %ge3A_816 : i1 to i32
      %cond3A_818 = arith.constant 0 : i32
      %cond3A_819 = arith.cmpi ne, %convert_element_type3A_817, %cond3A_818 : i32
      scf.if %cond3A_819 {
        %sub3A_1229 = arith.constant 2 : i32
        %sub3A_1230 = arith.subi %add3A_814, %sub3A_1229 : i32
        %jit3A_1231 = arith.constant 4 : i32
        %eq3A_1232 = arith.constant 0 : i32
        %eq3A_1233 = arith.cmpi eq, %jit3A_1231, %eq3A_1232 : i32
        %jit3A_1234 = arith.constant 1 : i32
        %select_n3A_1235 = arith.select %eq3A_1233, %jit3A_1234, %jit3A_1231 : i32
        %rem3A_1236 = arith.remsi %sub3A_1230, %select_n3A_1235 : i32
        %ne3A_1237 = arith.constant 0 : i32
        %ne3A_1238 = arith.cmpi ne, %rem3A_1236, %ne3A_1237 : i32
        %lt3A_1239 = arith.constant 0 : i32
        %lt3A_1240 = arith.cmpi slt, %rem3A_1236, %lt3A_1239 : i32
        %lt3A_1241 = arith.constant 0 : i32
        %lt3A_1242 = arith.cmpi slt, %select_n3A_1235, %lt3A_1241 : i32
        %ne3A_1243 = arith.xori %lt3A_1240, %lt3A_1242 : i1
        %and3A_1244 = arith.andi %ne3A_1243, %ne3A_1238 : i1
        %add3A_1245 = arith.addi %rem3A_1236, %select_n3A_1235 : i32
        %select_n3A_1246 = arith.select %and3A_1244, %add3A_1245, %rem3A_1236 : i32
        %mul3A_1247 = arith.constant 4096 : i32
        %mul3A_1248 = arith.muli %select_n3A_1246, %mul3A_1247 : i32
        %add3A_1249 = arith.addi %mul3A_1248, %mul3A_2 : i32
        %jit3A_1250 = arith.constant 4 : i32
        %div3A_1251 = arith.divsi %sub3A_1230, %jit3A_1250 : i32
        %sign3A_1252 = arith.constant 0 : i32
        %sign3A_1253 = arith.cmpi sgt, %sub3A_1230, %sign3A_1252 : i32
        %sign3A_1254 = arith.extui %sign3A_1253 : i1 to i32
        %sign3A_1255 = arith.constant 0 : i32
        %sign3A_1256 = arith.cmpi slt, %sub3A_1230, %sign3A_1255 : i32
        %sign3A_1257 = arith.extui %sign3A_1256 : i1 to i32
        %sign3A_1258 = arith.subi %sign3A_1254, %sign3A_1257 : i32
        %sign3A_1259 = arith.constant 0 : i32
        %sign3A_1260 = arith.cmpi sgt, %jit3A_1250, %sign3A_1259 : i32
        %sign3A_1261 = arith.extui %sign3A_1260 : i1 to i32
        %sign3A_1262 = arith.constant 0 : i32
        %sign3A_1263 = arith.cmpi slt, %jit3A_1250, %sign3A_1262 : i32
        %sign3A_1264 = arith.extui %sign3A_1263 : i1 to i32
        %sign3A_1265 = arith.subi %sign3A_1261, %sign3A_1264 : i32
        %ne3A_1266 = arith.cmpi ne, %sign3A_1258, %sign3A_1265 : i32
        %rem3A_1267 = arith.remsi %sub3A_1230, %jit3A_1250 : i32
        %ne3A_1268 = arith.constant 0 : i32
        %ne3A_1269 = arith.cmpi ne, %rem3A_1267, %ne3A_1268 : i32
        %and3A_1270 = arith.andi %ne3A_1266, %ne3A_1269 : i1
        %sub3A_1271 = arith.constant 1 : i32
        %sub3A_1272 = arith.subi %div3A_1251, %sub3A_1271 : i32
        %select_n3A_1273 = arith.select %and3A_1270, %sub3A_1272, %div3A_1251 : i32
        %mul3A_1274 = arith.constant 16 : i32
        %mul3A_1275 = arith.muli %select_n3A_1273, %mul3A_1274 : i32
        %add3A_1276 = arith.addi %add3A_1249, %mul3A_1275 : i32
        %dma_wait3A_1277 = arith.constant 3 : i32
        %dma_wait3A_1278 = arith.constant 0 : i32
        %dma_wait3A_1279 = arith.constant 0 : i32
        %dma_wait3A_1280 = tpu.memref_slice %arg5[%dma_wait3A_1277, %dma_wait3A_1278, %dma_wait3A_1279] : memref<4x16x1024xf32, #tpu.memory_space<vmem>> -> memref<1x16x1024xf32, #tpu.memory_space<vmem>>
        %dma_wait3A_1281 = tpu.memref_squeeze %dma_wait3A_1280 : memref<1x16x1024xf32, #tpu.memory_space<vmem>> -> memref<16x1024xf32, #tpu.memory_space<vmem>>
        %dma_wait3A_1282 = arith.constant 0 : i32
        %dma_wait3A_1283 = tpu.memref_slice %arg4[%add3A_1276, %dma_wait3A_1282] : memref<16384x1024xf32, #tpu.memory_space<hbm>> -> memref<16x1024xf32, #tpu.memory_space<hbm>>
        %dma_wait3A_1284 = arith.constant 0 : i32
        %dma_wait3A_1285 = tpu.memref_slice %arg4[%add3A_1276, %dma_wait3A_1284] : memref<16384x1024xf32, #tpu.memory_space<hbm>> -> memref<16x1024xf32, #tpu.memory_space<hbm>>
        %dma_wait3A_1286 = arith.constant 0 : i32
        %dma_wait3A_1287 = arith.constant 0 : i32
        %dma_wait3A_1288 = tpu.memref_slice %arg5[%dma_wait3A_1277, %dma_wait3A_1286, %dma_wait3A_1287] : memref<4x16x1024xf32, #tpu.memory_space<vmem>> -> memref<1x16x1024xf32, #tpu.memory_space<vmem>>
        %dma_wait3A_1289 = tpu.memref_squeeze %dma_wait3A_1288 : memref<1x16x1024xf32, #tpu.memory_space<vmem>> -> memref<16x1024xf32, #tpu.memory_space<vmem>>
        tpu.wait_dma2 semaphore(%arg16 : memref<!tpu.dma_semaphore, #tpu.memory_space<semaphore_mem>>) src(%dma_wait3A_1289 : memref<16x1024xf32, #tpu.memory_space<vmem>>) dst(%dma_wait3A_1285 : memref<16x1024xf32, #tpu.memory_space<hbm>>)
      } else {
      }
      %add3A_820 = arith.constant 2 : i32
      %add3A_821 = arith.addi %add3A_814, %add3A_820 : i32
      %lt3A_822 = arith.constant 32 : i32
      %lt3A_823 = arith.cmpi slt, %add3A_821, %lt3A_822 : i32
      %convert_element_type3A_824 = arith.extui %lt3A_823 : i1 to i32
      %cond3A_825 = arith.constant 0 : i32
      %cond3A_826 = arith.cmpi ne, %convert_element_type3A_824, %cond3A_825 : i32
      scf.if %cond3A_826 {
        %add3A_1229 = arith.constant 2 : i32
        %add3A_1230 = arith.addi %add3A_814, %add3A_1229 : i32
        %jit3A_1231 = arith.constant 4 : i32
        %eq3A_1232 = arith.constant 0 : i32
        %eq3A_1233 = arith.cmpi eq, %jit3A_1231, %eq3A_1232 : i32
        %jit3A_1234 = arith.constant 1 : i32
        %select_n3A_1235 = arith.select %eq3A_1233, %jit3A_1234, %jit3A_1231 : i32
        %rem3A_1236 = arith.remsi %add3A_1230, %select_n3A_1235 : i32
        %ne3A_1237 = arith.constant 0 : i32
        %ne3A_1238 = arith.cmpi ne, %rem3A_1236, %ne3A_1237 : i32
        %lt3A_1239 = arith.constant 0 : i32
        %lt3A_1240 = arith.cmpi slt, %rem3A_1236, %lt3A_1239 : i32
        %lt3A_1241 = arith.constant 0 : i32
        %lt3A_1242 = arith.cmpi slt, %select_n3A_1235, %lt3A_1241 : i32
        %ne3A_1243 = arith.xori %lt3A_1240, %lt3A_1242 : i1
        %and3A_1244 = arith.andi %ne3A_1243, %ne3A_1238 : i1
        %add3A_1245 = arith.addi %rem3A_1236, %select_n3A_1235 : i32
        %select_n3A_1246 = arith.select %and3A_1244, %add3A_1245, %rem3A_1236 : i32
        %mul3A_1247 = arith.constant 4096 : i32
        %mul3A_1248 = arith.muli %select_n3A_1246, %mul3A_1247 : i32
        %add3A_1249 = arith.addi %mul3A_1248, %mul3A_2 : i32
        %jit3A_1250 = arith.constant 4 : i32
        %div3A_1251 = arith.divsi %add3A_1230, %jit3A_1250 : i32
        %sign3A_1252 = arith.constant 0 : i32
        %sign3A_1253 = arith.cmpi sgt, %add3A_1230, %sign3A_1252 : i32
        %sign3A_1254 = arith.extui %sign3A_1253 : i1 to i32
        %sign3A_1255 = arith.constant 0 : i32
        %sign3A_1256 = arith.cmpi slt, %add3A_1230, %sign3A_1255 : i32
        %sign3A_1257 = arith.extui %sign3A_1256 : i1 to i32
        %sign3A_1258 = arith.subi %sign3A_1254, %sign3A_1257 : i32
        %sign3A_1259 = arith.constant 0 : i32
        %sign3A_1260 = arith.cmpi sgt, %jit3A_1250, %sign3A_1259 : i32
        %sign3A_1261 = arith.extui %sign3A_1260 : i1 to i32
        %sign3A_1262 = arith.constant 0 : i32
        %sign3A_1263 = arith.cmpi slt, %jit3A_1250, %sign3A_1262 : i32
        %sign3A_1264 = arith.extui %sign3A_1263 : i1 to i32
        %sign3A_1265 = arith.subi %sign3A_1261, %sign3A_1264 : i32
        %ne3A_1266 = arith.cmpi ne, %sign3A_1258, %sign3A_1265 : i32
        %rem3A_1267 = arith.remsi %add3A_1230, %jit3A_1250 : i32
        %ne3A_1268 = arith.constant 0 : i32
        %ne3A_1269 = arith.cmpi ne, %rem3A_1267, %ne3A_1268 : i32
        %and3A_1270 = arith.andi %ne3A_1266, %ne3A_1269 : i1
        %sub3A_1271 = arith.constant 1 : i32
        %sub3A_1272 = arith.subi %div3A_1251, %sub3A_1271 : i32
        %select_n3A_1273 = arith.select %and3A_1270, %sub3A_1272, %div3A_1251 : i32
        %mul3A_1274 = arith.constant 16 : i32
        %mul3A_1275 = arith.muli %select_n3A_1273, %mul3A_1274 : i32
        %add3A_1276 = arith.addi %add3A_1249, %mul3A_1275 : i32
        %dma_start3A_1277 = arith.constant 3 : i32
        %dma_start3A_1278 = arith.constant 0 : i32
        %dma_start3A_1279 = arith.constant 0 : i32
        %dma_start3A_1280 = tpu.memref_slice %arg5[%dma_start3A_1277, %dma_start3A_1278, %dma_start3A_1279] : memref<4x16x1024xf32, #tpu.memory_space<vmem>> -> memref<1x16x1024xf32, #tpu.memory_space<vmem>>
        %dma_start3A_1281 = tpu.memref_squeeze %dma_start3A_1280 : memref<1x16x1024xf32, #tpu.memory_space<vmem>> -> memref<16x1024xf32, #tpu.memory_space<vmem>>
        %dma_start3A_1282 = arith.constant 0 : i32
        %dma_start3A_1283 = tpu.memref_slice %arg2[%add3A_1276, %dma_start3A_1282] : memref<16384x1024xf32, #tpu.memory_space<hbm>> -> memref<16x1024xf32, #tpu.memory_space<hbm>>
        %dma_start3A_1284 = arith.constant 0 : i32
        %dma_start3A_1285 = arith.constant 0 : i32
        %dma_start3A_1286 = tpu.memref_slice %arg5[%dma_start3A_1277, %dma_start3A_1284, %dma_start3A_1285] : memref<4x16x1024xf32, #tpu.memory_space<vmem>> -> memref<1x16x1024xf32, #tpu.memory_space<vmem>>
        %dma_start3A_1287 = tpu.memref_squeeze %dma_start3A_1286 : memref<1x16x1024xf32, #tpu.memory_space<vmem>> -> memref<16x1024xf32, #tpu.memory_space<vmem>>
        %dma_start3A_1288 = arith.constant 0 : i32
        %dma_start3A_1289 = tpu.memref_slice %arg2[%add3A_1276, %dma_start3A_1288] : memref<16384x1024xf32, #tpu.memory_space<hbm>> -> memref<16x1024xf32, #tpu.memory_space<hbm>>
        tpu.enqueue_dma source(%dma_start3A_1289 : memref<16x1024xf32, #tpu.memory_space<hbm>>) target(%dma_start3A_1287 : memref<16x1024xf32, #tpu.memory_space<vmem>>) target_semaphore(%arg10 : memref<!tpu.dma_semaphore, #tpu.memory_space<semaphore_mem>>)
      } else {
      }
      %jit3A_827 = arith.constant 4 : i32
      %eq3A_828 = arith.constant 0 : i32
      %eq3A_829 = arith.cmpi eq, %jit3A_827, %eq3A_828 : i32
      %jit3A_830 = arith.constant 1 : i32
      %select_n3A_831 = arith.select %eq3A_829, %jit3A_830, %jit3A_827 : i32
      %rem3A_832 = arith.remsi %add3A_814, %select_n3A_831 : i32
      %ne3A_833 = arith.constant 0 : i32
      %ne3A_834 = arith.cmpi ne, %rem3A_832, %ne3A_833 : i32
      %lt3A_835 = arith.constant 0 : i32
      %lt3A_836 = arith.cmpi slt, %rem3A_832, %lt3A_835 : i32
      %lt3A_837 = arith.constant 0 : i32
      %lt3A_838 = arith.cmpi slt, %select_n3A_831, %lt3A_837 : i32
      %ne3A_839 = arith.xori %lt3A_836, %lt3A_838 : i1
      %and3A_840 = arith.andi %ne3A_839, %ne3A_834 : i1
      %add3A_841 = arith.addi %rem3A_832, %select_n3A_831 : i32
      %select_n3A_842 = arith.select %and3A_840, %add3A_841, %rem3A_832 : i32
      %mul3A_843 = arith.constant 4096 : i32
      %mul3A_844 = arith.muli %select_n3A_842, %mul3A_843 : i32
      %add3A_845 = arith.addi %mul3A_844, %mul3A_2 : i32
      %jit3A_846 = arith.constant 4 : i32
      %div3A_847 = arith.divsi %add3A_814, %jit3A_846 : i32
      %sign3A_848 = arith.constant 0 : i32
      %sign3A_849 = arith.cmpi sgt, %add3A_814, %sign3A_848 : i32
      %sign3A_850 = arith.extui %sign3A_849 : i1 to i32
      %sign3A_851 = arith.constant 0 : i32
      %sign3A_852 = arith.cmpi slt, %add3A_814, %sign3A_851 : i32
      %sign3A_853 = arith.extui %sign3A_852 : i1 to i32
      %sign3A_854 = arith.subi %sign3A_850, %sign3A_853 : i32
      %sign3A_855 = arith.constant 0 : i32
      %sign3A_856 = arith.cmpi sgt, %jit3A_846, %sign3A_855 : i32
      %sign3A_857 = arith.extui %sign3A_856 : i1 to i32
      %sign3A_858 = arith.constant 0 : i32
      %sign3A_859 = arith.cmpi slt, %jit3A_846, %sign3A_858 : i32
      %sign3A_860 = arith.extui %sign3A_859 : i1 to i32
      %sign3A_861 = arith.subi %sign3A_857, %sign3A_860 : i32
      %ne3A_862 = arith.cmpi ne, %sign3A_854, %sign3A_861 : i32
      %rem3A_863 = arith.remsi %add3A_814, %jit3A_846 : i32
      %ne3A_864 = arith.constant 0 : i32
      %ne3A_865 = arith.cmpi ne, %rem3A_863, %ne3A_864 : i32
      %and3A_866 = arith.andi %ne3A_862, %ne3A_865 : i1
      %sub3A_867 = arith.constant 1 : i32
      %sub3A_868 = arith.subi %div3A_847, %sub3A_867 : i32
      %select_n3A_869 = arith.select %and3A_866, %sub3A_868, %div3A_847 : i32
      %mul3A_870 = arith.constant 16 : i32
      %mul3A_871 = arith.muli %select_n3A_869, %mul3A_870 : i32
      %add3A_872 = arith.addi %add3A_845, %mul3A_871 : i32
      %dma_wait3A_873 = arith.constant 1 : i32
      %dma_wait3A_874 = arith.constant 0 : i32
      %dma_wait3A_875 = arith.constant 0 : i32
      %dma_wait3A_876 = tpu.memref_slice %arg5[%dma_wait3A_873, %dma_wait3A_874, %dma_wait3A_875] : memref<4x16x1024xf32, #tpu.memory_space<vmem>> -> memref<1x16x1024xf32, #tpu.memory_space<vmem>>
      %dma_wait3A_877 = tpu.memref_squeeze %dma_wait3A_876 : memref<1x16x1024xf32, #tpu.memory_space<vmem>> -> memref<16x1024xf32, #tpu.memory_space<vmem>>
      %dma_wait3A_878 = arith.constant 0 : i32
      %dma_wait3A_879 = tpu.memref_slice %arg2[%add3A_872, %dma_wait3A_878] : memref<16384x1024xf32, #tpu.memory_space<hbm>> -> memref<16x1024xf32, #tpu.memory_space<hbm>>
      %dma_wait3A_880 = arith.constant 0 : i32
      %dma_wait3A_881 = arith.constant 0 : i32
      %dma_wait3A_882 = tpu.memref_slice %arg5[%dma_wait3A_873, %dma_wait3A_880, %dma_wait3A_881] : memref<4x16x1024xf32, #tpu.memory_space<vmem>> -> memref<1x16x1024xf32, #tpu.memory_space<vmem>>
      %dma_wait3A_883 = tpu.memref_squeeze %dma_wait3A_882 : memref<1x16x1024xf32, #tpu.memory_space<vmem>> -> memref<16x1024xf32, #tpu.memory_space<vmem>>
      %dma_wait3A_884 = arith.constant 0 : i32
      %dma_wait3A_885 = tpu.memref_slice %arg2[%add3A_872, %dma_wait3A_884] : memref<16384x1024xf32, #tpu.memory_space<hbm>> -> memref<16x1024xf32, #tpu.memory_space<hbm>>
      tpu.wait_dma2 semaphore(%arg8 : memref<!tpu.dma_semaphore, #tpu.memory_space<semaphore_mem>>) src(%dma_wait3A_885 : memref<16x1024xf32, #tpu.memory_space<hbm>>) dst(%dma_wait3A_883 : memref<16x1024xf32, #tpu.memory_space<vmem>>)
      %parallel_loop3A_886 = arith.constant 0 : i32
      %parallel_loop3A_887 = arith.constant 1024 : i32
      %parallel_loop3A_888 = arith.constant 1 : i32
      scf.for %parallel_loop3A_1229 = %parallel_loop3A_886 to %parallel_loop3A_887 step %parallel_loop3A_888  : i32 {
        %parallel_loop3A_1230 = arith.constant 64 : i32
        %parallel_loop3A_1231 = arith.divsi %parallel_loop3A_1229, %parallel_loop3A_1230 : i32
        %parallel_loop3A_1232 = arith.constant 0 : i32
        %parallel_loop3A_1233 = arith.cmpi sgt, %parallel_loop3A_1229, %parallel_loop3A_1232 : i32
        %parallel_loop3A_1234 = arith.extui %parallel_loop3A_1233 : i1 to i32
        %parallel_loop3A_1235 = arith.constant 0 : i32
        %parallel_loop3A_1236 = arith.cmpi slt, %parallel_loop3A_1229, %parallel_loop3A_1235 : i32
        %parallel_loop3A_1237 = arith.extui %parallel_loop3A_1236 : i1 to i32
        %parallel_loop3A_1238 = arith.subi %parallel_loop3A_1234, %parallel_loop3A_1237 : i32
        %parallel_loop3A_1239 = arith.constant 0 : i32
        %parallel_loop3A_1240 = arith.cmpi sgt, %parallel_loop3A_1230, %parallel_loop3A_1239 : i32
        %parallel_loop3A_1241 = arith.extui %parallel_loop3A_1240 : i1 to i32
        %parallel_loop3A_1242 = arith.constant 0 : i32
        %parallel_loop3A_1243 = arith.cmpi slt, %parallel_loop3A_1230, %parallel_loop3A_1242 : i32
        %parallel_loop3A_1244 = arith.extui %parallel_loop3A_1243 : i1 to i32
        %parallel_loop3A_1245 = arith.subi %parallel_loop3A_1241, %parallel_loop3A_1244 : i32
        %parallel_loop3A_1246 = arith.cmpi ne, %parallel_loop3A_1238, %parallel_loop3A_1245 : i32
        %parallel_loop3A_1247 = arith.remsi %parallel_loop3A_1229, %parallel_loop3A_1230 : i32
        %parallel_loop3A_1248 = arith.constant 0 : i32
        %parallel_loop3A_1249 = arith.cmpi ne, %parallel_loop3A_1247, %parallel_loop3A_1248 : i32
        %parallel_loop3A_1250 = arith.andi %parallel_loop3A_1246, %parallel_loop3A_1249 : i1
        %parallel_loop3A_1251 = arith.constant 1 : i32
        %parallel_loop3A_1252 = arith.subi %parallel_loop3A_1231, %parallel_loop3A_1251 : i32
        %parallel_loop3A_1253 = arith.select %parallel_loop3A_1250, %parallel_loop3A_1252, %parallel_loop3A_1231 : i32
        %parallel_loop3A_1254 = arith.constant 64 : i32
        %parallel_loop3A_1255 = arith.constant 0 : i32
        %parallel_loop3A_1256 = arith.cmpi eq, %parallel_loop3A_1254, %parallel_loop3A_1255 : i32
        %parallel_loop3A_1257 = arith.constant 1 : i32
        %parallel_loop3A_1258 = arith.select %parallel_loop3A_1256, %parallel_loop3A_1257, %parallel_loop3A_1254 : i32
        %parallel_loop3A_1259 = arith.remsi %parallel_loop3A_1229, %parallel_loop3A_1258 : i32
        %parallel_loop3A_1260 = arith.constant 0 : i32
        %parallel_loop3A_1261 = arith.cmpi ne, %parallel_loop3A_1259, %parallel_loop3A_1260 : i32
        %parallel_loop3A_1262 = arith.constant 0 : i32
        %parallel_loop3A_1263 = arith.cmpi slt, %parallel_loop3A_1259, %parallel_loop3A_1262 : i32
        %parallel_loop3A_1264 = arith.constant 0 : i32
        %parallel_loop3A_1265 = arith.cmpi slt, %parallel_loop3A_1258, %parallel_loop3A_1264 : i32
        %parallel_loop3A_1266 = arith.xori %parallel_loop3A_1263, %parallel_loop3A_1265 : i1
        %parallel_loop3A_1267 = arith.andi %parallel_loop3A_1266, %parallel_loop3A_1261 : i1
        %parallel_loop3A_1268 = arith.addi %parallel_loop3A_1259, %parallel_loop3A_1258 : i32
        %parallel_loop3A_1269 = arith.select %parallel_loop3A_1267, %parallel_loop3A_1268, %parallel_loop3A_1259 : i32
        %parallel_loop3A_1270 = arith.constant 16 : i32
        %parallel_loop3A_1271 = arith.muli %parallel_loop3A_1269, %parallel_loop3A_1270 : i32
        %parallel_loop3A_1272 = arith.constant 1 : i32
        %parallel_loop3A_1273 = arith.index_cast %parallel_loop3A_1272 : i32 to index
        %parallel_loop3A_1274 = arith.index_cast %parallel_loop3A_1253 : i32 to index
        %parallel_loop3A_1275 = arith.index_cast %parallel_loop3A_1271 : i32 to index
        %parallel_loop3A_1276 = tpu.vector_load %arg6[%parallel_loop3A_1273, %parallel_loop3A_1274, %parallel_loop3A_1275] {strides = array<i32>} : memref<2x16x1024xf32, #tpu.memory_space<vmem>>, vector<1x1x16xf32>,
        %parallel_loop3A_1277 = vector.shape_cast %parallel_loop3A_1276 : vector<1x1x16xf32> to vector<16xf32>
        %parallel_loop3A_1278 = arith.constant 1 : i32
        %parallel_loop3A_1279 = arith.index_cast %parallel_loop3A_1278 : i32 to index
        %parallel_loop3A_1280 = arith.index_cast %parallel_loop3A_1253 : i32 to index
        %parallel_loop3A_1281 = arith.index_cast %parallel_loop3A_1271 : i32 to index
        %parallel_loop3A_1282 = tpu.vector_load %arg5[%parallel_loop3A_1279, %parallel_loop3A_1280, %parallel_loop3A_1281] {strides = array<i32>} : memref<4x16x1024xf32, #tpu.memory_space<vmem>>, vector<1x1x16xf32>,
        %parallel_loop3A_1283 = vector.shape_cast %parallel_loop3A_1282 : vector<1x1x16xf32> to vector<16xf32>
        %parallel_loop3A_1284 = vector.shape_cast %parallel_loop3A_1277 : vector<16xf32> to vector<1x1x16xf32>
        tpu.vector_store %arg5[%parallel_loop3A_1279, %parallel_loop3A_1280, %parallel_loop3A_1281], %parallel_loop3A_1284 {add = true, strides = array<i32>} : memref<4x16x1024xf32, #tpu.memory_space<vmem>>, vector<1x1x16xf32>,
      } {sc.loop_unroll_factor = 8 : i64, sc.parallel_access}
      %jit3A_889 = arith.constant 4 : i32
      %eq3A_890 = arith.constant 0 : i32
      %eq3A_891 = arith.cmpi eq, %jit3A_889, %eq3A_890 : i32
      %jit3A_892 = arith.constant 1 : i32
      %select_n3A_893 = arith.select %eq3A_891, %jit3A_892, %jit3A_889 : i32
      %rem3A_894 = arith.remsi %add3A_814, %select_n3A_893 : i32
      %ne3A_895 = arith.constant 0 : i32
      %ne3A_896 = arith.cmpi ne, %rem3A_894, %ne3A_895 : i32
      %lt3A_897 = arith.constant 0 : i32
      %lt3A_898 = arith.cmpi slt, %rem3A_894, %lt3A_897 : i32
      %lt3A_899 = arith.constant 0 : i32
      %lt3A_900 = arith.cmpi slt, %select_n3A_893, %lt3A_899 : i32
      %ne3A_901 = arith.xori %lt3A_898, %lt3A_900 : i1
      %and3A_902 = arith.andi %ne3A_901, %ne3A_896 : i1
      %add3A_903 = arith.addi %rem3A_894, %select_n3A_893 : i32
      %select_n3A_904 = arith.select %and3A_902, %add3A_903, %rem3A_894 : i32
      %mul3A_905 = arith.constant 4096 : i32
      %mul3A_906 = arith.muli %select_n3A_904, %mul3A_905 : i32
      %add3A_907 = arith.addi %mul3A_906, %mul3A_2 : i32
      %jit3A_908 = arith.constant 4 : i32
      %div3A_909 = arith.divsi %add3A_814, %jit3A_908 : i32
      %sign3A_910 = arith.constant 0 : i32
      %sign3A_911 = arith.cmpi sgt, %add3A_814, %sign3A_910 : i32
      %sign3A_912 = arith.extui %sign3A_911 : i1 to i32
      %sign3A_913 = arith.constant 0 : i32
      %sign3A_914 = arith.cmpi slt, %add3A_814, %sign3A_913 : i32
      %sign3A_915 = arith.extui %sign3A_914 : i1 to i32
      %sign3A_916 = arith.subi %sign3A_912, %sign3A_915 : i32
      %sign3A_917 = arith.constant 0 : i32
      %sign3A_918 = arith.cmpi sgt, %jit3A_908, %sign3A_917 : i32
      %sign3A_919 = arith.extui %sign3A_918 : i1 to i32
      %sign3A_920 = arith.constant 0 : i32
      %sign3A_921 = arith.cmpi slt, %jit3A_908, %sign3A_920 : i32
      %sign3A_922 = arith.extui %sign3A_921 : i1 to i32
      %sign3A_923 = arith.subi %sign3A_919, %sign3A_922 : i32
      %ne3A_924 = arith.cmpi ne, %sign3A_916, %sign3A_923 : i32
      %rem3A_925 = arith.remsi %add3A_814, %jit3A_908 : i32
      %ne3A_926 = arith.constant 0 : i32
      %ne3A_927 = arith.cmpi ne, %rem3A_925, %ne3A_926 : i32
      %and3A_928 = arith.andi %ne3A_924, %ne3A_927 : i1
      %sub3A_929 = arith.constant 1 : i32
      %sub3A_930 = arith.subi %div3A_909, %sub3A_929 : i32
      %select_n3A_931 = arith.select %and3A_928, %sub3A_930, %div3A_909 : i32
      %mul3A_932 = arith.constant 16 : i32
      %mul3A_933 = arith.muli %select_n3A_931, %mul3A_932 : i32
      %add3A_934 = arith.addi %add3A_907, %mul3A_933 : i32
      %dma_start3A_935 = arith.constant 1 : i32
      %dma_start3A_936 = arith.constant 0 : i32
      %dma_start3A_937 = arith.constant 0 : i32
      %dma_start3A_938 = tpu.memref_slice %arg5[%dma_start3A_935, %dma_start3A_936, %dma_start3A_937] : memref<4x16x1024xf32, #tpu.memory_space<vmem>> -> memref<1x16x1024xf32, #tpu.memory_space<vmem>>
      %dma_start3A_939 = tpu.memref_squeeze %dma_start3A_938 : memref<1x16x1024xf32, #tpu.memory_space<vmem>> -> memref<16x1024xf32, #tpu.memory_space<vmem>>
      %dma_start3A_940 = arith.constant 0 : i32
      %dma_start3A_941 = tpu.memref_slice %arg4[%add3A_934, %dma_start3A_940] : memref<16384x1024xf32, #tpu.memory_space<hbm>> -> memref<16x1024xf32, #tpu.memory_space<hbm>>
      %dma_start3A_942 = arith.constant 0 : i32
      %dma_start3A_943 = tpu.memref_slice %arg4[%add3A_934, %dma_start3A_942] : memref<16384x1024xf32, #tpu.memory_space<hbm>> -> memref<16x1024xf32, #tpu.memory_space<hbm>>
      %dma_start3A_944 = arith.constant 0 : i32
      %dma_start3A_945 = arith.constant 0 : i32
      %dma_start3A_946 = tpu.memref_slice %arg5[%dma_start3A_935, %dma_start3A_944, %dma_start3A_945] : memref<4x16x1024xf32, #tpu.memory_space<vmem>> -> memref<1x16x1024xf32, #tpu.memory_space<vmem>>
      %dma_start3A_947 = tpu.memref_squeeze %dma_start3A_946 : memref<1x16x1024xf32, #tpu.memory_space<vmem>> -> memref<16x1024xf32, #tpu.memory_space<vmem>>
      tpu.enqueue_dma source(%dma_start3A_947 : memref<16x1024xf32, #tpu.memory_space<vmem>>) target(%dma_start3A_943 : memref<16x1024xf32, #tpu.memory_space<hbm>>) target_semaphore(%arg14 : memref<!tpu.dma_semaphore, #tpu.memory_space<semaphore_mem>>)
      %mul3A_948 = arith.constant 4 : i32
      %mul3A_949 = arith.muli %add3A_657, %mul3A_948 : i32
      %add3A_950 = arith.constant 2 : i32
      %add3A_951 = arith.addi %mul3A_949, %add3A_950 : i32
      %ge3A_952 = arith.constant 2 : i32
      %ge3A_953 = arith.cmpi sge, %add3A_951, %ge3A_952 : i32
      %convert_element_type3A_954 = arith.extui %ge3A_953 : i1 to i32
      %cond3A_955 = arith.constant 0 : i32
      %cond3A_956 = arith.cmpi ne, %convert_element_type3A_954, %cond3A_955 : i32
      scf.if %cond3A_956 {
        %sub3A_1229 = arith.constant 2 : i32
        %sub3A_1230 = arith.subi %add3A_951, %sub3A_1229 : i32
        %jit3A_1231 = arith.constant 4 : i32
        %eq3A_1232 = arith.constant 0 : i32
        %eq3A_1233 = arith.cmpi eq, %jit3A_1231, %eq3A_1232 : i32
        %jit3A_1234 = arith.constant 1 : i32
        %select_n3A_1235 = arith.select %eq3A_1233, %jit3A_1234, %jit3A_1231 : i32
        %rem3A_1236 = arith.remsi %sub3A_1230, %select_n3A_1235 : i32
        %ne3A_1237 = arith.constant 0 : i32
        %ne3A_1238 = arith.cmpi ne, %rem3A_1236, %ne3A_1237 : i32
        %lt3A_1239 = arith.constant 0 : i32
        %lt3A_1240 = arith.cmpi slt, %rem3A_1236, %lt3A_1239 : i32
        %lt3A_1241 = arith.constant 0 : i32
        %lt3A_1242 = arith.cmpi slt, %select_n3A_1235, %lt3A_1241 : i32
        %ne3A_1243 = arith.xori %lt3A_1240, %lt3A_1242 : i1
        %and3A_1244 = arith.andi %ne3A_1243, %ne3A_1238 : i1
        %add3A_1245 = arith.addi %rem3A_1236, %select_n3A_1235 : i32
        %select_n3A_1246 = arith.select %and3A_1244, %add3A_1245, %rem3A_1236 : i32
        %mul3A_1247 = arith.constant 4096 : i32
        %mul3A_1248 = arith.muli %select_n3A_1246, %mul3A_1247 : i32
        %add3A_1249 = arith.addi %mul3A_1248, %mul3A_2 : i32
        %jit3A_1250 = arith.constant 4 : i32
        %div3A_1251 = arith.divsi %sub3A_1230, %jit3A_1250 : i32
        %sign3A_1252 = arith.constant 0 : i32
        %sign3A_1253 = arith.cmpi sgt, %sub3A_1230, %sign3A_1252 : i32
        %sign3A_1254 = arith.extui %sign3A_1253 : i1 to i32
        %sign3A_1255 = arith.constant 0 : i32
        %sign3A_1256 = arith.cmpi slt, %sub3A_1230, %sign3A_1255 : i32
        %sign3A_1257 = arith.extui %sign3A_1256 : i1 to i32
        %sign3A_1258 = arith.subi %sign3A_1254, %sign3A_1257 : i32
        %sign3A_1259 = arith.constant 0 : i32
        %sign3A_1260 = arith.cmpi sgt, %jit3A_1250, %sign3A_1259 : i32
        %sign3A_1261 = arith.extui %sign3A_1260 : i1 to i32
        %sign3A_1262 = arith.constant 0 : i32
        %sign3A_1263 = arith.cmpi slt, %jit3A_1250, %sign3A_1262 : i32
        %sign3A_1264 = arith.extui %sign3A_1263 : i1 to i32
        %sign3A_1265 = arith.subi %sign3A_1261, %sign3A_1264 : i32
        %ne3A_1266 = arith.cmpi ne, %sign3A_1258, %sign3A_1265 : i32
        %rem3A_1267 = arith.remsi %sub3A_1230, %jit3A_1250 : i32
        %ne3A_1268 = arith.constant 0 : i32
        %ne3A_1269 = arith.cmpi ne, %rem3A_1267, %ne3A_1268 : i32
        %and3A_1270 = arith.andi %ne3A_1266, %ne3A_1269 : i1
        %sub3A_1271 = arith.constant 1 : i32
        %sub3A_1272 = arith.subi %div3A_1251, %sub3A_1271 : i32
        %select_n3A_1273 = arith.select %and3A_1270, %sub3A_1272, %div3A_1251 : i32
        %mul3A_1274 = arith.constant 16 : i32
        %mul3A_1275 = arith.muli %select_n3A_1273, %mul3A_1274 : i32
        %add3A_1276 = arith.addi %add3A_1249, %mul3A_1275 : i32
        %dma_wait3A_1277 = arith.constant 0 : i32
        %dma_wait3A_1278 = arith.constant 0 : i32
        %dma_wait3A_1279 = arith.constant 0 : i32
        %dma_wait3A_1280 = tpu.memref_slice %arg5[%dma_wait3A_1277, %dma_wait3A_1278, %dma_wait3A_1279] : memref<4x16x1024xf32, #tpu.memory_space<vmem>> -> memref<1x16x1024xf32, #tpu.memory_space<vmem>>
        %dma_wait3A_1281 = tpu.memref_squeeze %dma_wait3A_1280 : memref<1x16x1024xf32, #tpu.memory_space<vmem>> -> memref<16x1024xf32, #tpu.memory_space<vmem>>
        %dma_wait3A_1282 = arith.constant 0 : i32
        %dma_wait3A_1283 = tpu.memref_slice %arg4[%add3A_1276, %dma_wait3A_1282] : memref<16384x1024xf32, #tpu.memory_space<hbm>> -> memref<16x1024xf32, #tpu.memory_space<hbm>>
        %dma_wait3A_1284 = arith.constant 0 : i32
        %dma_wait3A_1285 = tpu.memref_slice %arg4[%add3A_1276, %dma_wait3A_1284] : memref<16384x1024xf32, #tpu.memory_space<hbm>> -> memref<16x1024xf32, #tpu.memory_space<hbm>>
        %dma_wait3A_1286 = arith.constant 0 : i32
        %dma_wait3A_1287 = arith.constant 0 : i32
        %dma_wait3A_1288 = tpu.memref_slice %arg5[%dma_wait3A_1277, %dma_wait3A_1286, %dma_wait3A_1287] : memref<4x16x1024xf32, #tpu.memory_space<vmem>> -> memref<1x16x1024xf32, #tpu.memory_space<vmem>>
        %dma_wait3A_1289 = tpu.memref_squeeze %dma_wait3A_1288 : memref<1x16x1024xf32, #tpu.memory_space<vmem>> -> memref<16x1024xf32, #tpu.memory_space<vmem>>
        tpu.wait_dma2 semaphore(%arg13 : memref<!tpu.dma_semaphore, #tpu.memory_space<semaphore_mem>>) src(%dma_wait3A_1289 : memref<16x1024xf32, #tpu.memory_space<vmem>>) dst(%dma_wait3A_1285 : memref<16x1024xf32, #tpu.memory_space<hbm>>)
      } else {
      }
      %add3A_957 = arith.constant 2 : i32
      %add3A_958 = arith.addi %add3A_951, %add3A_957 : i32
      %lt3A_959 = arith.constant 32 : i32
      %lt3A_960 = arith.cmpi slt, %add3A_958, %lt3A_959 : i32
      %convert_element_type3A_961 = arith.extui %lt3A_960 : i1 to i32
      %cond3A_962 = arith.constant 0 : i32
      %cond3A_963 = arith.cmpi ne, %convert_element_type3A_961, %cond3A_962 : i32
      scf.if %cond3A_963 {
        %add3A_1229 = arith.constant 2 : i32
        %add3A_1230 = arith.addi %add3A_951, %add3A_1229 : i32
        %jit3A_1231 = arith.constant 4 : i32
        %eq3A_1232 = arith.constant 0 : i32
        %eq3A_1233 = arith.cmpi eq, %jit3A_1231, %eq3A_1232 : i32
        %jit3A_1234 = arith.constant 1 : i32
        %select_n3A_1235 = arith.select %eq3A_1233, %jit3A_1234, %jit3A_1231 : i32
        %rem3A_1236 = arith.remsi %add3A_1230, %select_n3A_1235 : i32
        %ne3A_1237 = arith.constant 0 : i32
        %ne3A_1238 = arith.cmpi ne, %rem3A_1236, %ne3A_1237 : i32
        %lt3A_1239 = arith.constant 0 : i32
        %lt3A_1240 = arith.cmpi slt, %rem3A_1236, %lt3A_1239 : i32
        %lt3A_1241 = arith.constant 0 : i32
        %lt3A_1242 = arith.cmpi slt, %select_n3A_1235, %lt3A_1241 : i32
        %ne3A_1243 = arith.xori %lt3A_1240, %lt3A_1242 : i1
        %and3A_1244 = arith.andi %ne3A_1243, %ne3A_1238 : i1
        %add3A_1245 = arith.addi %rem3A_1236, %select_n3A_1235 : i32
        %select_n3A_1246 = arith.select %and3A_1244, %add3A_1245, %rem3A_1236 : i32
        %mul3A_1247 = arith.constant 4096 : i32
        %mul3A_1248 = arith.muli %select_n3A_1246, %mul3A_1247 : i32
        %add3A_1249 = arith.addi %mul3A_1248, %mul3A_2 : i32
        %jit3A_1250 = arith.constant 4 : i32
        %div3A_1251 = arith.divsi %add3A_1230, %jit3A_1250 : i32
        %sign3A_1252 = arith.constant 0 : i32
        %sign3A_1253 = arith.cmpi sgt, %add3A_1230, %sign3A_1252 : i32
        %sign3A_1254 = arith.extui %sign3A_1253 : i1 to i32
        %sign3A_1255 = arith.constant 0 : i32
        %sign3A_1256 = arith.cmpi slt, %add3A_1230, %sign3A_1255 : i32
        %sign3A_1257 = arith.extui %sign3A_1256 : i1 to i32
        %sign3A_1258 = arith.subi %sign3A_1254, %sign3A_1257 : i32
        %sign3A_1259 = arith.constant 0 : i32
        %sign3A_1260 = arith.cmpi sgt, %jit3A_1250, %sign3A_1259 : i32
        %sign3A_1261 = arith.extui %sign3A_1260 : i1 to i32
        %sign3A_1262 = arith.constant 0 : i32
        %sign3A_1263 = arith.cmpi slt, %jit3A_1250, %sign3A_1262 : i32
        %sign3A_1264 = arith.extui %sign3A_1263 : i1 to i32
        %sign3A_1265 = arith.subi %sign3A_1261, %sign3A_1264 : i32
        %ne3A_1266 = arith.cmpi ne, %sign3A_1258, %sign3A_1265 : i32
        %rem3A_1267 = arith.remsi %add3A_1230, %jit3A_1250 : i32
        %ne3A_1268 = arith.constant 0 : i32
        %ne3A_1269 = arith.cmpi ne, %rem3A_1267, %ne3A_1268 : i32
        %and3A_1270 = arith.andi %ne3A_1266, %ne3A_1269 : i1
        %sub3A_1271 = arith.constant 1 : i32
        %sub3A_1272 = arith.subi %div3A_1251, %sub3A_1271 : i32
        %select_n3A_1273 = arith.select %and3A_1270, %sub3A_1272, %div3A_1251 : i32
        %mul3A_1274 = arith.constant 16 : i32
        %mul3A_1275 = arith.muli %select_n3A_1273, %mul3A_1274 : i32
        %add3A_1276 = arith.addi %add3A_1249, %mul3A_1275 : i32
        %dma_start3A_1277 = arith.constant 0 : i32
        %dma_start3A_1278 = arith.constant 0 : i32
        %dma_start3A_1279 = arith.constant 0 : i32
        %dma_start3A_1280 = tpu.memref_slice %arg5[%dma_start3A_1277, %dma_start3A_1278, %dma_start3A_1279] : memref<4x16x1024xf32, #tpu.memory_space<vmem>> -> memref<1x16x1024xf32, #tpu.memory_space<vmem>>
        %dma_start3A_1281 = tpu.memref_squeeze %dma_start3A_1280 : memref<1x16x1024xf32, #tpu.memory_space<vmem>> -> memref<16x1024xf32, #tpu.memory_space<vmem>>
        %dma_start3A_1282 = arith.constant 0 : i32
        %dma_start3A_1283 = tpu.memref_slice %arg2[%add3A_1276, %dma_start3A_1282] : memref<16384x1024xf32, #tpu.memory_space<hbm>> -> memref<16x1024xf32, #tpu.memory_space<hbm>>
        %dma_start3A_1284 = arith.constant 0 : i32
        %dma_start3A_1285 = arith.constant 0 : i32
        %dma_start3A_1286 = tpu.memref_slice %arg5[%dma_start3A_1277, %dma_start3A_1284, %dma_start3A_1285] : memref<4x16x1024xf32, #tpu.memory_space<vmem>> -> memref<1x16x1024xf32, #tpu.memory_space<vmem>>
        %dma_start3A_1287 = tpu.memref_squeeze %dma_start3A_1286 : memref<1x16x1024xf32, #tpu.memory_space<vmem>> -> memref<16x1024xf32, #tpu.memory_space<vmem>>
        %dma_start3A_1288 = arith.constant 0 : i32
        %dma_start3A_1289 = tpu.memref_slice %arg2[%add3A_1276, %dma_start3A_1288] : memref<16384x1024xf32, #tpu.memory_space<hbm>> -> memref<16x1024xf32, #tpu.memory_space<hbm>>
        tpu.enqueue_dma source(%dma_start3A_1289 : memref<16x1024xf32, #tpu.memory_space<hbm>>) target(%dma_start3A_1287 : memref<16x1024xf32, #tpu.memory_space<vmem>>) target_semaphore(%arg7 : memref<!tpu.dma_semaphore, #tpu.memory_space<semaphore_mem>>)
      } else {
      }
      %jit3A_964 = arith.constant 4 : i32
      %eq3A_965 = arith.constant 0 : i32
      %eq3A_966 = arith.cmpi eq, %jit3A_964, %eq3A_965 : i32
      %jit3A_967 = arith.constant 1 : i32
      %select_n3A_968 = arith.select %eq3A_966, %jit3A_967, %jit3A_964 : i32
      %rem3A_969 = arith.remsi %add3A_951, %select_n3A_968 : i32
      %ne3A_970 = arith.constant 0 : i32
      %ne3A_971 = arith.cmpi ne, %rem3A_969, %ne3A_970 : i32
      %lt3A_972 = arith.constant 0 : i32
      %lt3A_973 = arith.cmpi slt, %rem3A_969, %lt3A_972 : i32
      %lt3A_974 = arith.constant 0 : i32
      %lt3A_975 = arith.cmpi slt, %select_n3A_968, %lt3A_974 : i32
      %ne3A_976 = arith.xori %lt3A_973, %lt3A_975 : i1
      %and3A_977 = arith.andi %ne3A_976, %ne3A_971 : i1
      %add3A_978 = arith.addi %rem3A_969, %select_n3A_968 : i32
      %select_n3A_979 = arith.select %and3A_977, %add3A_978, %rem3A_969 : i32
      %mul3A_980 = arith.constant 4096 : i32
      %mul3A_981 = arith.muli %select_n3A_979, %mul3A_980 : i32
      %add3A_982 = arith.addi %mul3A_981, %mul3A_2 : i32
      %jit3A_983 = arith.constant 4 : i32
      %div3A_984 = arith.divsi %add3A_951, %jit3A_983 : i32
      %sign3A_985 = arith.constant 0 : i32
      %sign3A_986 = arith.cmpi sgt, %add3A_951, %sign3A_985 : i32
      %sign3A_987 = arith.extui %sign3A_986 : i1 to i32
      %sign3A_988 = arith.constant 0 : i32
      %sign3A_989 = arith.cmpi slt, %add3A_951, %sign3A_988 : i32
      %sign3A_990 = arith.extui %sign3A_989 : i1 to i32
      %sign3A_991 = arith.subi %sign3A_987, %sign3A_990 : i32
      %sign3A_992 = arith.constant 0 : i32
      %sign3A_993 = arith.cmpi sgt, %jit3A_983, %sign3A_992 : i32
      %sign3A_994 = arith.extui %sign3A_993 : i1 to i32
      %sign3A_995 = arith.constant 0 : i32
      %sign3A_996 = arith.cmpi slt, %jit3A_983, %sign3A_995 : i32
      %sign3A_997 = arith.extui %sign3A_996 : i1 to i32
      %sign3A_998 = arith.subi %sign3A_994, %sign3A_997 : i32
      %ne3A_999 = arith.cmpi ne, %sign3A_991, %sign3A_998 : i32
      %rem3A_1000 = arith.remsi %add3A_951, %jit3A_983 : i32
      %ne3A_1001 = arith.constant 0 : i32
      %ne3A_1002 = arith.cmpi ne, %rem3A_1000, %ne3A_1001 : i32
      %and3A_1003 = arith.andi %ne3A_999, %ne3A_1002 : i1
      %sub3A_1004 = arith.constant 1 : i32
      %sub3A_1005 = arith.subi %div3A_984, %sub3A_1004 : i32
      %select_n3A_1006 = arith.select %and3A_1003, %sub3A_1005, %div3A_984 : i32
      %mul3A_1007 = arith.constant 16 : i32
      %mul3A_1008 = arith.muli %select_n3A_1006, %mul3A_1007 : i32
      %add3A_1009 = arith.addi %add3A_982, %mul3A_1008 : i32
      %dma_wait3A_1010 = arith.constant 2 : i32
      %dma_wait3A_1011 = arith.constant 0 : i32
      %dma_wait3A_1012 = arith.constant 0 : i32
      %dma_wait3A_1013 = tpu.memref_slice %arg5[%dma_wait3A_1010, %dma_wait3A_1011, %dma_wait3A_1012] : memref<4x16x1024xf32, #tpu.memory_space<vmem>> -> memref<1x16x1024xf32, #tpu.memory_space<vmem>>
      %dma_wait3A_1014 = tpu.memref_squeeze %dma_wait3A_1013 : memref<1x16x1024xf32, #tpu.memory_space<vmem>> -> memref<16x1024xf32, #tpu.memory_space<vmem>>
      %dma_wait3A_1015 = arith.constant 0 : i32
      %dma_wait3A_1016 = tpu.memref_slice %arg2[%add3A_1009, %dma_wait3A_1015] : memref<16384x1024xf32, #tpu.memory_space<hbm>> -> memref<16x1024xf32, #tpu.memory_space<hbm>>
      %dma_wait3A_1017 = arith.constant 0 : i32
      %dma_wait3A_1018 = arith.constant 0 : i32
      %dma_wait3A_1019 = tpu.memref_slice %arg5[%dma_wait3A_1010, %dma_wait3A_1017, %dma_wait3A_1018] : memref<4x16x1024xf32, #tpu.memory_space<vmem>> -> memref<1x16x1024xf32, #tpu.memory_space<vmem>>
      %dma_wait3A_1020 = tpu.memref_squeeze %dma_wait3A_1019 : memref<1x16x1024xf32, #tpu.memory_space<vmem>> -> memref<16x1024xf32, #tpu.memory_space<vmem>>
      %dma_wait3A_1021 = arith.constant 0 : i32
      %dma_wait3A_1022 = tpu.memref_slice %arg2[%add3A_1009, %dma_wait3A_1021] : memref<16384x1024xf32, #tpu.memory_space<hbm>> -> memref<16x1024xf32, #tpu.memory_space<hbm>>
      tpu.wait_dma2 semaphore(%arg9 : memref<!tpu.dma_semaphore, #tpu.memory_space<semaphore_mem>>) src(%dma_wait3A_1022 : memref<16x1024xf32, #tpu.memory_space<hbm>>) dst(%dma_wait3A_1020 : memref<16x1024xf32, #tpu.memory_space<vmem>>)
      %parallel_loop3A_1023 = arith.constant 0 : i32
      %parallel_loop3A_1024 = arith.constant 1024 : i32
      %parallel_loop3A_1025 = arith.constant 1 : i32
      scf.for %parallel_loop3A_1229 = %parallel_loop3A_1023 to %parallel_loop3A_1024 step %parallel_loop3A_1025  : i32 {
        %parallel_loop3A_1230 = arith.constant 64 : i32
        %parallel_loop3A_1231 = arith.divsi %parallel_loop3A_1229, %parallel_loop3A_1230 : i32
        %parallel_loop3A_1232 = arith.constant 0 : i32
        %parallel_loop3A_1233 = arith.cmpi sgt, %parallel_loop3A_1229, %parallel_loop3A_1232 : i32
        %parallel_loop3A_1234 = arith.extui %parallel_loop3A_1233 : i1 to i32
        %parallel_loop3A_1235 = arith.constant 0 : i32
        %parallel_loop3A_1236 = arith.cmpi slt, %parallel_loop3A_1229, %parallel_loop3A_1235 : i32
        %parallel_loop3A_1237 = arith.extui %parallel_loop3A_1236 : i1 to i32
        %parallel_loop3A_1238 = arith.subi %parallel_loop3A_1234, %parallel_loop3A_1237 : i32
        %parallel_loop3A_1239 = arith.constant 0 : i32
        %parallel_loop3A_1240 = arith.cmpi sgt, %parallel_loop3A_1230, %parallel_loop3A_1239 : i32
        %parallel_loop3A_1241 = arith.extui %parallel_loop3A_1240 : i1 to i32
        %parallel_loop3A_1242 = arith.constant 0 : i32
        %parallel_loop3A_1243 = arith.cmpi slt, %parallel_loop3A_1230, %parallel_loop3A_1242 : i32
        %parallel_loop3A_1244 = arith.extui %parallel_loop3A_1243 : i1 to i32
        %parallel_loop3A_1245 = arith.subi %parallel_loop3A_1241, %parallel_loop3A_1244 : i32
        %parallel_loop3A_1246 = arith.cmpi ne, %parallel_loop3A_1238, %parallel_loop3A_1245 : i32
        %parallel_loop3A_1247 = arith.remsi %parallel_loop3A_1229, %parallel_loop3A_1230 : i32
        %parallel_loop3A_1248 = arith.constant 0 : i32
        %parallel_loop3A_1249 = arith.cmpi ne, %parallel_loop3A_1247, %parallel_loop3A_1248 : i32
        %parallel_loop3A_1250 = arith.andi %parallel_loop3A_1246, %parallel_loop3A_1249 : i1
        %parallel_loop3A_1251 = arith.constant 1 : i32
        %parallel_loop3A_1252 = arith.subi %parallel_loop3A_1231, %parallel_loop3A_1251 : i32
        %parallel_loop3A_1253 = arith.select %parallel_loop3A_1250, %parallel_loop3A_1252, %parallel_loop3A_1231 : i32
        %parallel_loop3A_1254 = arith.constant 64 : i32
        %parallel_loop3A_1255 = arith.constant 0 : i32
        %parallel_loop3A_1256 = arith.cmpi eq, %parallel_loop3A_1254, %parallel_loop3A_1255 : i32
        %parallel_loop3A_1257 = arith.constant 1 : i32
        %parallel_loop3A_1258 = arith.select %parallel_loop3A_1256, %parallel_loop3A_1257, %parallel_loop3A_1254 : i32
        %parallel_loop3A_1259 = arith.remsi %parallel_loop3A_1229, %parallel_loop3A_1258 : i32
        %parallel_loop3A_1260 = arith.constant 0 : i32
        %parallel_loop3A_1261 = arith.cmpi ne, %parallel_loop3A_1259, %parallel_loop3A_1260 : i32
        %parallel_loop3A_1262 = arith.constant 0 : i32
        %parallel_loop3A_1263 = arith.cmpi slt, %parallel_loop3A_1259, %parallel_loop3A_1262 : i32
        %parallel_loop3A_1264 = arith.constant 0 : i32
        %parallel_loop3A_1265 = arith.cmpi slt, %parallel_loop3A_1258, %parallel_loop3A_1264 : i32
        %parallel_loop3A_1266 = arith.xori %parallel_loop3A_1263, %parallel_loop3A_1265 : i1
        %parallel_loop3A_1267 = arith.andi %parallel_loop3A_1266, %parallel_loop3A_1261 : i1
        %parallel_loop3A_1268 = arith.addi %parallel_loop3A_1259, %parallel_loop3A_1258 : i32
        %parallel_loop3A_1269 = arith.select %parallel_loop3A_1267, %parallel_loop3A_1268, %parallel_loop3A_1259 : i32
        %parallel_loop3A_1270 = arith.constant 16 : i32
        %parallel_loop3A_1271 = arith.muli %parallel_loop3A_1269, %parallel_loop3A_1270 : i32
        %parallel_loop3A_1272 = arith.constant 1 : i32
        %parallel_loop3A_1273 = arith.index_cast %parallel_loop3A_1272 : i32 to index
        %parallel_loop3A_1274 = arith.index_cast %parallel_loop3A_1253 : i32 to index
        %parallel_loop3A_1275 = arith.index_cast %parallel_loop3A_1271 : i32 to index
        %parallel_loop3A_1276 = tpu.vector_load %arg6[%parallel_loop3A_1273, %parallel_loop3A_1274, %parallel_loop3A_1275] {strides = array<i32>} : memref<2x16x1024xf32, #tpu.memory_space<vmem>>, vector<1x1x16xf32>,
        %parallel_loop3A_1277 = vector.shape_cast %parallel_loop3A_1276 : vector<1x1x16xf32> to vector<16xf32>
        %parallel_loop3A_1278 = arith.constant 2 : i32
        %parallel_loop3A_1279 = arith.index_cast %parallel_loop3A_1278 : i32 to index
        %parallel_loop3A_1280 = arith.index_cast %parallel_loop3A_1253 : i32 to index
        %parallel_loop3A_1281 = arith.index_cast %parallel_loop3A_1271 : i32 to index
        %parallel_loop3A_1282 = tpu.vector_load %arg5[%parallel_loop3A_1279, %parallel_loop3A_1280, %parallel_loop3A_1281] {strides = array<i32>} : memref<4x16x1024xf32, #tpu.memory_space<vmem>>, vector<1x1x16xf32>,
        %parallel_loop3A_1283 = vector.shape_cast %parallel_loop3A_1282 : vector<1x1x16xf32> to vector<16xf32>
        %parallel_loop3A_1284 = vector.shape_cast %parallel_loop3A_1277 : vector<16xf32> to vector<1x1x16xf32>
        tpu.vector_store %arg5[%parallel_loop3A_1279, %parallel_loop3A_1280, %parallel_loop3A_1281], %parallel_loop3A_1284 {add = true, strides = array<i32>} : memref<4x16x1024xf32, #tpu.memory_space<vmem>>, vector<1x1x16xf32>,
      } {sc.loop_unroll_factor = 8 : i64, sc.parallel_access}
      %jit3A_1026 = arith.constant 4 : i32
      %eq3A_1027 = arith.constant 0 : i32
      %eq3A_1028 = arith.cmpi eq, %jit3A_1026, %eq3A_1027 : i32
      %jit3A_1029 = arith.constant 1 : i32
      %select_n3A_1030 = arith.select %eq3A_1028, %jit3A_1029, %jit3A_1026 : i32
      %rem3A_1031 = arith.remsi %add3A_951, %select_n3A_1030 : i32
      %ne3A_1032 = arith.constant 0 : i32
      %ne3A_1033 = arith.cmpi ne, %rem3A_1031, %ne3A_1032 : i32
      %lt3A_1034 = arith.constant 0 : i32
      %lt3A_1035 = arith.cmpi slt, %rem3A_1031, %lt3A_1034 : i32
      %lt3A_1036 = arith.constant 0 : i32
      %lt3A_1037 = arith.cmpi slt, %select_n3A_1030, %lt3A_1036 : i32
      %ne3A_1038 = arith.xori %lt3A_1035, %lt3A_1037 : i1
      %and3A_1039 = arith.andi %ne3A_1038, %ne3A_1033 : i1
      %add3A_1040 = arith.addi %rem3A_1031, %select_n3A_1030 : i32
      %select_n3A_1041 = arith.select %and3A_1039, %add3A_1040, %rem3A_1031 : i32
      %mul3A_1042 = arith.constant 4096 : i32
      %mul3A_1043 = arith.muli %select_n3A_1041, %mul3A_1042 : i32
      %add3A_1044 = arith.addi %mul3A_1043, %mul3A_2 : i32
      %jit3A_1045 = arith.constant 4 : i32
      %div3A_1046 = arith.divsi %add3A_951, %jit3A_1045 : i32
      %sign3A_1047 = arith.constant 0 : i32
      %sign3A_1048 = arith.cmpi sgt, %add3A_951, %sign3A_1047 : i32
      %sign3A_1049 = arith.extui %sign3A_1048 : i1 to i32
      %sign3A_1050 = arith.constant 0 : i32
      %sign3A_1051 = arith.cmpi slt, %add3A_951, %sign3A_1050 : i32
      %sign3A_1052 = arith.extui %sign3A_1051 : i1 to i32
      %sign3A_1053 = arith.subi %sign3A_1049, %sign3A_1052 : i32
      %sign3A_1054 = arith.constant 0 : i32
      %sign3A_1055 = arith.cmpi sgt, %jit3A_1045, %sign3A_1054 : i32
      %sign3A_1056 = arith.extui %sign3A_1055 : i1 to i32
      %sign3A_1057 = arith.constant 0 : i32
      %sign3A_1058 = arith.cmpi slt, %jit3A_1045, %sign3A_1057 : i32
      %sign3A_1059 = arith.extui %sign3A_1058 : i1 to i32
      %sign3A_1060 = arith.subi %sign3A_1056, %sign3A_1059 : i32
      %ne3A_1061 = arith.cmpi ne, %sign3A_1053, %sign3A_1060 : i32
      %rem3A_1062 = arith.remsi %add3A_951, %jit3A_1045 : i32
      %ne3A_1063 = arith.constant 0 : i32
      %ne3A_1064 = arith.cmpi ne, %rem3A_1062, %ne3A_1063 : i32
      %and3A_1065 = arith.andi %ne3A_1061, %ne3A_1064 : i1
      %sub3A_1066 = arith.constant 1 : i32
      %sub3A_1067 = arith.subi %div3A_1046, %sub3A_1066 : i32
      %select_n3A_1068 = arith.select %and3A_1065, %sub3A_1067, %div3A_1046 : i32
      %mul3A_1069 = arith.constant 16 : i32
      %mul3A_1070 = arith.muli %select_n3A_1068, %mul3A_1069 : i32
      %add3A_1071 = arith.addi %add3A_1044, %mul3A_1070 : i32
      %dma_start3A_1072 = arith.constant 2 : i32
      %dma_start3A_1073 = arith.constant 0 : i32
      %dma_start3A_1074 = arith.constant 0 : i32
      %dma_start3A_1075 = tpu.memref_slice %arg5[%dma_start3A_1072, %dma_start3A_1073, %dma_start3A_1074] : memref<4x16x1024xf32, #tpu.memory_space<vmem>> -> memref<1x16x1024xf32, #tpu.memory_space<vmem>>
      %dma_start3A_1076 = tpu.memref_squeeze %dma_start3A_1075 : memref<1x16x1024xf32, #tpu.memory_space<vmem>> -> memref<16x1024xf32, #tpu.memory_space<vmem>>
      %dma_start3A_1077 = arith.constant 0 : i32
      %dma_start3A_1078 = tpu.memref_slice %arg4[%add3A_1071, %dma_start3A_1077] : memref<16384x1024xf32, #tpu.memory_space<hbm>> -> memref<16x1024xf32, #tpu.memory_space<hbm>>
      %dma_start3A_1079 = arith.constant 0 : i32
      %dma_start3A_1080 = tpu.memref_slice %arg4[%add3A_1071, %dma_start3A_1079] : memref<16384x1024xf32, #tpu.memory_space<hbm>> -> memref<16x1024xf32, #tpu.memory_space<hbm>>
      %dma_start3A_1081 = arith.constant 0 : i32
      %dma_start3A_1082 = arith.constant 0 : i32
      %dma_start3A_1083 = tpu.memref_slice %arg5[%dma_start3A_1072, %dma_start3A_1081, %dma_start3A_1082] : memref<4x16x1024xf32, #tpu.memory_space<vmem>> -> memref<1x16x1024xf32, #tpu.memory_space<vmem>>
      %dma_start3A_1084 = tpu.memref_squeeze %dma_start3A_1083 : memref<1x16x1024xf32, #tpu.memory_space<vmem>> -> memref<16x1024xf32, #tpu.memory_space<vmem>>
      tpu.enqueue_dma source(%dma_start3A_1084 : memref<16x1024xf32, #tpu.memory_space<vmem>>) target(%dma_start3A_1080 : memref<16x1024xf32, #tpu.memory_space<hbm>>) target_semaphore(%arg15 : memref<!tpu.dma_semaphore, #tpu.memory_space<semaphore_mem>>)
      %mul3A_1085 = arith.constant 4 : i32
      %mul3A_1086 = arith.muli %add3A_657, %mul3A_1085 : i32
      %add3A_1087 = arith.constant 3 : i32
      %add3A_1088 = arith.addi %mul3A_1086, %add3A_1087 : i32
      %ge3A_1089 = arith.constant 2 : i32
      %ge3A_1090 = arith.cmpi sge, %add3A_1088, %ge3A_1089 : i32
      %convert_element_type3A_1091 = arith.extui %ge3A_1090 : i1 to i32
      %cond3A_1092 = arith.constant 0 : i32
      %cond3A_1093 = arith.cmpi ne, %convert_element_type3A_1091, %cond3A_1092 : i32
      scf.if %cond3A_1093 {
        %sub3A_1229 = arith.constant 2 : i32
        %sub3A_1230 = arith.subi %add3A_1088, %sub3A_1229 : i32
        %jit3A_1231 = arith.constant 4 : i32
        %eq3A_1232 = arith.constant 0 : i32
        %eq3A_1233 = arith.cmpi eq, %jit3A_1231, %eq3A_1232 : i32
        %jit3A_1234 = arith.constant 1 : i32
        %select_n3A_1235 = arith.select %eq3A_1233, %jit3A_1234, %jit3A_1231 : i32
        %rem3A_1236 = arith.remsi %sub3A_1230, %select_n3A_1235 : i32
        %ne3A_1237 = arith.constant 0 : i32
        %ne3A_1238 = arith.cmpi ne, %rem3A_1236, %ne3A_1237 : i32
        %lt3A_1239 = arith.constant 0 : i32
        %lt3A_1240 = arith.cmpi slt, %rem3A_1236, %lt3A_1239 : i32
        %lt3A_1241 = arith.constant 0 : i32
        %lt3A_1242 = arith.cmpi slt, %select_n3A_1235, %lt3A_1241 : i32
        %ne3A_1243 = arith.xori %lt3A_1240, %lt3A_1242 : i1
        %and3A_1244 = arith.andi %ne3A_1243, %ne3A_1238 : i1
        %add3A_1245 = arith.addi %rem3A_1236, %select_n3A_1235 : i32
        %select_n3A_1246 = arith.select %and3A_1244, %add3A_1245, %rem3A_1236 : i32
        %mul3A_1247 = arith.constant 4096 : i32
        %mul3A_1248 = arith.muli %select_n3A_1246, %mul3A_1247 : i32
        %add3A_1249 = arith.addi %mul3A_1248, %mul3A_2 : i32
        %jit3A_1250 = arith.constant 4 : i32
        %div3A_1251 = arith.divsi %sub3A_1230, %jit3A_1250 : i32
        %sign3A_1252 = arith.constant 0 : i32
        %sign3A_1253 = arith.cmpi sgt, %sub3A_1230, %sign3A_1252 : i32
        %sign3A_1254 = arith.extui %sign3A_1253 : i1 to i32
        %sign3A_1255 = arith.constant 0 : i32
        %sign3A_1256 = arith.cmpi slt, %sub3A_1230, %sign3A_1255 : i32
        %sign3A_1257 = arith.extui %sign3A_1256 : i1 to i32
        %sign3A_1258 = arith.subi %sign3A_1254, %sign3A_1257 : i32
        %sign3A_1259 = arith.constant 0 : i32
        %sign3A_1260 = arith.cmpi sgt, %jit3A_1250, %sign3A_1259 : i32
        %sign3A_1261 = arith.extui %sign3A_1260 : i1 to i32
        %sign3A_1262 = arith.constant 0 : i32
        %sign3A_1263 = arith.cmpi slt, %jit3A_1250, %sign3A_1262 : i32
        %sign3A_1264 = arith.extui %sign3A_1263 : i1 to i32
        %sign3A_1265 = arith.subi %sign3A_1261, %sign3A_1264 : i32
        %ne3A_1266 = arith.cmpi ne, %sign3A_1258, %sign3A_1265 : i32
        %rem3A_1267 = arith.remsi %sub3A_1230, %jit3A_1250 : i32
        %ne3A_1268 = arith.constant 0 : i32
        %ne3A_1269 = arith.cmpi ne, %rem3A_1267, %ne3A_1268 : i32
        %and3A_1270 = arith.andi %ne3A_1266, %ne3A_1269 : i1
        %sub3A_1271 = arith.constant 1 : i32
        %sub3A_1272 = arith.subi %div3A_1251, %sub3A_1271 : i32
        %select_n3A_1273 = arith.select %and3A_1270, %sub3A_1272, %div3A_1251 : i32
        %mul3A_1274 = arith.constant 16 : i32
        %mul3A_1275 = arith.muli %select_n3A_1273, %mul3A_1274 : i32
        %add3A_1276 = arith.addi %add3A_1249, %mul3A_1275 : i32
        %dma_wait3A_1277 = arith.constant 1 : i32
        %dma_wait3A_1278 = arith.constant 0 : i32
        %dma_wait3A_1279 = arith.constant 0 : i32
        %dma_wait3A_1280 = tpu.memref_slice %arg5[%dma_wait3A_1277, %dma_wait3A_1278, %dma_wait3A_1279] : memref<4x16x1024xf32, #tpu.memory_space<vmem>> -> memref<1x16x1024xf32, #tpu.memory_space<vmem>>
        %dma_wait3A_1281 = tpu.memref_squeeze %dma_wait3A_1280 : memref<1x16x1024xf32, #tpu.memory_space<vmem>> -> memref<16x1024xf32, #tpu.memory_space<vmem>>
        %dma_wait3A_1282 = arith.constant 0 : i32
        %dma_wait3A_1283 = tpu.memref_slice %arg4[%add3A_1276, %dma_wait3A_1282] : memref<16384x1024xf32, #tpu.memory_space<hbm>> -> memref<16x1024xf32, #tpu.memory_space<hbm>>
        %dma_wait3A_1284 = arith.constant 0 : i32
        %dma_wait3A_1285 = tpu.memref_slice %arg4[%add3A_1276, %dma_wait3A_1284] : memref<16384x1024xf32, #tpu.memory_space<hbm>> -> memref<16x1024xf32, #tpu.memory_space<hbm>>
        %dma_wait3A_1286 = arith.constant 0 : i32
        %dma_wait3A_1287 = arith.constant 0 : i32
        %dma_wait3A_1288 = tpu.memref_slice %arg5[%dma_wait3A_1277, %dma_wait3A_1286, %dma_wait3A_1287] : memref<4x16x1024xf32, #tpu.memory_space<vmem>> -> memref<1x16x1024xf32, #tpu.memory_space<vmem>>
        %dma_wait3A_1289 = tpu.memref_squeeze %dma_wait3A_1288 : memref<1x16x1024xf32, #tpu.memory_space<vmem>> -> memref<16x1024xf32, #tpu.memory_space<vmem>>
        tpu.wait_dma2 semaphore(%arg14 : memref<!tpu.dma_semaphore, #tpu.memory_space<semaphore_mem>>) src(%dma_wait3A_1289 : memref<16x1024xf32, #tpu.memory_space<vmem>>) dst(%dma_wait3A_1285 : memref<16x1024xf32, #tpu.memory_space<hbm>>)
      } else {
      }
      %add3A_1094 = arith.constant 2 : i32
      %add3A_1095 = arith.addi %add3A_1088, %add3A_1094 : i32
      %lt3A_1096 = arith.constant 32 : i32
      %lt3A_1097 = arith.cmpi slt, %add3A_1095, %lt3A_1096 : i32
      %convert_element_type3A_1098 = arith.extui %lt3A_1097 : i1 to i32
      %cond3A_1099 = arith.constant 0 : i32
      %cond3A_1100 = arith.cmpi ne, %convert_element_type3A_1098, %cond3A_1099 : i32
      scf.if %cond3A_1100 {
        %add3A_1229 = arith.constant 2 : i32
        %add3A_1230 = arith.addi %add3A_1088, %add3A_1229 : i32
        %jit3A_1231 = arith.constant 4 : i32
        %eq3A_1232 = arith.constant 0 : i32
        %eq3A_1233 = arith.cmpi eq, %jit3A_1231, %eq3A_1232 : i32
        %jit3A_1234 = arith.constant 1 : i32
        %select_n3A_1235 = arith.select %eq3A_1233, %jit3A_1234, %jit3A_1231 : i32
        %rem3A_1236 = arith.remsi %add3A_1230, %select_n3A_1235 : i32
        %ne3A_1237 = arith.constant 0 : i32
        %ne3A_1238 = arith.cmpi ne, %rem3A_1236, %ne3A_1237 : i32
        %lt3A_1239 = arith.constant 0 : i32
        %lt3A_1240 = arith.cmpi slt, %rem3A_1236, %lt3A_1239 : i32
        %lt3A_1241 = arith.constant 0 : i32
        %lt3A_1242 = arith.cmpi slt, %select_n3A_1235, %lt3A_1241 : i32
        %ne3A_1243 = arith.xori %lt3A_1240, %lt3A_1242 : i1
        %and3A_1244 = arith.andi %ne3A_1243, %ne3A_1238 : i1
        %add3A_1245 = arith.addi %rem3A_1236, %select_n3A_1235 : i32
        %select_n3A_1246 = arith.select %and3A_1244, %add3A_1245, %rem3A_1236 : i32
        %mul3A_1247 = arith.constant 4096 : i32
        %mul3A_1248 = arith.muli %select_n3A_1246, %mul3A_1247 : i32
        %add3A_1249 = arith.addi %mul3A_1248, %mul3A_2 : i32
        %jit3A_1250 = arith.constant 4 : i32
        %div3A_1251 = arith.divsi %add3A_1230, %jit3A_1250 : i32
        %sign3A_1252 = arith.constant 0 : i32
        %sign3A_1253 = arith.cmpi sgt, %add3A_1230, %sign3A_1252 : i32
        %sign3A_1254 = arith.extui %sign3A_1253 : i1 to i32
        %sign3A_1255 = arith.constant 0 : i32
        %sign3A_1256 = arith.cmpi slt, %add3A_1230, %sign3A_1255 : i32
        %sign3A_1257 = arith.extui %sign3A_1256 : i1 to i32
        %sign3A_1258 = arith.subi %sign3A_1254, %sign3A_1257 : i32
        %sign3A_1259 = arith.constant 0 : i32
        %sign3A_1260 = arith.cmpi sgt, %jit3A_1250, %sign3A_1259 : i32
        %sign3A_1261 = arith.extui %sign3A_1260 : i1 to i32
        %sign3A_1262 = arith.constant 0 : i32
        %sign3A_1263 = arith.cmpi slt, %jit3A_1250, %sign3A_1262 : i32
        %sign3A_1264 = arith.extui %sign3A_1263 : i1 to i32
        %sign3A_1265 = arith.subi %sign3A_1261, %sign3A_1264 : i32
        %ne3A_1266 = arith.cmpi ne, %sign3A_1258, %sign3A_1265 : i32
        %rem3A_1267 = arith.remsi %add3A_1230, %jit3A_1250 : i32
        %ne3A_1268 = arith.constant 0 : i32
        %ne3A_1269 = arith.cmpi ne, %rem3A_1267, %ne3A_1268 : i32
        %and3A_1270 = arith.andi %ne3A_1266, %ne3A_1269 : i1
        %sub3A_1271 = arith.constant 1 : i32
        %sub3A_1272 = arith.subi %div3A_1251, %sub3A_1271 : i32
        %select_n3A_1273 = arith.select %and3A_1270, %sub3A_1272, %div3A_1251 : i32
        %mul3A_1274 = arith.constant 16 : i32
        %mul3A_1275 = arith.muli %select_n3A_1273, %mul3A_1274 : i32
        %add3A_1276 = arith.addi %add3A_1249, %mul3A_1275 : i32
        %dma_start3A_1277 = arith.constant 1 : i32
        %dma_start3A_1278 = arith.constant 0 : i32
        %dma_start3A_1279 = arith.constant 0 : i32
        %dma_start3A_1280 = tpu.memref_slice %arg5[%dma_start3A_1277, %dma_start3A_1278, %dma_start3A_1279] : memref<4x16x1024xf32, #tpu.memory_space<vmem>> -> memref<1x16x1024xf32, #tpu.memory_space<vmem>>
        %dma_start3A_1281 = tpu.memref_squeeze %dma_start3A_1280 : memref<1x16x1024xf32, #tpu.memory_space<vmem>> -> memref<16x1024xf32, #tpu.memory_space<vmem>>
        %dma_start3A_1282 = arith.constant 0 : i32
        %dma_start3A_1283 = tpu.memref_slice %arg2[%add3A_1276, %dma_start3A_1282] : memref<16384x1024xf32, #tpu.memory_space<hbm>> -> memref<16x1024xf32, #tpu.memory_space<hbm>>
        %dma_start3A_1284 = arith.constant 0 : i32
        %dma_start3A_1285 = arith.constant 0 : i32
        %dma_start3A_1286 = tpu.memref_slice %arg5[%dma_start3A_1277, %dma_start3A_1284, %dma_start3A_1285] : memref<4x16x1024xf32, #tpu.memory_space<vmem>> -> memref<1x16x1024xf32, #tpu.memory_space<vmem>>
        %dma_start3A_1287 = tpu.memref_squeeze %dma_start3A_1286 : memref<1x16x1024xf32, #tpu.memory_space<vmem>> -> memref<16x1024xf32, #tpu.memory_space<vmem>>
        %dma_start3A_1288 = arith.constant 0 : i32
        %dma_start3A_1289 = tpu.memref_slice %arg2[%add3A_1276, %dma_start3A_1288] : memref<16384x1024xf32, #tpu.memory_space<hbm>> -> memref<16x1024xf32, #tpu.memory_space<hbm>>
        tpu.enqueue_dma source(%dma_start3A_1289 : memref<16x1024xf32, #tpu.memory_space<hbm>>) target(%dma_start3A_1287 : memref<16x1024xf32, #tpu.memory_space<vmem>>) target_semaphore(%arg8 : memref<!tpu.dma_semaphore, #tpu.memory_space<semaphore_mem>>)
      } else {
      }
      %add3A_1101 = arith.constant 1 : i32
      %add3A_1102 = arith.addi %add3A_657, %add3A_1101 : i32
      %lt3A_1103 = arith.constant 8 : i32
      %lt3A_1104 = arith.cmpi slt, %add3A_1102, %lt3A_1103 : i32
      %convert_element_type3A_1105 = arith.extui %lt3A_1104 : i1 to i32
      %cond3A_1106 = arith.constant 0 : i32
      %cond3A_1107 = arith.cmpi ne, %convert_element_type3A_1105, %cond3A_1106 : i32
      scf.if %cond3A_1107 {
        %add3A_1229 = arith.constant 1 : i32
        %add3A_1230 = arith.addi %add3A_657, %add3A_1229 : i32
        %mul3A_1231 = arith.constant 16 : i32
        %mul3A_1232 = arith.muli %add3A_1230, %mul3A_1231 : i32
        %add3A_1233 = arith.addi %mul3A_2, %mul3A_1232 : i32
        %dma_start3A_1234 = arith.constant 0 : i32
        %dma_start3A_1235 = arith.constant 0 : i32
        %dma_start3A_1236 = arith.constant 0 : i32
        %dma_start3A_1237 = tpu.memref_slice %arg6[%dma_start3A_1234, %dma_start3A_1235, %dma_start3A_1236] : memref<2x16x1024xf32, #tpu.memory_space<vmem>> -> memref<1x16x1024xf32, #tpu.memory_space<vmem>>
        %dma_start3A_1238 = tpu.memref_squeeze %dma_start3A_1237 : memref<1x16x1024xf32, #tpu.memory_space<vmem>> -> memref<16x1024xf32, #tpu.memory_space<vmem>>
        %dma_start3A_1239 = arith.constant 0 : i32
        %dma_start3A_1240 = tpu.memref_slice %arg3[%add3A_1233, %dma_start3A_1239] : memref<4096x1024xf32, #tpu.memory_space<hbm>> -> memref<16x1024xf32, #tpu.memory_space<hbm>>
        %dma_start3A_1241 = arith.constant 0 : i32
        %dma_start3A_1242 = arith.constant 0 : i32
        %dma_start3A_1243 = tpu.memref_slice %arg6[%dma_start3A_1234, %dma_start3A_1241, %dma_start3A_1242] : memref<2x16x1024xf32, #tpu.memory_space<vmem>> -> memref<1x16x1024xf32, #tpu.memory_space<vmem>>
        %dma_start3A_1244 = tpu.memref_squeeze %dma_start3A_1243 : memref<1x16x1024xf32, #tpu.memory_space<vmem>> -> memref<16x1024xf32, #tpu.memory_space<vmem>>
        %dma_start3A_1245 = arith.constant 0 : i32
        %dma_start3A_1246 = tpu.memref_slice %arg3[%add3A_1233, %dma_start3A_1245] : memref<4096x1024xf32, #tpu.memory_space<hbm>> -> memref<16x1024xf32, #tpu.memory_space<hbm>>
        tpu.enqueue_dma source(%dma_start3A_1246 : memref<16x1024xf32, #tpu.memory_space<hbm>>) target(%dma_start3A_1244 : memref<16x1024xf32, #tpu.memory_space<vmem>>) target_semaphore(%arg11 : memref<!tpu.dma_semaphore, #tpu.memory_space<semaphore_mem>>)
      } else {
      }
      %jit3A_1108 = arith.constant 4 : i32
      %eq3A_1109 = arith.constant 0 : i32
      %eq3A_1110 = arith.cmpi eq, %jit3A_1108, %eq3A_1109 : i32
      %jit3A_1111 = arith.constant 1 : i32
      %select_n3A_1112 = arith.select %eq3A_1110, %jit3A_1111, %jit3A_1108 : i32
      %rem3A_1113 = arith.remsi %add3A_1088, %select_n3A_1112 : i32
      %ne3A_1114 = arith.constant 0 : i32
      %ne3A_1115 = arith.cmpi ne, %rem3A_1113, %ne3A_1114 : i32
      %lt3A_1116 = arith.constant 0 : i32
      %lt3A_1117 = arith.cmpi slt, %rem3A_1113, %lt3A_1116 : i32
      %lt3A_1118 = arith.constant 0 : i32
      %lt3A_1119 = arith.cmpi slt, %select_n3A_1112, %lt3A_1118 : i32
      %ne3A_1120 = arith.xori %lt3A_1117, %lt3A_1119 : i1
      %and3A_1121 = arith.andi %ne3A_1120, %ne3A_1115 : i1
      %add3A_1122 = arith.addi %rem3A_1113, %select_n3A_1112 : i32
      %select_n3A_1123 = arith.select %and3A_1121, %add3A_1122, %rem3A_1113 : i32
      %mul3A_1124 = arith.constant 4096 : i32
      %mul3A_1125 = arith.muli %select_n3A_1123, %mul3A_1124 : i32
      %add3A_1126 = arith.addi %mul3A_1125, %mul3A_2 : i32
      %jit3A_1127 = arith.constant 4 : i32
      %div3A_1128 = arith.divsi %add3A_1088, %jit3A_1127 : i32
      %sign3A_1129 = arith.constant 0 : i32
      %sign3A_1130 = arith.cmpi sgt, %add3A_1088, %sign3A_1129 : i32
      %sign3A_1131 = arith.extui %sign3A_1130 : i1 to i32
      %sign3A_1132 = arith.constant 0 : i32
      %sign3A_1133 = arith.cmpi slt, %add3A_1088, %sign3A_1132 : i32
      %sign3A_1134 = arith.extui %sign3A_1133 : i1 to i32
      %sign3A_1135 = arith.subi %sign3A_1131, %sign3A_1134 : i32
      %sign3A_1136 = arith.constant 0 : i32
      %sign3A_1137 = arith.cmpi sgt, %jit3A_1127, %sign3A_1136 : i32
      %sign3A_1138 = arith.extui %sign3A_1137 : i1 to i32
      %sign3A_1139 = arith.constant 0 : i32
      %sign3A_1140 = arith.cmpi slt, %jit3A_1127, %sign3A_1139 : i32
      %sign3A_1141 = arith.extui %sign3A_1140 : i1 to i32
      %sign3A_1142 = arith.subi %sign3A_1138, %sign3A_1141 : i32
      %ne3A_1143 = arith.cmpi ne, %sign3A_1135, %sign3A_1142 : i32
      %rem3A_1144 = arith.remsi %add3A_1088, %jit3A_1127 : i32
      %ne3A_1145 = arith.constant 0 : i32
      %ne3A_1146 = arith.cmpi ne, %rem3A_1144, %ne3A_1145 : i32
      %and3A_1147 = arith.andi %ne3A_1143, %ne3A_1146 : i1
      %sub3A_1148 = arith.constant 1 : i32
      %sub3A_1149 = arith.subi %div3A_1128, %sub3A_1148 : i32
      %select_n3A_1150 = arith.select %and3A_1147, %sub3A_1149, %div3A_1128 : i32
      %mul3A_1151 = arith.constant 16 : i32
      %mul3A_1152 = arith.muli %select_n3A_1150, %mul3A_1151 : i32
      %add3A_1153 = arith.addi %add3A_1126, %mul3A_1152 : i32
      %dma_wait3A_1154 = arith.constant 3 : i32
      %dma_wait3A_1155 = arith.constant 0 : i32
      %dma_wait3A_1156 = arith.constant 0 : i32
      %dma_wait3A_1157 = tpu.memref_slice %arg5[%dma_wait3A_1154, %dma_wait3A_1155, %dma_wait3A_1156] : memref<4x16x1024xf32, #tpu.memory_space<vmem>> -> memref<1x16x1024xf32, #tpu.memory_space<vmem>>
      %dma_wait3A_1158 = tpu.memref_squeeze %dma_wait3A_1157 : memref<1x16x1024xf32, #tpu.memory_space<vmem>> -> memref<16x1024xf32, #tpu.memory_space<vmem>>
      %dma_wait3A_1159 = arith.constant 0 : i32
      %dma_wait3A_1160 = tpu.memref_slice %arg2[%add3A_1153, %dma_wait3A_1159] : memref<16384x1024xf32, #tpu.memory_space<hbm>> -> memref<16x1024xf32, #tpu.memory_space<hbm>>
      %dma_wait3A_1161 = arith.constant 0 : i32
      %dma_wait3A_1162 = arith.constant 0 : i32
      %dma_wait3A_1163 = tpu.memref_slice %arg5[%dma_wait3A_1154, %dma_wait3A_1161, %dma_wait3A_1162] : memref<4x16x1024xf32, #tpu.memory_space<vmem>> -> memref<1x16x1024xf32, #tpu.memory_space<vmem>>
      %dma_wait3A_1164 = tpu.memref_squeeze %dma_wait3A_1163 : memref<1x16x1024xf32, #tpu.memory_space<vmem>> -> memref<16x1024xf32, #tpu.memory_space<vmem>>
      %dma_wait3A_1165 = arith.constant 0 : i32
      %dma_wait3A_1166 = tpu.memref_slice %arg2[%add3A_1153, %dma_wait3A_1165] : memref<16384x1024xf32, #tpu.memory_space<hbm>> -> memref<16x1024xf32, #tpu.memory_space<hbm>>
      tpu.wait_dma2 semaphore(%arg10 : memref<!tpu.dma_semaphore, #tpu.memory_space<semaphore_mem>>) src(%dma_wait3A_1166 : memref<16x1024xf32, #tpu.memory_space<hbm>>) dst(%dma_wait3A_1164 : memref<16x1024xf32, #tpu.memory_space<vmem>>)
      %parallel_loop3A_1167 = arith.constant 0 : i32
      %parallel_loop3A_1168 = arith.constant 1024 : i32
      %parallel_loop3A_1169 = arith.constant 1 : i32
      scf.for %parallel_loop3A_1229 = %parallel_loop3A_1167 to %parallel_loop3A_1168 step %parallel_loop3A_1169  : i32 {
        %parallel_loop3A_1230 = arith.constant 64 : i32
        %parallel_loop3A_1231 = arith.divsi %parallel_loop3A_1229, %parallel_loop3A_1230 : i32
        %parallel_loop3A_1232 = arith.constant 0 : i32
        %parallel_loop3A_1233 = arith.cmpi sgt, %parallel_loop3A_1229, %parallel_loop3A_1232 : i32
        %parallel_loop3A_1234 = arith.extui %parallel_loop3A_1233 : i1 to i32
        %parallel_loop3A_1235 = arith.constant 0 : i32
        %parallel_loop3A_1236 = arith.cmpi slt, %parallel_loop3A_1229, %parallel_loop3A_1235 : i32
        %parallel_loop3A_1237 = arith.extui %parallel_loop3A_1236 : i1 to i32
        %parallel_loop3A_1238 = arith.subi %parallel_loop3A_1234, %parallel_loop3A_1237 : i32
        %parallel_loop3A_1239 = arith.constant 0 : i32
        %parallel_loop3A_1240 = arith.cmpi sgt, %parallel_loop3A_1230, %parallel_loop3A_1239 : i32
        %parallel_loop3A_1241 = arith.extui %parallel_loop3A_1240 : i1 to i32
        %parallel_loop3A_1242 = arith.constant 0 : i32
        %parallel_loop3A_1243 = arith.cmpi slt, %parallel_loop3A_1230, %parallel_loop3A_1242 : i32
        %parallel_loop3A_1244 = arith.extui %parallel_loop3A_1243 : i1 to i32
        %parallel_loop3A_1245 = arith.subi %parallel_loop3A_1241, %parallel_loop3A_1244 : i32
        %parallel_loop3A_1246 = arith.cmpi ne, %parallel_loop3A_1238, %parallel_loop3A_1245 : i32
        %parallel_loop3A_1247 = arith.remsi %parallel_loop3A_1229, %parallel_loop3A_1230 : i32
        %parallel_loop3A_1248 = arith.constant 0 : i32
        %parallel_loop3A_1249 = arith.cmpi ne, %parallel_loop3A_1247, %parallel_loop3A_1248 : i32
        %parallel_loop3A_1250 = arith.andi %parallel_loop3A_1246, %parallel_loop3A_1249 : i1
        %parallel_loop3A_1251 = arith.constant 1 : i32
        %parallel_loop3A_1252 = arith.subi %parallel_loop3A_1231, %parallel_loop3A_1251 : i32
        %parallel_loop3A_1253 = arith.select %parallel_loop3A_1250, %parallel_loop3A_1252, %parallel_loop3A_1231 : i32
        %parallel_loop3A_1254 = arith.constant 64 : i32
        %parallel_loop3A_1255 = arith.constant 0 : i32
        %parallel_loop3A_1256 = arith.cmpi eq, %parallel_loop3A_1254, %parallel_loop3A_1255 : i32
        %parallel_loop3A_1257 = arith.constant 1 : i32
        %parallel_loop3A_1258 = arith.select %parallel_loop3A_1256, %parallel_loop3A_1257, %parallel_loop3A_1254 : i32
        %parallel_loop3A_1259 = arith.remsi %parallel_loop3A_1229, %parallel_loop3A_1258 : i32
        %parallel_loop3A_1260 = arith.constant 0 : i32
        %parallel_loop3A_1261 = arith.cmpi ne, %parallel_loop3A_1259, %parallel_loop3A_1260 : i32
        %parallel_loop3A_1262 = arith.constant 0 : i32
        %parallel_loop3A_1263 = arith.cmpi slt, %parallel_loop3A_1259, %parallel_loop3A_1262 : i32
        %parallel_loop3A_1264 = arith.constant 0 : i32
        %parallel_loop3A_1265 = arith.cmpi slt, %parallel_loop3A_1258, %parallel_loop3A_1264 : i32
        %parallel_loop3A_1266 = arith.xori %parallel_loop3A_1263, %parallel_loop3A_1265 : i1
        %parallel_loop3A_1267 = arith.andi %parallel_loop3A_1266, %parallel_loop3A_1261 : i1
        %parallel_loop3A_1268 = arith.addi %parallel_loop3A_1259, %parallel_loop3A_1258 : i32
        %parallel_loop3A_1269 = arith.select %parallel_loop3A_1267, %parallel_loop3A_1268, %parallel_loop3A_1259 : i32
        %parallel_loop3A_1270 = arith.constant 16 : i32
        %parallel_loop3A_1271 = arith.muli %parallel_loop3A_1269, %parallel_loop3A_1270 : i32
        %parallel_loop3A_1272 = arith.constant 1 : i32
        %parallel_loop3A_1273 = arith.index_cast %parallel_loop3A_1272 : i32 to index
        %parallel_loop3A_1274 = arith.index_cast %parallel_loop3A_1253 : i32 to index
        %parallel_loop3A_1275 = arith.index_cast %parallel_loop3A_1271 : i32 to index
        %parallel_loop3A_1276 = tpu.vector_load %arg6[%parallel_loop3A_1273, %parallel_loop3A_1274, %parallel_loop3A_1275] {strides = array<i32>} : memref<2x16x1024xf32, #tpu.memory_space<vmem>>, vector<1x1x16xf32>,
        %parallel_loop3A_1277 = vector.shape_cast %parallel_loop3A_1276 : vector<1x1x16xf32> to vector<16xf32>
        %parallel_loop3A_1278 = arith.constant 3 : i32
        %parallel_loop3A_1279 = arith.index_cast %parallel_loop3A_1278 : i32 to index
        %parallel_loop3A_1280 = arith.index_cast %parallel_loop3A_1253 : i32 to index
        %parallel_loop3A_1281 = arith.index_cast %parallel_loop3A_1271 : i32 to index
        %parallel_loop3A_1282 = tpu.vector_load %arg5[%parallel_loop3A_1279, %parallel_loop3A_1280, %parallel_loop3A_1281] {strides = array<i32>} : memref<4x16x1024xf32, #tpu.memory_space<vmem>>, vector<1x1x16xf32>,
        %parallel_loop3A_1283 = vector.shape_cast %parallel_loop3A_1282 : vector<1x1x16xf32> to vector<16xf32>
        %parallel_loop3A_1284 = vector.shape_cast %parallel_loop3A_1277 : vector<16xf32> to vector<1x1x16xf32>
        tpu.vector_store %arg5[%parallel_loop3A_1279, %parallel_loop3A_1280, %parallel_loop3A_1281], %parallel_loop3A_1284 {add = true, strides = array<i32>} : memref<4x16x1024xf32, #tpu.memory_space<vmem>>, vector<1x1x16xf32>,
      } {sc.loop_unroll_factor = 8 : i64, sc.parallel_access}
      %jit3A_1170 = arith.constant 4 : i32
      %eq3A_1171 = arith.constant 0 : i32
      %eq3A_1172 = arith.cmpi eq, %jit3A_1170, %eq3A_1171 : i32
      %jit3A_1173 = arith.constant 1 : i32
      %select_n3A_1174 = arith.select %eq3A_1172, %jit3A_1173, %jit3A_1170 : i32
      %rem3A_1175 = arith.remsi %add3A_1088, %select_n3A_1174 : i32
      %ne3A_1176 = arith.constant 0 : i32
      %ne3A_1177 = arith.cmpi ne, %rem3A_1175, %ne3A_1176 : i32
      %lt3A_1178 = arith.constant 0 : i32
      %lt3A_1179 = arith.cmpi slt, %rem3A_1175, %lt3A_1178 : i32
      %lt3A_1180 = arith.constant 0 : i32
      %lt3A_1181 = arith.cmpi slt, %select_n3A_1174, %lt3A_1180 : i32
      %ne3A_1182 = arith.xori %lt3A_1179, %lt3A_1181 : i1
      %and3A_1183 = arith.andi %ne3A_1182, %ne3A_1177 : i1
      %add3A_1184 = arith.addi %rem3A_1175, %select_n3A_1174 : i32
      %select_n3A_1185 = arith.select %and3A_1183, %add3A_1184, %rem3A_1175 : i32
      %mul3A_1186 = arith.constant 4096 : i32
      %mul3A_1187 = arith.muli %select_n3A_1185, %mul3A_1186 : i32
      %add3A_1188 = arith.addi %mul3A_1187, %mul3A_2 : i32
      %jit3A_1189 = arith.constant 4 : i32
      %div3A_1190 = arith.divsi %add3A_1088, %jit3A_1189 : i32
      %sign3A_1191 = arith.constant 0 : i32
      %sign3A_1192 = arith.cmpi sgt, %add3A_1088, %sign3A_1191 : i32
      %sign3A_1193 = arith.extui %sign3A_1192 : i1 to i32
      %sign3A_1194 = arith.constant 0 : i32
      %sign3A_1195 = arith.cmpi slt, %add3A_1088, %sign3A_1194 : i32
      %sign3A_1196 = arith.extui %sign3A_1195 : i1 to i32
      %sign3A_1197 = arith.subi %sign3A_1193, %sign3A_1196 : i32
      %sign3A_1198 = arith.constant 0 : i32
      %sign3A_1199 = arith.cmpi sgt, %jit3A_1189, %sign3A_1198 : i32
      %sign3A_1200 = arith.extui %sign3A_1199 : i1 to i32
      %sign3A_1201 = arith.constant 0 : i32
      %sign3A_1202 = arith.cmpi slt, %jit3A_1189, %sign3A_1201 : i32
      %sign3A_1203 = arith.extui %sign3A_1202 : i1 to i32
      %sign3A_1204 = arith.subi %sign3A_1200, %sign3A_1203 : i32
      %ne3A_1205 = arith.cmpi ne, %sign3A_1197, %sign3A_1204 : i32
      %rem3A_1206 = arith.remsi %add3A_1088, %jit3A_1189 : i32
      %ne3A_1207 = arith.constant 0 : i32
      %ne3A_1208 = arith.cmpi ne, %rem3A_1206, %ne3A_1207 : i32
      %and3A_1209 = arith.andi %ne3A_1205, %ne3A_1208 : i1
      %sub3A_1210 = arith.constant 1 : i32
      %sub3A_1211 = arith.subi %div3A_1190, %sub3A_1210 : i32
      %select_n3A_1212 = arith.select %and3A_1209, %sub3A_1211, %div3A_1190 : i32
      %mul3A_1213 = arith.constant 16 : i32
      %mul3A_1214 = arith.muli %select_n3A_1212, %mul3A_1213 : i32
      %add3A_1215 = arith.addi %add3A_1188, %mul3A_1214 : i32
      %dma_start3A_1216 = arith.constant 3 : i32
      %dma_start3A_1217 = arith.constant 0 : i32
      %dma_start3A_1218 = arith.constant 0 : i32
      %dma_start3A_1219 = tpu.memref_slice %arg5[%dma_start3A_1216, %dma_start3A_1217, %dma_start3A_1218] : memref<4x16x1024xf32, #tpu.memory_space<vmem>> -> memref<1x16x1024xf32, #tpu.memory_space<vmem>>
      %dma_start3A_1220 = tpu.memref_squeeze %dma_start3A_1219 : memref<1x16x1024xf32, #tpu.memory_space<vmem>> -> memref<16x1024xf32, #tpu.memory_space<vmem>>
      %dma_start3A_1221 = arith.constant 0 : i32
      %dma_start3A_1222 = tpu.memref_slice %arg4[%add3A_1215, %dma_start3A_1221] : memref<16384x1024xf32, #tpu.memory_space<hbm>> -> memref<16x1024xf32, #tpu.memory_space<hbm>>
      %dma_start3A_1223 = arith.constant 0 : i32
      %dma_start3A_1224 = tpu.memref_slice %arg4[%add3A_1215, %dma_start3A_1223] : memref<16384x1024xf32, #tpu.memory_space<hbm>> -> memref<16x1024xf32, #tpu.memory_space<hbm>>
      %dma_start3A_1225 = arith.constant 0 : i32
      %dma_start3A_1226 = arith.constant 0 : i32
      %dma_start3A_1227 = tpu.memref_slice %arg5[%dma_start3A_1216, %dma_start3A_1225, %dma_start3A_1226] : memref<4x16x1024xf32, #tpu.memory_space<vmem>> -> memref<1x16x1024xf32, #tpu.memory_space<vmem>>
      %dma_start3A_1228 = tpu.memref_squeeze %dma_start3A_1227 : memref<1x16x1024xf32, #tpu.memory_space<vmem>> -> memref<16x1024xf32, #tpu.memory_space<vmem>>
      tpu.enqueue_dma source(%dma_start3A_1228 : memref<16x1024xf32, #tpu.memory_space<vmem>>) target(%dma_start3A_1224 : memref<16x1024xf32, #tpu.memory_space<hbm>>) target_semaphore(%arg16 : memref<!tpu.dma_semaphore, #tpu.memory_space<semaphore_mem>>)
    }
    %scan3A_54 = arith.constant 4 : i32
    %add3A_55 = arith.constant 8192 : i32
    %add3A_56 = arith.addi %add3A_55, %mul3A_2 : i32
    %add3A_57 = arith.constant 112 : i32
    %add3A_58 = arith.addi %add3A_56, %add3A_57 : i32
    %dma_wait3A = arith.constant 2 : i32
    %dma_wait3A_59 = arith.constant 0 : i32
    %dma_wait3A_60 = arith.constant 0 : i32
    %dma_wait3A_61 = tpu.memref_slice %arg5[%dma_wait3A, %dma_wait3A_59, %dma_wait3A_60] : memref<4x16x1024xf32, #tpu.memory_space<vmem>> -> memref<1x16x1024xf32, #tpu.memory_space<vmem>>
    %dma_wait3A_62 = tpu.memref_squeeze %dma_wait3A_61 : memref<1x16x1024xf32, #tpu.memory_space<vmem>> -> memref<16x1024xf32, #tpu.memory_space<vmem>>
    %dma_wait3A_63 = arith.constant 0 : i32
    %dma_wait3A_64 = tpu.memref_slice %arg4[%add3A_58, %dma_wait3A_63] : memref<16384x1024xf32, #tpu.memory_space<hbm>> -> memref<16x1024xf32, #tpu.memory_space<hbm>>
    %dma_wait3A_65 = arith.constant 0 : i32
    %dma_wait3A_66 = tpu.memref_slice %arg4[%add3A_58, %dma_wait3A_65] : memref<16384x1024xf32, #tpu.memory_space<hbm>> -> memref<16x1024xf32, #tpu.memory_space<hbm>>
    %dma_wait3A_67 = arith.constant 0 : i32
    %dma_wait3A_68 = arith.constant 0 : i32
    %dma_wait3A_69 = tpu.memref_slice %arg5[%dma_wait3A, %dma_wait3A_67, %dma_wait3A_68] : memref<4x16x1024xf32, #tpu.memory_space<vmem>> -> memref<1x16x1024xf32, #tpu.memory_space<vmem>>
    %dma_wait3A_70 = tpu.memref_squeeze %dma_wait3A_69 : memref<1x16x1024xf32, #tpu.memory_space<vmem>> -> memref<16x1024xf32, #tpu.memory_space<vmem>>
    tpu.wait_dma2 semaphore(%arg15 : memref<!tpu.dma_semaphore, #tpu.memory_space<semaphore_mem>>) src(%dma_wait3A_70 : memref<16x1024xf32, #tpu.memory_space<vmem>>) dst(%dma_wait3A_66 : memref<16x1024xf32, #tpu.memory_space<hbm>>)
    %add3A_71 = arith.constant 12288 : i32
    %add3A_72 = arith.addi %add3A_71, %mul3A_2 : i32
    %add3A_73 = arith.constant 112 : i32
    %add3A_74 = arith.addi %add3A_72, %add3A_73 : i32
    %dma_wait3A_75 = arith.constant 3 : i32
    %dma_wait3A_76 = arith.constant 0 : i32
    %dma_wait3A_77 = arith.constant 0 : i32
    %dma_wait3A_78 = tpu.memref_slice %arg5[%dma_wait3A_75, %dma_wait3A_76, %dma_wait3A_77] : memref<4x16x1024xf32, #tpu.memory_space<vmem>> -> memref<1x16x1024xf32, #tpu.memory_space<vmem>>
    %dma_wait3A_79 = tpu.memref_squeeze %dma_wait3A_78 : memref<1x16x1024xf32, #tpu.memory_space<vmem>> -> memref<16x1024xf32, #tpu.memory_space<vmem>>
    %dma_wait3A_80 = arith.constant 0 : i32
    %dma_wait3A_81 = tpu.memref_slice %arg4[%add3A_74, %dma_wait3A_80] : memref<16384x1024xf32, #tpu.memory_space<hbm>> -> memref<16x1024xf32, #tpu.memory_space<hbm>>
    %dma_wait3A_82 = arith.constant 0 : i32
    %dma_wait3A_83 = tpu.memref_slice %arg4[%add3A_74, %dma_wait3A_82] : memref<16384x1024xf32, #tpu.memory_space<hbm>> -> memref<16x1024xf32, #tpu.memory_space<hbm>>
    %dma_wait3A_84 = arith.constant 0 : i32
    %dma_wait3A_85 = arith.constant 0 : i32
    %dma_wait3A_86 = tpu.memref_slice %arg5[%dma_wait3A_75, %dma_wait3A_84, %dma_wait3A_85] : memref<4x16x1024xf32, #tpu.memory_space<vmem>> -> memref<1x16x1024xf32, #tpu.memory_space<vmem>>
    %dma_wait3A_87 = tpu.memref_squeeze %dma_wait3A_86 : memref<1x16x1024xf32, #tpu.memory_space<vmem>> -> memref<16x1024xf32, #tpu.memory_space<vmem>>
    tpu.wait_dma2 semaphore(%arg16 : memref<!tpu.dma_semaphore, #tpu.memory_space<semaphore_mem>>) src(%dma_wait3A_87 : memref<16x1024xf32, #tpu.memory_space<vmem>>) dst(%dma_wait3A_83 : memref<16x1024xf32, #tpu.memory_space<hbm>>)
    return
  }
}

</mosaic_0001>

<sc_bundles>
// kernel: kernel.3.cloned.1.call-start
scs
__scs_entry_jumppad:
0x0: {  	(pc) =	sbr.rel $0x88, $3  }
0x1: {  	(tag) =	ssettag $0x0;
	lr =	simm.s32 $0x1  }
0x2: {  	[smem:$0x3F9F] =	sst lr;
	_ =	strace $0xD0000000  }
0x3: {  	_ = 	snop  }
0x4: {  	_ = 	snop  }
0x5: {  	_ = 	snop  }
0x6: {  	_ = 	snop  }
0x7: {  	_ = 	snop  }
__scs_overlays_trampoline_lowered:
0x8: {  	[smem:$0x3FAE] =	sst s0  }
0x9: {  	[smem:$0x3FAF] =	sst s1  }
0xa: {  	[smem:$0x3FB0] =	sst s2  }
0xb: {  	[smem:$0x3FB1] =	sst s3  }
0xc: {  	[smem:$0x3FB2] =	sst s4  }
0xd: {  	[smem:$0x3FB3] =	sst s5  }
0xe: {  	[smem:$0x3FB4] =	sst s6  }
0xf: {  	[smem:$0x3FB5] =	sst s7  }
0x10: {  	[smem:$0x3FB6] =	sst s8  }
0x11: {  	[smem:$0x3FB7] =	sst s9;
	s0 =	simm.s32 @!p0 $0x0  }
0x12: {  	s1 =	sld [smem:$0x3F9D];
	s0 =	simm.s32 @p0 $0x1  }
0x13: {  	[smem:$0x3FB8] =	sst s0;
	s0 =	simm.s32 @!p1 $0x0  }
0x14: {  	s2 =	sld [smem:$0x3F9C];
	s0 =	simm.s32 @p1 $0x1  }
0x15: {  	[smem:$0x3FB9] =	sst s0;
	s0 =	simm.s32 @!p2 $0x0  }
0x16: {  	s3 =	sld [smem:$0x3FDB];
	s0 =	simm.s32 @p2 $0x1  }
0x17: {  	s4 =	simm.s32 $0x1BF5;
	[smem:$0x3FBB] =	sst s0  }
0x18: {  	s0 =	sld [smem:$0x3F9E];
	_ =	swait.ge [sflag:s4], $0x0  }
0x19: {  	s7 =	sld [smem:$0x3F9F]  }
0x1a: {  	s8 =	sadd.s32 $0xFFFFE003, lr  }
0x1b: {  	s9 =	sadd.s32 $0xFFFFFEF7, lr;
	s5 =	simm.s32 $0xFFFFFFFF;
	p2 =	slt.u32 s8, $0xFFFFF086  }
0x1c: {  	p1 =	slt.u32 s9, $0xF7A;
	s5 =	simm.s32 @!p2 $0x0  }
0x1d: {  	s5 =	simm.s32 @p1 $0x1;
	p0 =	seq.s32 s7, s2  }
0x1e: {  	s7 =	smul.u32 @!p0 $0xF7A, s2;
	p2 =	seq.s32 @!p0 s5, $0x0  }
0x1f: {  	s9 =	smul.u32 $0xF7A, s1;
	s8 =	simm.s32 @!p0 $0x1BF5;
	p2 =	por !p2, p0  }
0x20: {  	[sflag:s8] =	ssyncset.s32 @!p0 $0xFFFFF086;
	s6 =	sadd.s32 @!p0 s3, s7;
	s7 =	simm.s32 @!p0 $0x108  }
0x21: {  	s3 =	sadd.s32 s3, s9;
	s6 =	sadd.s32 @!p0 $0x88, s6;
	s7 =	simm.s32 @p2 $0x1082  }
0x22: {  	[simem:s7], [sflag:s8] =	dma.local @!p0 [hbm:s6], $0xF7A  }
0x23: {  	s9 =	sor.u32 $0xD0000000, s2;
	s6 =	simm.s32 $0x108;
	_ =	swait.ge @!p0 [sflag:s8], $0x0  }
0x24: {  	s3 =	sadd.s32 $0x88, s3;
	s6 =	simm.s32 @!p1 $0x1082;
	[sflag:s4] =	ssyncset.s32 $0xFFFFF086  }
0x25: {  	[simem:s6], [sflag:s4] =	dma.local [hbm:s3], $0xF7A  }
0x26: {  	[smem:$0x3F9F] =	sst s1;
	(tag) =	ssettag s2;
	_ =	strace s9  }
0x27: {  	s1 =	sld [smem:$0x3FAF]  }
0x28: {  	s2 =	sld [smem:$0x3FB0]  }
0x29: {  	s4 =	sld [smem:$0x3FB2]  }
0x2a: {  	p0 =	seq.s32 s5, $0x0;
	s5 =	sld [smem:$0x3FB3]  }
0x2b: {  	s6 =	sld [smem:$0x3FB4]  }
0x2c: {  	s7 =	sld [smem:$0x3FB5]  }
0x2d: {  	s3 =	simm.s32 $0x108;
	s8 =	sld [smem:$0x3FB6]  }
0x2e: {  	s3 =	simm.s32 @!p0 $0x1082;
	s9 =	sld [smem:$0x3FB7]  }
0x2f: {  	lr =	sadd.s32 s0, s3;
	s0 =	sld [smem:$0x3FAE]  }
0x30: {  	s3 =	sld [smem:$0x3FB1]  }
0x31: {  	[smem:$0x3FBA] =	sst s10  }
0x32: {  	s10 =	sld [smem:$0x3FB8];
	_ =	sdelay $0x3  }
0x33: {  	p0 =	seq.s32 s10, $0x1;
	s10 =	sld [smem:$0x3FBA];
	_ =	sdelay $0x3  }
0x34: {  	[smem:$0x3FBA] =	sst s10  }
0x35: {  	s10 =	sld [smem:$0x3FB9];
	_ =	sdelay $0x3  }
0x36: {  	p1 =	seq.s32 s10, $0x1;
	s10 =	sld [smem:$0x3FBA];
	_ =	sdelay $0x3  }
0x37: {  	[smem:$0x3FBA] =	sst s10  }
0x38: {  	s10 =	sld [smem:$0x3FBB]  }
0x39: {  	_ = 	snop;
	(pc) =	sbr.ind lr, $3  }
0x3a: {  	_ = 	snop  }
0x3b: {  	_ = 	snop  }
0x3c: {  	p2 =	seq.s32 s10, $0x1;
	s10 =	sld [smem:$0x3FBA]  }
0x3d: {  	_ =	shalt  }
0x3e: {  	_ =	shalt  }
0x3f: {  	_ =	shalt  }
0x40: {  	_ =	shalt  }
0x41: {  	_ =	shalt  }
0x42: {  	_ =	shalt  }
0x43: {  	_ =	shalt  }
0x44: {  	_ =	shalt  }
0x45: {  	_ =	shalt  }
0x46: {  	_ =	shalt  }
0x47: {  	_ =	shalt  }
0x48: {  	_ =	shalt  }
0x49: {  	_ =	shalt  }
0x4a: {  	_ =	shalt  }
0x4b: {  	_ =	shalt  }
0x4c: {  	_ =	shalt  }
0x4d: {  	_ =	shalt  }
0x4e: {  	_ =	shalt  }
0x4f: {  	_ =	shalt  }
0x50: {  	_ =	shalt  }
0x51: {  	_ =	shalt  }
0x52: {  	_ =	shalt  }
0x53: {  	_ =	shalt  }
0x54: {  	_ =	shalt  }
0x55: {  	_ =	shalt  }
0x56: {  	_ =	shalt  }
0x57: {  	_ =	shalt  }
0x58: {  	_ =	shalt  }
0x59: {  	_ =	shalt  }
0x5a: {  	_ =	shalt  }
0x5b: {  	_ =	shalt  }
0x5c: {  	_ =	shalt  }
0x5d: {  	_ =	shalt  }
0x5e: {  	_ =	shalt  }
0x5f: {  	_ =	shalt  }
0x60: {  	_ =	shalt  }
0x61: {  	_ =	shalt  }
0x62: {  	_ =	shalt  }
0x63: {  	_ =	shalt  }
0x64: {  	_ =	shalt  }
0x65: {  	_ =	shalt  }
0x66: {  	_ =	shalt  }
0x67: {  	_ =	shalt  }
0x68: {  	_ =	shalt  }
0x69: {  	_ =	shalt  }
0x6a: {  	_ =	shalt  }
0x6b: {  	_ =	shalt  }
0x6c: {  	_ =	shalt  }
0x6d: {  	_ =	shalt  }
0x6e: {  	_ =	shalt  }
0x6f: {  	_ =	shalt  }
0x70: {  	_ =	shalt  }
0x71: {  	_ =	shalt  }
0x72: {  	_ =	shalt  }
0x73: {  	_ =	shalt  }
0x74: {  	_ =	shalt  }
0x75: {  	_ =	shalt  }
0x76: {  	_ =	shalt  }
0x77: {  	_ =	shalt  }
0x78: {  	_ =	shalt  }
0x79: {  	_ =	shalt  }
0x7a: {  	_ =	shalt  }
0x7b: {  	_ =	shalt  }
0x7c: {  	_ =	shalt  }
0x7d: {  	_ =	shalt  }
0x7e: {  	_ =	shalt  }
0x7f: {  	_ =	shalt  }
0x80: {  	_ =	shalt  }
0x81: {  	_ =	shalt  }
0x82: {  	_ =	shalt  }
0x83: {  	_ =	shalt  }
0x84: {  	_ =	shalt  }
0x85: {  	_ =	shalt  }
0x86: {  	_ =	shalt  }
0x87: {  	_ =	shalt  }
.Lfunc_end0:
.L_simem_size_0:
called_computation_lowered:
.L_overlay_start_0:
0x88: {  	s2 =	sld [smem:$0x3FD9]  }
0x89: {  	s3 =	sld [smem:$0x3FFE];
	_ =	sdelay $0x1  }
0x8a: {  	s1 =	srdreg.scid  }
0x8b: {  	s0 =	sand.u32 $0x1, s1  }
0x8c: {  	s18 =	sshll.u32 s0, $0xA;
	s2 =	sadd.s32 s3, s2  }
0x8d: {  	s2 =	sadd.s32 s2, s18  }
0x8e: {  	[smem:$0x3FC6] =	sst s2  }
0x8f: {  	_ = 	snop  }
0x90: {  	s2 =	sld [smem:$0x3FC9]  }
0x91: {  	s19 =	sld [smem:$0x3FC8]  }
0x92: {  	s4 =	sld [smem:$0x3FD0];
	(tm) =	ssettm $0x1  }
0x93: {  	s5 =	sld [smem:$0x3FFB];
	_ =	sdelay $0x3  }
0x94: {  	_ =	strace s5  }
0x95: {  	s5 =	sld [smem:$0x3FFC];
	_ =	sdelay $0x3  }
0x96: {  	_ =	strace s5  }
0x97: {  	s5 =	sld [smem:$0x3FFD];
	_ =	sdelay $0x3  }
0x98: {  	_ =	strace s5  }
0x99: {  	_ =	strace $0x8FFFFFFF  }
0x9a: {  	s20 =	sld [smem:$0x3FDB];
	_ =	sdelay $0x1  }
0x9b: {  	s6 =	simm.s32 $_scs_section_size  }
0x9c: {  	s7 =	simm.s32 $_size__tile_overlayer_lowered;
	s8 =	simm.s32 $_tile_overlayer_lowered  }
0x9d: {  	s23 =	simm.s32 $0x1BFF;
	s22 =	sshll.u32 s8, $0x1;
	s5 =	sadd.s32 s6, s20  }
0x9e: {  	s9 =	simm.s32 $0x0;
	s21 =	sshll.u32 s7, $0x1;
	s7 =	sadd.s32 s22, s5  }
0x9f: {  	[timem:s9], [sflag:s23] =	dma.local [hbm:s7], s21  }
0xa0: {  	_ =	swait.ge [sflag:s23], s21  }
0xa1: {  	s6 =	ssub.s32 $0x0, s21;
	[sflag:s23] =	ssyncset.done $0x0  }
0xa2: {  	[sflag:s23] =	ssyncadd.s32 s6;
	_ =	sdelay $0x1  }
0xa3: {  	s24 =	simm.s32 $0x1B8B  }
0xa4: {  	_ =	swait.ge [sflag:s24], $0x1  }
0xa5: {  	[sflag:s24] =	ssyncset.done $0x0  }
0xa6: {  	s25 =	simm.s32 $0x1B8E;
	[sflag:s24] =	ssyncadd.s32 $0xFFFFFFFF  }
0xa7: {  	s26 =	simm.s32 $execute0_lowered;
	[smem:$0x3FD2] =	sst s25  }
0xa8: {  	s6 =	sshll.u32 s26, $0x1;
	_ =	strace $0x80000046;
	[dreg:$0x1] =	wrdreg $0xFFFFFFFF  }
0xa9: {  	s28 =	simm.s32 $_size_execute0_lowered;
	s5 =	sadd.s32 s5, s6;
	[dreg:$0x0] =	wrdreg $0x0  }
0xaa: {  	s6 =	sshll.u32 s28, $0x1;
	[dreg:$0x2] =	wrdreg s5  }
0xab: {  	[dreg:$0x3] =	wrdreg s6  }
0xac: {  	[dreg:$0x4] =	wrdreg $0xC0  }
0xad: {  	_ =	task [dreg:s9], $0x5FFFF  }
0xae: {  	[dreg:$0x1] =	wrdreg $0xFFFFFFFF  }
0xaf: {  	[dreg:$0x0] =	wrdreg $0x60  }
0xb0: {  	[dreg:$0x2] =	wrdreg s2  }
0xb1: {  	[dreg:$0x3] =	wrdreg s19  }
0xb2: {  	[dreg:$0x4] =	wrdreg s4  }
0xb3: {  	[dreg:$0x5] =	wrdreg $0x9  }
0xb4: {  	_ =	task.clear_ibuf [dreg:s9], $0x6FFFF;
	_ =	strace $0x90000046  }
0xb5: {  	s29 =	simm.s32 $0x9;
	_ =	strace $0x80000048  }
0xb6: {  	_ =	swait.ge [sflag:s29], $0x1  }
0xb7: {  	[sflag:s29] =	ssyncadd.s32 $0xFFFFFFFF  }
0xb8: {  	_ =	strace $0x90000048  }
0xb9: {  	_ =	sfence  }
0xba: {  	s30 =	sld [smem:$0x0];
	_ =	sdelay $0x2  }
0xbb: {  	s31 =	sshll.u32 s1, $0xD;
	s1 =	sshrl.u32 s1, $0x2  }
0xbc: {  	s3 =	sand.u32 $0x4000, s31;
	s1 =	sadd.s32 s1, s30  }
0xbd: {  	s0 =	sor.u32 s3, s0;
	s1 =	sshll.u32 s1, $0x11  }
0xbe: {  	s0 =	sor.u32 s1, s0  }
0xbf: {  	s0 =	sadd.s32 $0x8F2B, s0  }
0xc0: {  	[sflag:s0] =	ssyncadd.remote.s32 $0x1  }
0xc1: {  	_ =	sfence.sel $0xFFFF  }
0xc2: {  	[dreg:$0x0] =	wrdreg $0xFFFFFFFF;
	(pc) =	sbr.abs _section_cstart, $3  }
0xc3: {  	[dreg:$0x1] =	wrdreg $0xFFFFFFFF  }
0xc4: {  	_ =	task.clear_ibuf [dreg:s9], $0x2FFFF;
	_ =	strace $0x9FFFFFFF  }
0xc5: {  	(tm) =	ssettm $0x7FFFFFFF  }
tec
execute0_lowered:
.L_overlay_start_1:
0x0: {  	(tag) =	ssettag $0x1  }
0x1: {  	s1 =	rddreg [dreg:$0x0]  }
0x2: {  	s6 =	rddreg [dreg:$0x1]  }
0x3: {  	s4 =	rddreg [dreg:$0x2];
	s0 =	srdreg.scid  }
0x4: {  	s2 =	stileid.u32;
	s5 =	simm.s32 $0x0;
	s21 =	simm.s32 $0x8000  }
0x5: {  	s28 =	simm.s32 $0x3;
	s29 =	simm.s32 $0x8;
	s31 =	simm.s32 $0x4  }
0x6: {  	s0 =	sand.u32 $0x1, s0;
	s2 =	sshll.u32 s2, $0xF;
	[smem:$0x7FF] =	sst s5  }
0x7: {  	s26 =	sadd.s32 $0x800, s1;
	s8 =	sadd.s32 $0x80800, s1;
	s3 =	sshll.u32 s0, $0xE  }
0x8: {  	s0 =	ssub.s32 $0x2, s0;
	_ =	strace $0x80000047;
	[dreg:$0x9] =	wrdreg s8  }
0x9: {  	[dreg:$0x8] =	wrdreg s26;
	s3 =	sor.u32 s3, s2;
	s22 =	sshrl.u32 s0, $0x1  }
0xa: {  	s7 =	sadd.s32 s1, s3;
	s6 =	sadd.s32 s6, s3;
	s24 =	sor.u32 $0x100000, s3  }
0xb: {  	s11 =	sor.u32 $0x180000, s3;
	s25 =	sor.u32 $0x80000, s3;
	[dreg:$0x4] =	wrdreg s7  }
0xc: {  	s10 =	smov.u32 s3;
	s3 =	sadd.s32 s3, s26;
	[dreg:$0x7] =	wrdreg s24  }
0xd: {  	s0 =	ssub.s32 s0, s22;
	s22 =	simm.s32 $0x1;
	[dreg:$0xa] =	wrdreg s3  }
0xe: {  	s26 =	simm.s32 $0x7;
	s23 =	sadd.s32 $0x80000, s7;
	[dreg:$0x6] =	wrdreg s6  }
0xf: {  	s12 =	sadd.s32 s4, s25;
	s30 =	sadd.s32 $0x1000, s6;
	[dreg:$0x5] =	wrdreg s23  }
0x10: {  	s2 =	sadd.s32 s25, s1;
	s0 =	smax.u32 s0, $0x1;
	[dreg:$0xc] =	wrdreg s30  }
0x11: {  	s24 =	simm.s32 $0xC000;
	s2 =	sadd.s32 $0x1000, s2;
	[dreg:$0xd] =	wrdreg s0  }
0x12: {  	s25 =	simm.s32 $0x2;
	s3 =	simm.s32 $0x0;
	[dreg:$0xb] =	wrdreg s2  }
.LBB2_1:
0x13: {  	[dreg:$0xe] =	wrdreg s3  }
0x14: {  	s0 =	rddreg [dreg:$0x4]  }
0x15: {  	[tilespmem:s5], [sflag:$0x1] =	stream.linear.gather [hbm4b:s0+s5], $0x4000, $0x38;
	[tilespmem:$0x18000] =	vst v63  }
0x16: {  	s20 =	rddreg [dreg:$0x5];
	s2 =	simm.s32 $0x4000  }
0x17: {  	[tilespmem:s2], [sflag:$0x2] =	stream.linear.gather [hbm4b:s20+s5], $0x4000, $0x38;
	[tilespmem:$0x18000] =	vst v63  }
0x18: {  	s23 =	rddreg [dreg:$0x6];
	s30 =	simm.s32 $0x10000;
	s18 =	simm.s32 $0x0  }
0x19: {  	[tilespmem:s30], [sflag:$0x5] =	stream.linear.gather [hbm4b:s23+s5], $0x4000, $0x38;
	[tilespmem:$0x18000] =	vst v63  }
.LBB2_2:
0x1a: {  	p0 =	seq.s32 s18, $0x0  }
0x1b: {  	s8 =	simm.s32 @!p0 $0x9  }
0x1c: {  	_ =	swait.ge @!p0 [sflag:s8], $0x4000  }
0x1d: {  	s7 =	sshll.u32 s18, $0xC;
	s0 =	rddreg [dreg:$0x7]  }
0x1e: {  	[sflag:s8] =	ssyncset.done @!p0 $0x0;
	s3 =	sor.u32 s0, s7  }
0x1f: {  	[sflag:s8] =	ssyncadd.s32 @!p0 $0xFFFFC000;
	s8 =	simm.s32 $0x0;
	s9 =	sadd.s32 s1, s3  }
0x20: {  	[tilespmem:s21], [sflag:$0x3] =	stream.linear.gather [hbm4b:s9+s8], $0x4000, $0x38;
	[tilespmem:$0x18000] =	vst v63  }
0x21: {  	_ =	swait.ge [sflag:s22], $0x4000  }
0x22: {  	s20 =	simm.s32 $0x5;
	[sflag:s22] =	ssyncset.done $0x0  }
0x23: {  	s23 =	simm.s32 $0x0;
	s14 =	simm.s32 $0x0;
	[sflag:s22] =	ssyncadd.s32 $0xFFFFC000  }
0x24: {  	s13 =	sand.u32 $0x1C00, s8;
	s9 =	sand.u32 $0x2000, s23;
	_ =	swait.ge [sflag:s20], $0x4000  }
0x25: {  	s30 =	sand.u32 $0x380, s14;
	s9 =	sor.u32 s13, s9;
	[sflag:s20] =	ssyncset.done $0x0  }
0x26: {  	s14 =	sor.u32 s30, s9;
	[sflag:s20] =	ssyncadd.s32 $0xFFFFC000  }
0x27: {  	v0 =	vld [tilespmem:s14+$0x10070]  }
0x28: {  	v5 =	vld [tilespmem:s14+$0x10000]  }
0x29: {  	v6 =	vld [tilespmem:s14+$0x10010]  }
0x2a: {  	v4 =	vld [tilespmem:s14+$0x10020]  }
0x2b: {  	v2 =	vld [tilespmem:s14+$0x10030]  }
0x2c: {  	v3 =	vld [tilespmem:s14+$0x10040]  }
0x2d: {  	s9 =	sor.u32 $0x70, s14;
	v1 =	vld [tilespmem:s14+$0x10060]  }
0x2e: {  	[tilespmem:s9+$0x0] =	vst.add.f32.msk $0xffff, v0  }
0x2f: {  	s13 =	simm.s32 $0x0;
	s19 =	sor.u32 $0x10, s14;
	v0 =	vld [tilespmem:s14+$0x10050]  }
0x30: {  	s23 =	sor.u32 $0x20, s14;
	s17 =	sor.u32 $0x30, s14;
	s16 =	sor.u32 $0x40, s14;
	[tilespmem:s14+$0x0] =	vst.add.f32.msk $0xffff, v5  }
0x31: {  	s15 =	sor.u32 $0x50, s14;
	s9 =	sshll.u32 s18, $0x1;
	s14 =	sor.u32 $0x60, s14;
	[tilespmem:s19+$0x0] =	vst.add.f32.msk $0xffff, v6  }
.LBB2_3:
0x32: {  	s13 =	sadd.s32 $0x8, s13;
	[tilespmem:s23+$0x0] =	vst.add.f32.msk $0xffff, v4  }
0x33: {  	s8 =	sadd.s32 $0x400, s8;
	s19 =	sshll.u32 s13, $0x4;
	p1 =	slt.u32 s13, $0x3F8;
	[tilespmem:s17+$0x0] =	vst.add.f32.msk $0xffff, v2  }
0x34: {  	s23 =	sshll.u32 s13, $0x1;
	s17 =	sand.u32 $0x2000, s19;
	s19 =	sand.u32 $0x1C00, s8;
	[tilespmem:s16+$0x0] =	vst.add.f32.msk $0xffff, v3  }
0x35: {  	s16 =	sor.u32 s19, s17;
	s17 =	sand.u32 $0x380, s23;
	[tilespmem:s15+$0x0] =	vst.add.f32.msk $0xffff, v0  }
0x36: {  	s19 =	sor.u32 s17, s16;
	[tilespmem:s14+$0x0] =	vst.add.f32.msk $0xffff, v1  }
0x37: {  	s30 =	sor.u32 $0x10, s19;
	s23 =	sor.u32 $0x20, s19;
	s17 =	sor.u32 $0x30, s19;
	v0 =	vld [tilespmem:s19+$0x10070]  }
0x38: {  	s16 =	sor.u32 $0x40, s19;
	s15 =	sor.u32 $0x50, s19;
	s14 =	sor.u32 $0x60, s19;
	v5 =	vld [tilespmem:s19+$0x10000]  }
0x39: {  	v6 =	vld [tilespmem:s19+$0x10010]  }
0x3a: {  	v4 =	vld [tilespmem:s19+$0x10020]  }
0x3b: {  	s2 =	sor.u32 $0x70, s19;
	v2 =	vld [tilespmem:s19+$0x10030]  }
0x3c: {  	[tilespmem:s2+$0x0] =	vst.add.f32.msk $0xffff, v0  }
.Ltmp0:
0x3d: {  	v3 =	vld [tilespmem:s19+$0x10040];
	(pc) =	sbr.rel @p1 .LBB2_3-.Ltmp0, $4  }
0x3e: {  	v0 =	vld [tilespmem:s19+$0x10050]  }
0x3f: {  	v1 =	vld [tilespmem:s19+$0x10060]  }
0x40: {  	[tilespmem:s19+$0x0] =	vst.add.f32.msk $0xffff, v5  }
0x41: {  	[tilespmem:s30+$0x0] =	vst.add.f32.msk $0xffff, v6  }
0x42: {  	[tilespmem:s23+$0x0] =	vst.add.f32.msk $0xffff, v4  }
0x43: {  	[tilespmem:s17+$0x0] =	vst.add.f32.msk $0xffff, v2  }
0x44: {  	[tilespmem:s16+$0x0] =	vst.add.f32.msk $0xffff, v3  }
0x45: {  	s30 =	sor.u32 s10, s7;
	[tilespmem:s15+$0x0] =	vst.add.f32.msk $0xffff, v0  }
0x46: {  	s2 =	sadd.s32 s4, s30;
	[tilespmem:s14+$0x0] =	vst.add.f32.msk $0xffff, v1  }
0x47: {  	[hbm4b:s2+s5] =	stream.linear.scatter [tilespmem:s5], [sflag:$0x7], $0x4000, $0x38;
	[tilespmem:$0x18000] =	vst v63  }
0x48: {  	s2 =	simm.s32 @!p0 $0xA  }
0x49: {  	s8 =	sor.u32 s11, s7;
	_ =	swait.ge @!p0 [sflag:s2], $0x4000  }
0x4a: {  	s13 =	simm.s32 $0x0;
	s17 =	simm.s32 $0x0;
	[sflag:s2] =	ssyncset.done @!p0 $0x0  }
0x4b: {  	s20 =	simm.s32 $0x0;
	s16 =	sadd.s32 s1, s8;
	[sflag:s2] =	ssyncadd.s32 @!p0 $0xFFFFC000  }
0x4c: {  	[tilespmem:s24], [sflag:$0x4] =	stream.linear.gather [hbm4b:s16+s13], $0x4000, $0x38;
	[tilespmem:$0x18000] =	vst v63  }
0x4d: {  	s19 =	sand.u32 $0x1C00, s13;
	s2 =	sand.u32 $0x2000, s17;
	_ =	swait.ge [sflag:s25], $0x4000  }
0x4e: {  	s15 =	sand.u32 $0x380, s20;
	s2 =	sor.u32 s19, s2;
	[sflag:s25] =	ssyncset.done $0x0  }
0x4f: {  	s2 =	sor.u32 s15, s2;
	[sflag:s25] =	ssyncadd.s32 $0xFFFFC000  }
0x50: {  	v0 =	vld [tilespmem:s2+$0x10070]  }
0x51: {  	v5 =	vld [tilespmem:s2+$0x10000]  }
0x52: {  	v6 =	vld [tilespmem:s2+$0x10010]  }
0x53: {  	v4 =	vld [tilespmem:s2+$0x10020]  }
0x54: {  	v1 =	vld [tilespmem:s2+$0x10030]  }
0x55: {  	v3 =	vld [tilespmem:s2+$0x10040]  }
0x56: {  	s23 =	sor.u32 $0x4070, s2;
	v2 =	vld [tilespmem:s2+$0x10060]  }
0x57: {  	[tilespmem:s23+$0x0] =	vst.add.f32.msk $0xffff, v0  }
0x58: {  	s6 =	smov.u32 s1;
	s14 =	simm.s32 $0x0;
	s15 =	sor.u32 $0x4000, s2;
	v0 =	vld [tilespmem:s2+$0x10050]  }
0x59: {  	s0 =	sor.u32 $0x4010, s2;
	s19 =	sor.u32 $0x4030, s2;
	s17 =	sor.u32 $0x4040, s2;
	[tilespmem:s15+$0x0] =	vst.add.f32.msk $0xffff, v5  }
0x5a: {  	s16 =	sor.u32 $0x4060, s2;
	s23 =	sor.u32 $0x4020, s2;
	s15 =	sor.u32 $0x4050, s2;
	[tilespmem:s0+$0x0] =	vst.add.f32.msk $0xffff, v6  }
.LBB2_5:
0x5b: {  	s14 =	sadd.s32 $0x8, s14;
	[tilespmem:s23+$0x0] =	vst.add.f32.msk $0xffff, v4  }
0x5c: {  	s13 =	sadd.s32 $0x400, s13;
	s0 =	sshll.u32 s14, $0x4;
	p0 =	slt.u32 s14, $0x3F8;
	[tilespmem:s19+$0x0] =	vst.add.f32.msk $0xffff, v1  }
0x5d: {  	s2 =	sand.u32 $0x1C00, s13;
	s19 =	sshll.u32 s14, $0x1;
	s0 =	sand.u32 $0x2000, s0;
	[tilespmem:s17+$0x0] =	vst.add.f32.msk $0xffff, v3  }
0x5e: {  	s17 =	sand.u32 $0x380, s19;
	s0 =	sor.u32 s2, s0;
	[tilespmem:s15+$0x0] =	vst.add.f32.msk $0xffff, v0  }
0x5f: {  	s0 =	sor.u32 s17, s0;
	[tilespmem:s16+$0x0] =	vst.add.f32.msk $0xffff, v2  }
0x60: {  	s2 =	sor.u32 $0x4000, s0;
	s20 =	sor.u32 $0x4010, s0;
	s23 =	sor.u32 $0x4020, s0;
	v0 =	vld [tilespmem:s0+$0x10070]  }
0x61: {  	s19 =	sor.u32 $0x4030, s0;
	s17 =	sor.u32 $0x4040, s0;
	s15 =	sor.u32 $0x4050, s0;
	v5 =	vld [tilespmem:s0+$0x10000]  }
0x62: {  	s16 =	sor.u32 $0x4060, s0;
	v6 =	vld [tilespmem:s0+$0x10010]  }
0x63: {  	v4 =	vld [tilespmem:s0+$0x10020]  }
0x64: {  	s1 =	sor.u32 $0x4070, s0;
	v1 =	vld [tilespmem:s0+$0x10030]  }
0x65: {  	[tilespmem:s1+$0x0] =	vst.add.f32.msk $0xffff, v0  }
.Ltmp1:
0x66: {  	v3 =	vld [tilespmem:s0+$0x10040];
	(pc) =	sbr.rel @p0 .LBB2_5-.Ltmp1, $4  }
0x67: {  	v0 =	vld [tilespmem:s0+$0x10050]  }
0x68: {  	v2 =	vld [tilespmem:s0+$0x10060]  }
0x69: {  	[tilespmem:s2+$0x0] =	vst.add.f32.msk $0xffff, v5  }
0x6a: {  	[tilespmem:s20+$0x0] =	vst.add.f32.msk $0xffff, v6  }
0x6b: {  	[tilespmem:s23+$0x0] =	vst.add.f32.msk $0xffff, v4  }
0x6c: {  	[tilespmem:s19+$0x0] =	vst.add.f32.msk $0xffff, v1  }
0x6d: {  	[tilespmem:s17+$0x0] =	vst.add.f32.msk $0xffff, v3  }
0x6e: {  	[tilespmem:s15+$0x0] =	vst.add.f32.msk $0xffff, v0  }
0x6f: {  	s0 =	sadd.s32 s7, s12;
	s13 =	simm.s32 $0x0;
	s1 =	simm.s32 $0x4000;
	[tilespmem:s16+$0x0] =	vst.add.f32.msk $0xffff, v2  }
0x70: {  	[hbm4b:s0+s13] =	stream.linear.scatter [tilespmem:s1], [sflag:$0x8], $0x4000, $0x38;
	[tilespmem:$0x18000] =	vst v63  }
0x71: {  	_ =	swait.ge [sflag:s26], $0x4000  }
0x72: {  	s2 =	simm.s32 $0x0;
	[sflag:s26] =	ssyncset.done $0x0;
	s15 =	rddreg [dreg:$0x8]  }
0x73: {  	s16 =	simm.s32 $0x0;
	[sflag:s26] =	ssyncadd.s32 $0xFFFFC000;
	s0 =	sadd.s32 s30, s15  }
0x74: {  	[tilespmem:s13], [sflag:$0x1] =	stream.linear.gather [hbm4b:s0+s13], $0x4000, $0x38;
	[tilespmem:$0x18000] =	vst v63  }
0x75: {  	s17 =	sand.u32 $0x1C00, s13;
	s0 =	sand.u32 $0x2000, s16;
	_ =	swait.ge [sflag:s28], $0x4000  }
0x76: {  	s2 =	sand.u32 $0x380, s2;
	s0 =	sor.u32 s17, s0;
	[sflag:s28] =	ssyncset.done $0x0  }
0x77: {  	s0 =	sor.u32 s2, s0;
	[sflag:s28] =	ssyncadd.s32 $0xFFFFC000  }
0x78: {  	v0 =	vld [tilespmem:s0+$0x10070]  }
0x79: {  	v5 =	vld [tilespmem:s0+$0x10000]  }
0x7a: {  	v6 =	vld [tilespmem:s0+$0x10010]  }
0x7b: {  	v4 =	vld [tilespmem:s0+$0x10020]  }
0x7c: {  	v1 =	vld [tilespmem:s0+$0x10030]  }
0x7d: {  	v3 =	vld [tilespmem:s0+$0x10040]  }
0x7e: {  	s19 =	sor.u32 $0x8070, s0;
	v2 =	vld [tilespmem:s0+$0x10060]  }
0x7f: {  	[tilespmem:s19+$0x0] =	vst.add.f32.msk $0xffff, v0  }
0x80: {  	s14 =	simm.s32 $0x0;
	s20 =	sor.u32 $0x8000, s0;
	v0 =	vld [tilespmem:s0+$0x10050]  }
0x81: {  	s2 =	sor.u32 $0x8010, s0;
	s23 =	sor.u32 $0x8030, s0;
	s17 =	sor.u32 $0x8040, s0;
	[tilespmem:s20+$0x0] =	vst.add.f32.msk $0xffff, v5  }
0x82: {  	s15 =	sor.u32 $0x8050, s0;
	s16 =	sor.u32 $0x8060, s0;
	s19 =	sor.u32 $0x8020, s0;
	[tilespmem:s2+$0x0] =	vst.add.f32.msk $0xffff, v6  }
.LBB2_7:
0x83: {  	s14 =	sadd.s32 $0x8, s14;
	[tilespmem:s19+$0x0] =	vst.add.f32.msk $0xffff, v4  }
0x84: {  	s13 =	sadd.s32 $0x400, s13;
	s0 =	sshll.u32 s14, $0x4;
	p0 =	slt.u32 s14, $0x3F8;
	[tilespmem:s23+$0x0] =	vst.add.f32.msk $0xffff, v1  }
0x85: {  	s1 =	sand.u32 $0x1C00, s13;
	s2 =	sshll.u32 s14, $0x1;
	s0 =	sand.u32 $0x2000, s0;
	[tilespmem:s17+$0x0] =	vst.add.f32.msk $0xffff, v3  }
0x86: {  	s2 =	sand.u32 $0x380, s2;
	s0 =	sor.u32 s1, s0;
	[tilespmem:s15+$0x0] =	vst.add.f32.msk $0xffff, v0  }
0x87: {  	s0 =	sor.u32 s2, s0;
	[tilespmem:s16+$0x0] =	vst.add.f32.msk $0xffff, v2  }
0x88: {  	s1 =	sor.u32 $0x8000, s0;
	s2 =	sor.u32 $0x8010, s0;
	s19 =	sor.u32 $0x8020, s0;
	v0 =	vld [tilespmem:s0+$0x10070]  }
0x89: {  	s23 =	sor.u32 $0x8030, s0;
	s17 =	sor.u32 $0x8040, s0;
	s15 =	sor.u32 $0x8050, s0;
	v5 =	vld [tilespmem:s0+$0x10000]  }
0x8a: {  	s16 =	sor.u32 $0x8060, s0;
	v6 =	vld [tilespmem:s0+$0x10010]  }
0x8b: {  	v4 =	vld [tilespmem:s0+$0x10020]  }
0x8c: {  	s20 =	sor.u32 $0x8070, s0;
	v1 =	vld [tilespmem:s0+$0x10030]  }
0x8d: {  	[tilespmem:s20+$0x0] =	vst.add.f32.msk $0xffff, v0  }
.Ltmp2:
0x8e: {  	v3 =	vld [tilespmem:s0+$0x10040];
	(pc) =	sbr.rel @p0 .LBB2_7-.Ltmp2, $4  }
0x8f: {  	v0 =	vld [tilespmem:s0+$0x10050]  }
0x90: {  	v2 =	vld [tilespmem:s0+$0x10060]  }
0x91: {  	[tilespmem:s1+$0x0] =	vst.add.f32.msk $0xffff, v5  }
0x92: {  	[tilespmem:s2+$0x0] =	vst.add.f32.msk $0xffff, v6  }
0x93: {  	[tilespmem:s19+$0x0] =	vst.add.f32.msk $0xffff, v4  }
0x94: {  	[tilespmem:s23+$0x0] =	vst.add.f32.msk $0xffff, v1  }
0x95: {  	[tilespmem:s17+$0x0] =	vst.add.f32.msk $0xffff, v3  }
0x96: {  	[tilespmem:s15+$0x0] =	vst.add.f32.msk $0xffff, v0  }
0x97: {  	s0 =	sadd.s32 s4, s3;
	s14 =	simm.s32 $0x0;
	[tilespmem:s16+$0x0] =	vst.add.f32.msk $0xffff, v2  }
0x98: {  	[hbm4b:s0+s14] =	stream.linear.scatter [tilespmem:s21], [sflag:$0x9], $0x4000, $0x38;
	[tilespmem:$0x18000] =	vst v63  }
0x99: {  	s3 =	sor.u32 $0x1, s9;
	_ =	swait.ge [sflag:s29], $0x4000  }
0x9a: {  	s9 =	sshll.u32 s3, $0xB;
	[sflag:s29] =	ssyncset.done $0x0;
	s1 =	rddreg [dreg:$0x9]  }
0x9b: {  	[sflag:s29] =	ssyncadd.s32 $0xFFFFC000;
	s0 =	sadd.s32 s30, s1;
	s1 =	simm.s32 $0x4000  }
0x9c: {  	[tilespmem:s1], [sflag:$0x2] =	stream.linear.gather [hbm4b:s0+s14], $0x4000, $0x38;
	[tilespmem:$0x18000] =	vst v63  }
0x9d: {  	s15 =	simm.s32 $0x14000;
	s13 =	sor.u32 s10, s9;
	s2 =	rddreg [dreg:$0x1]  }
0x9e: {  	s17 =	sand.u32 $0x1C00, s14;
	s16 =	simm.s32 $0x0;
	s0 =	sadd.s32 s2, s13  }
0x9f: {  	[tilespmem:s15], [sflag:$0x6] =	stream.linear.gather [hbm4b:s0+s14], $0x4000, $0x38;
	[tilespmem:$0x18000] =	vst v63  }
0xa0: {  	s2 =	simm.s32 $0x0;
	s0 =	sand.u32 $0x2000, s16;
	_ =	swait.ge [sflag:s31], $0x4000  }
0xa1: {  	s2 =	sand.u32 $0x380, s2;
	s0 =	sor.u32 s17, s0;
	[sflag:s31] =	ssyncset.done $0x0  }
0xa2: {  	s0 =	sor.u32 s2, s0;
	[sflag:s31] =	ssyncadd.s32 $0xFFFFC000  }
0xa3: {  	v0 =	vld [tilespmem:s0+$0x10070]  }
0xa4: {  	v5 =	vld [tilespmem:s0+$0x10000]  }
0xa5: {  	v6 =	vld [tilespmem:s0+$0x10010]  }
0xa6: {  	v4 =	vld [tilespmem:s0+$0x10020]  }
0xa7: {  	v1 =	vld [tilespmem:s0+$0x10030]  }
0xa8: {  	v3 =	vld [tilespmem:s0+$0x10040]  }
0xa9: {  	s19 =	sor.u32 $0xC070, s0;
	v2 =	vld [tilespmem:s0+$0x10060]  }
0xaa: {  	[tilespmem:s19+$0x0] =	vst.add.f32.msk $0xffff, v0  }
0xab: {  	s30 =	simm.s32 $0x0;
	s20 =	sor.u32 $0xC000, s0;
	v0 =	vld [tilespmem:s0+$0x10050]  }
0xac: {  	s2 =	sor.u32 $0xC010, s0;
	s23 =	sor.u32 $0xC030, s0;
	s17 =	sor.u32 $0xC040, s0;
	[tilespmem:s20+$0x0] =	vst.add.f32.msk $0xffff, v5  }
0xad: {  	s15 =	sor.u32 $0xC050, s0;
	s16 =	sor.u32 $0xC060, s0;
	s19 =	sor.u32 $0xC020, s0;
	[tilespmem:s2+$0x0] =	vst.add.f32.msk $0xffff, v6  }
.LBB2_9:
0xae: {  	s30 =	sadd.s32 $0x8, s30;
	[tilespmem:s19+$0x0] =	vst.add.f32.msk $0xffff, v4  }
0xaf: {  	s14 =	sadd.s32 $0x400, s14;
	s0 =	sshll.u32 s30, $0x4;
	p0 =	slt.u32 s30, $0x3F8;
	[tilespmem:s23+$0x0] =	vst.add.f32.msk $0xffff, v1  }
0xb0: {  	s1 =	sand.u32 $0x1C00, s14;
	s2 =	sshll.u32 s30, $0x1;
	s0 =	sand.u32 $0x2000, s0;
	[tilespmem:s17+$0x0] =	vst.add.f32.msk $0xffff, v3  }
0xb1: {  	s2 =	sand.u32 $0x380, s2;
	s0 =	sor.u32 s1, s0;
	[tilespmem:s15+$0x0] =	vst.add.f32.msk $0xffff, v0  }
0xb2: {  	s0 =	sor.u32 s2, s0;
	[tilespmem:s16+$0x0] =	vst.add.f32.msk $0xffff, v2  }
0xb3: {  	s1 =	sor.u32 $0xC000, s0;
	s2 =	sor.u32 $0xC010, s0;
	s19 =	sor.u32 $0xC020, s0;
	v0 =	vld [tilespmem:s0+$0x10070]  }
0xb4: {  	s23 =	sor.u32 $0xC030, s0;
	s17 =	sor.u32 $0xC040, s0;
	s15 =	sor.u32 $0xC050, s0;
	v5 =	vld [tilespmem:s0+$0x10000]  }
0xb5: {  	s16 =	sor.u32 $0xC060, s0;
	v6 =	vld [tilespmem:s0+$0x10010]  }
0xb6: {  	v4 =	vld [tilespmem:s0+$0x10020]  }
0xb7: {  	s20 =	sor.u32 $0xC070, s0;
	v1 =	vld [tilespmem:s0+$0x10030]  }
0xb8: {  	[tilespmem:s20+$0x0] =	vst.add.f32.msk $0xffff, v0  }
.Ltmp3:
0xb9: {  	v3 =	vld [tilespmem:s0+$0x10040];
	(pc) =	sbr.rel @p0 .LBB2_9-.Ltmp3, $4  }
0xba: {  	v0 =	vld [tilespmem:s0+$0x10050]  }
0xbb: {  	v2 =	vld [tilespmem:s0+$0x10060]  }
0xbc: {  	[tilespmem:s1+$0x0] =	vst.add.f32.msk $0xffff, v5  }
0xbd: {  	[tilespmem:s2+$0x0] =	vst.add.f32.msk $0xffff, v6  }
0xbe: {  	[tilespmem:s19+$0x0] =	vst.add.f32.msk $0xffff, v4  }
0xbf: {  	[tilespmem:s23+$0x0] =	vst.add.f32.msk $0xffff, v1  }
0xc0: {  	[tilespmem:s17+$0x0] =	vst.add.f32.msk $0xffff, v3  }
0xc1: {  	[tilespmem:s15+$0x0] =	vst.add.f32.msk $0xffff, v0  }
0xc2: {  	s0 =	sadd.s32 s4, s8;
	s8 =	simm.s32 $0x0;
	s1 =	simm.s32 $0x9;
	[tilespmem:s16+$0x0] =	vst.add.f32.msk $0xffff, v2  }
0xc3: {  	[hbm4b:s0+s8] =	stream.linear.scatter [tilespmem:s24], [sflag:$0xA], $0x4000, $0x38;
	[tilespmem:$0x18000] =	vst v63  }
0xc4: {  	_ =	swait.ge [sflag:s1], $0x4000  }
0xc5: {  	s16 =	rddreg [dreg:$0x7]  }
0xc6: {  	[sflag:s1] =	ssyncset.done $0x0;
	s30 =	sor.u32 s16, s9  }
0xc7: {  	[sflag:s1] =	ssyncadd.s32 $0xFFFFC000;
	s0 =	sadd.s32 s6, s30  }
0xc8: {  	[tilespmem:s21], [sflag:$0x3] =	stream.linear.gather [hbm4b:s0+s8], $0x4000, $0x38;
	[tilespmem:$0x18000] =	vst v63  }
0xc9: {  	_ =	swait.ge [sflag:s22], $0x4000  }
0xca: {  	s14 =	simm.s32 $0x6;
	[sflag:s22] =	ssyncset.done $0x0  }
0xcb: {  	s17 =	simm.s32 $0x0;
	s2 =	simm.s32 $0x0;
	[sflag:s22] =	ssyncadd.s32 $0xFFFFC000  }
0xcc: {  	s19 =	sand.u32 $0x1C00, s8;
	s0 =	sand.u32 $0x2000, s17;
	_ =	swait.ge [sflag:s14], $0x4000  }
0xcd: {  	s2 =	sand.u32 $0x380, s2;
	s0 =	sor.u32 s19, s0;
	[sflag:s14] =	ssyncset.done $0x0  }
0xce: {  	s0 =	sor.u32 s2, s0;
	[sflag:s14] =	ssyncadd.s32 $0xFFFFC000  }
0xcf: {  	v0 =	vld [tilespmem:s0+$0x14070]  }
0xd0: {  	v5 =	vld [tilespmem:s0+$0x14000]  }
0xd1: {  	v6 =	vld [tilespmem:s0+$0x14010]  }
0xd2: {  	v4 =	vld [tilespmem:s0+$0x14020]  }
0xd3: {  	v2 =	vld [tilespmem:s0+$0x14030]  }
0xd4: {  	v3 =	vld [tilespmem:s0+$0x14040]  }
0xd5: {  	s23 =	sor.u32 $0x70, s0;
	v1 =	vld [tilespmem:s0+$0x14060]  }
0xd6: {  	[tilespmem:s23+$0x0] =	vst.add.f32.msk $0xffff, v0  }
0xd7: {  	s20 =	smov.u32 s6;
	s2 =	sor.u32 $0x10, s0;
	v0 =	vld [tilespmem:s0+$0x14050]  }
0xd8: {  	s19 =	sor.u32 $0x20, s0;
	s17 =	sor.u32 $0x40, s0;
	s16 =	sor.u32 $0x50, s0;
	[tilespmem:s0+$0x0] =	vst.add.f32.msk $0xffff, v5  }
0xd9: {  	s15 =	sor.u32 $0x60, s0;
	s14 =	simm.s32 $0x0;
	s23 =	sor.u32 $0x30, s0;
	[tilespmem:s2+$0x0] =	vst.add.f32.msk $0xffff, v6  }
.LBB2_11:
0xda: {  	s14 =	sadd.s32 $0x8, s14;
	[tilespmem:s19+$0x0] =	vst.add.f32.msk $0xffff, v4  }
0xdb: {  	s8 =	sadd.s32 $0x400, s8;
	s0 =	sshll.u32 s14, $0x4;
	p0 =	slt.u32 s14, $0x3F8;
	[tilespmem:s23+$0x0] =	vst.add.f32.msk $0xffff, v2  }
0xdc: {  	s1 =	sand.u32 $0x1C00, s8;
	s2 =	sshll.u32 s14, $0x1;
	s0 =	sand.u32 $0x2000, s0;
	[tilespmem:s17+$0x0] =	vst.add.f32.msk $0xffff, v3  }
0xdd: {  	s2 =	sand.u32 $0x380, s2;
	s0 =	sor.u32 s1, s0;
	[tilespmem:s16+$0x0] =	vst.add.f32.msk $0xffff, v0  }
0xde: {  	s0 =	sor.u32 s2, s0;
	[tilespmem:s15+$0x0] =	vst.add.f32.msk $0xffff, v1  }
0xdf: {  	s1 =	sor.u32 $0x10, s0;
	s19 =	sor.u32 $0x20, s0;
	s23 =	sor.u32 $0x30, s0;
	v0 =	vld [tilespmem:s0+$0x14070]  }
0xe0: {  	s17 =	sor.u32 $0x40, s0;
	s16 =	sor.u32 $0x50, s0;
	s15 =	sor.u32 $0x60, s0;
	v5 =	vld [tilespmem:s0+$0x14000]  }
0xe1: {  	v6 =	vld [tilespmem:s0+$0x14010]  }
0xe2: {  	v4 =	vld [tilespmem:s0+$0x14020]  }
0xe3: {  	s2 =	sor.u32 $0x70, s0;
	v2 =	vld [tilespmem:s0+$0x14030]  }
0xe4: {  	[tilespmem:s2+$0x0] =	vst.add.f32.msk $0xffff, v0  }
.Ltmp4:
0xe5: {  	v3 =	vld [tilespmem:s0+$0x14040];
	(pc) =	sbr.rel @p0 .LBB2_11-.Ltmp4, $4  }
0xe6: {  	v0 =	vld [tilespmem:s0+$0x14050]  }
0xe7: {  	v1 =	vld [tilespmem:s0+$0x14060]  }
0xe8: {  	[tilespmem:s0+$0x0] =	vst.add.f32.msk $0xffff, v5  }
0xe9: {  	[tilespmem:s1+$0x0] =	vst.add.f32.msk $0xffff, v6  }
0xea: {  	[tilespmem:s19+$0x0] =	vst.add.f32.msk $0xffff, v4  }
0xeb: {  	[tilespmem:s23+$0x0] =	vst.add.f32.msk $0xffff, v2  }
0xec: {  	[tilespmem:s17+$0x0] =	vst.add.f32.msk $0xffff, v3  }
0xed: {  	[tilespmem:s16+$0x0] =	vst.add.f32.msk $0xffff, v0  }
0xee: {  	s0 =	sadd.s32 s4, s13;
	s13 =	simm.s32 $0x0;
	s2 =	simm.s32 $0xA;
	[tilespmem:s15+$0x0] =	vst.add.f32.msk $0xffff, v1  }
0xef: {  	[hbm4b:s0+s13] =	stream.linear.scatter [tilespmem:s13], [sflag:$0x7], $0x4000, $0x38;
	[tilespmem:$0x18000] =	vst v63  }
0xf0: {  	s8 =	sor.u32 s11, s9;
	_ =	swait.ge [sflag:s2], $0x4000  }
0xf1: {  	s14 =	sadd.s32 s20, s8;
	[sflag:s2] =	ssyncset.done $0x0  }
0xf2: {  	s1 =	sand.u32 $0x1C00, s13;
	s15 =	simm.s32 $0x0;
	[sflag:s2] =	ssyncadd.s32 $0xFFFFC000  }
0xf3: {  	[tilespmem:s24], [sflag:$0x4] =	stream.linear.gather [hbm4b:s14+s13], $0x4000, $0x38;
	[tilespmem:$0x18000] =	vst v63  }
0xf4: {  	s0 =	sand.u32 $0x2000, s15;
	s2 =	simm.s32 $0x0;
	_ =	swait.ge [sflag:s25], $0x4000  }
0xf5: {  	s0 =	sor.u32 s1, s0;
	s16 =	sand.u32 $0x380, s2;
	[sflag:s25] =	ssyncset.done $0x0  }
0xf6: {  	s0 =	sor.u32 s16, s0;
	[sflag:s25] =	ssyncadd.s32 $0xFFFFC000  }
0xf7: {  	v0 =	vld [tilespmem:s0+$0x14070]  }
0xf8: {  	v5 =	vld [tilespmem:s0+$0x14000]  }
0xf9: {  	v6 =	vld [tilespmem:s0+$0x14010]  }
0xfa: {  	v4 =	vld [tilespmem:s0+$0x14020]  }
0xfb: {  	v1 =	vld [tilespmem:s0+$0x14030]  }
0xfc: {  	v3 =	vld [tilespmem:s0+$0x14040]  }
0xfd: {  	s1 =	sor.u32 $0x4070, s0;
	v2 =	vld [tilespmem:s0+$0x14060]  }
0xfe: {  	[tilespmem:s1+$0x0] =	vst.add.f32.msk $0xffff, v0  }
0xff: {  	s14 =	simm.s32 $0x0;
	s17 =	sor.u32 $0x4000, s0;
	v0 =	vld [tilespmem:s0+$0x14050]  }
0x100: {  	s20 =	sor.u32 $0x4010, s0;
	s19 =	sor.u32 $0x4020, s0;
	s23 =	sor.u32 $0x4030, s0;
	[tilespmem:s17+$0x0] =	vst.add.f32.msk $0xffff, v5  }
0x101: {  	s15 =	sor.u32 $0x4050, s0;
	s16 =	sor.u32 $0x4060, s0;
	s17 =	sor.u32 $0x4040, s0;
	[tilespmem:s20+$0x0] =	vst.add.f32.msk $0xffff, v6  }
.LBB2_13:
0x102: {  	s14 =	sadd.s32 $0x8, s14;
	[tilespmem:s19+$0x0] =	vst.add.f32.msk $0xffff, v4  }
0x103: {  	s13 =	sadd.s32 $0x400, s13;
	s0 =	sshll.u32 s14, $0x4;
	p0 =	slt.u32 s14, $0x3F8;
	[tilespmem:s23+$0x0] =	vst.add.f32.msk $0xffff, v1  }
0x104: {  	s1 =	sand.u32 $0x1C00, s13;
	s2 =	sshll.u32 s14, $0x1;
	s0 =	sand.u32 $0x2000, s0;
	[tilespmem:s17+$0x0] =	vst.add.f32.msk $0xffff, v3  }
0x105: {  	s0 =	sor.u32 s1, s0;
	s1 =	sand.u32 $0x380, s2;
	[tilespmem:s15+$0x0] =	vst.add.f32.msk $0xffff, v0  }
0x106: {  	s0 =	sor.u32 s1, s0;
	[tilespmem:s16+$0x0] =	vst.add.f32.msk $0xffff, v2  }
0x107: {  	s1 =	sor.u32 $0x4000, s0;
	s2 =	sor.u32 $0x4010, s0;
	s19 =	sor.u32 $0x4020, s0;
	v0 =	vld [tilespmem:s0+$0x14070]  }
0x108: {  	s23 =	sor.u32 $0x4030, s0;
	s17 =	sor.u32 $0x4040, s0;
	s15 =	sor.u32 $0x4050, s0;
	v5 =	vld [tilespmem:s0+$0x14000]  }
0x109: {  	s16 =	sor.u32 $0x4060, s0;
	v6 =	vld [tilespmem:s0+$0x14010]  }
0x10a: {  	v4 =	vld [tilespmem:s0+$0x14020]  }
0x10b: {  	s20 =	sor.u32 $0x4070, s0;
	v1 =	vld [tilespmem:s0+$0x14030]  }
0x10c: {  	[tilespmem:s20+$0x0] =	vst.add.f32.msk $0xffff, v0  }
.Ltmp5:
0x10d: {  	v3 =	vld [tilespmem:s0+$0x14040];
	(pc) =	sbr.rel @p0 .LBB2_13-.Ltmp5, $4  }
0x10e: {  	v0 =	vld [tilespmem:s0+$0x14050]  }
0x10f: {  	v2 =	vld [tilespmem:s0+$0x14060]  }
0x110: {  	[tilespmem:s1+$0x0] =	vst.add.f32.msk $0xffff, v5  }
0x111: {  	[tilespmem:s2+$0x0] =	vst.add.f32.msk $0xffff, v6  }
0x112: {  	[tilespmem:s19+$0x0] =	vst.add.f32.msk $0xffff, v4  }
0x113: {  	[tilespmem:s23+$0x0] =	vst.add.f32.msk $0xffff, v1  }
0x114: {  	[tilespmem:s17+$0x0] =	vst.add.f32.msk $0xffff, v3  }
0x115: {  	[tilespmem:s15+$0x0] =	vst.add.f32.msk $0xffff, v0  }
0x116: {  	s0 =	sadd.s32 s9, s12;
	s1 =	simm.s32 $0x4000;
	p0 =	sgt.u32 s3, $0x6;
	[tilespmem:s16+$0x0] =	vst.add.f32.msk $0xffff, v2  }
0x117: {  	[hbm4b:s0+s5] =	stream.linear.scatter [tilespmem:s1], [sflag:$0x8], $0x4000, $0x38;
	[tilespmem:$0x18000] =	vst v63  }
0x118: {  	s3 =	simm.s32 $0x0;
	s17 =	simm.s32 $0x0;
	_ =	swait.ge [sflag:s26], $0x4000  }
0x119: {  	s2 =	simm.s32 $0x0;
	[sflag:s26] =	ssyncset.done $0x0;
	s0 =	rddreg [dreg:$0xa]  }
0x11a: {  	s1 =	simm.s32 @!p0 $0x0;
	[sflag:s26] =	ssyncadd.s32 $0xFFFFC000;
	s0 =	sadd.s32 @!p0 s9, s0  }
0x11b: {  	[tilespmem:s1], [sflag:$0x1] =	stream.linear.gather @!p0 [hbm4b:s0+s1], $0x4000, $0x38;
	[tilespmem:$0x18000] =	vst v63  }
0x11c: {  	s19 =	sand.u32 $0x1C00, s3;
	s0 =	sand.u32 $0x2000, s17;
	_ =	swait.ge [sflag:s28], $0x4000  }
0x11d: {  	s2 =	sand.u32 $0x380, s2;
	s0 =	sor.u32 s19, s0;
	[sflag:s28] =	ssyncset.done $0x0  }
0x11e: {  	s0 =	sor.u32 s2, s0;
	[sflag:s28] =	ssyncadd.s32 $0xFFFFC000  }
0x11f: {  	v0 =	vld [tilespmem:s0+$0x14070]  }
0x120: {  	v5 =	vld [tilespmem:s0+$0x14000]  }
0x121: {  	v6 =	vld [tilespmem:s0+$0x14010]  }
0x122: {  	v4 =	vld [tilespmem:s0+$0x14020]  }
0x123: {  	v1 =	vld [tilespmem:s0+$0x14030]  }
0x124: {  	v3 =	vld [tilespmem:s0+$0x14040]  }
0x125: {  	s20 =	sor.u32 $0x8070, s0;
	v2 =	vld [tilespmem:s0+$0x14060]  }
0x126: {  	[tilespmem:s20+$0x0] =	vst.add.f32.msk $0xffff, v0  }
0x127: {  	s9 =	simm.s32 $0x0;
	s23 =	sor.u32 $0x8000, s0;
	v0 =	vld [tilespmem:s0+$0x14050]  }
0x128: {  	s2 =	sor.u32 $0x8010, s0;
	s16 =	sor.u32 $0x8020, s0;
	s17 =	sor.u32 $0x8030, s0;
	[tilespmem:s23+$0x0] =	vst.add.f32.msk $0xffff, v5  }
0x129: {  	s15 =	sor.u32 $0x8040, s0;
	s13 =	sor.u32 $0x8050, s0;
	s14 =	sor.u32 $0x8060, s0;
	[tilespmem:s2+$0x0] =	vst.add.f32.msk $0xffff, v6  }
.LBB2_15:
0x12a: {  	s9 =	sadd.s32 $0x8, s9;
	[tilespmem:s16+$0x0] =	vst.add.f32.msk $0xffff, v4  }
0x12b: {  	s3 =	sadd.s32 $0x400, s3;
	s0 =	sshll.u32 s9, $0x4;
	p1 =	slt.u32 s9, $0x3F8;
	[tilespmem:s17+$0x0] =	vst.add.f32.msk $0xffff, v1  }
0x12c: {  	s1 =	sand.u32 $0x1C00, s3;
	s2 =	sshll.u32 s9, $0x1;
	s0 =	sand.u32 $0x2000, s0;
	[tilespmem:s15+$0x0] =	vst.add.f32.msk $0xffff, v3  }
0x12d: {  	s2 =	sand.u32 $0x380, s2;
	s0 =	sor.u32 s1, s0;
	[tilespmem:s13+$0x0] =	vst.add.f32.msk $0xffff, v0  }
0x12e: {  	s0 =	sor.u32 s2, s0;
	[tilespmem:s14+$0x0] =	vst.add.f32.msk $0xffff, v2  }
0x12f: {  	s1 =	sor.u32 $0x8000, s0;
	s2 =	sor.u32 $0x8010, s0;
	s16 =	sor.u32 $0x8020, s0;
	v0 =	vld [tilespmem:s0+$0x14070]  }
0x130: {  	s17 =	sor.u32 $0x8030, s0;
	s15 =	sor.u32 $0x8040, s0;
	s13 =	sor.u32 $0x8050, s0;
	v5 =	vld [tilespmem:s0+$0x14000]  }
0x131: {  	s14 =	sor.u32 $0x8060, s0;
	v6 =	vld [tilespmem:s0+$0x14010]  }
0x132: {  	v4 =	vld [tilespmem:s0+$0x14020]  }
0x133: {  	s19 =	sor.u32 $0x8070, s0;
	v1 =	vld [tilespmem:s0+$0x14030]  }
0x134: {  	[tilespmem:s19+$0x0] =	vst.add.f32.msk $0xffff, v0  }
.Ltmp6:
0x135: {  	v3 =	vld [tilespmem:s0+$0x14040];
	(pc) =	sbr.rel @p1 .LBB2_15-.Ltmp6, $4  }
0x136: {  	v0 =	vld [tilespmem:s0+$0x14050]  }
0x137: {  	v2 =	vld [tilespmem:s0+$0x14060]  }
0x138: {  	[tilespmem:s1+$0x0] =	vst.add.f32.msk $0xffff, v5  }
0x139: {  	[tilespmem:s2+$0x0] =	vst.add.f32.msk $0xffff, v6  }
0x13a: {  	[tilespmem:s16+$0x0] =	vst.add.f32.msk $0xffff, v4  }
0x13b: {  	[tilespmem:s17+$0x0] =	vst.add.f32.msk $0xffff, v1  }
0x13c: {  	[tilespmem:s15+$0x0] =	vst.add.f32.msk $0xffff, v3  }
0x13d: {  	[tilespmem:s13+$0x0] =	vst.add.f32.msk $0xffff, v0  }
0x13e: {  	s0 =	sadd.s32 s4, s30;
	[tilespmem:s14+$0x0] =	vst.add.f32.msk $0xffff, v2  }
0x13f: {  	[hbm4b:s0+s5] =	stream.linear.scatter [tilespmem:s21], [sflag:$0x9], $0x4000, $0x38;
	[tilespmem:$0x18000] =	vst v63  }
0x140: {  	s1 =	simm.s32 @!p0 $0x0;
	s2 =	simm.s32 @!p0 $0x4000;
	_ =	swait.ge [sflag:s29], $0x4000  }
0x141: {  	s3 =	simm.s32 $0x0;
	[sflag:s29] =	ssyncset.done $0x0;
	s0 =	rddreg [dreg:$0xb]  }
0x142: {  	s17 =	simm.s32 $0x0;
	[sflag:s29] =	ssyncadd.s32 $0xFFFFC000;
	s0 =	sadd.s32 @!p0 s7, s0  }
0x143: {  	[tilespmem:s2], [sflag:$0x2] =	stream.linear.gather @!p0 [hbm4b:s0+s1], $0x4000, $0x38;
	[tilespmem:$0x18000] =	vst v63  }
0x144: {  	s20 =	simm.s32 $0x0;
	p0 =	seq.s32 s18, $0x3;
	s0 =	rddreg [dreg:$0xc]  }
0x145: {  	s0 =	sadd.s32 @!p0 s7, s0;
	s1 =	simm.s32 @!p0 $0x0;
	s2 =	simm.s32 @!p0 $0x10000  }
0x146: {  	[tilespmem:s2], [sflag:$0x5] =	stream.linear.gather @!p0 [hbm4b:s0+s1], $0x4000, $0x38;
	[tilespmem:$0x18000] =	vst v63  }
0x147: {  	s19 =	sand.u32 $0x1C00, s3;
	s0 =	sand.u32 $0x2000, s17;
	_ =	swait.ge [sflag:s31], $0x4000  }
0x148: {  	s2 =	sand.u32 $0x380, s20;
	s0 =	sor.u32 s19, s0;
	[sflag:s31] =	ssyncset.done $0x0  }
0x149: {  	s0 =	sor.u32 s2, s0;
	[sflag:s31] =	ssyncadd.s32 $0xFFFFC000  }
0x14a: {  	v0 =	vld [tilespmem:s0+$0x14070]  }
0x14b: {  	v5 =	vld [tilespmem:s0+$0x14000]  }
0x14c: {  	v6 =	vld [tilespmem:s0+$0x14010]  }
0x14d: {  	v4 =	vld [tilespmem:s0+$0x14020]  }
0x14e: {  	v1 =	vld [tilespmem:s0+$0x14030]  }
0x14f: {  	v3 =	vld [tilespmem:s0+$0x14040]  }
0x150: {  	s23 =	sor.u32 $0xC070, s0;
	v2 =	vld [tilespmem:s0+$0x14060]  }
0x151: {  	[tilespmem:s23+$0x0] =	vst.add.f32.msk $0xffff, v0  }
0x152: {  	s7 =	simm.s32 $0x0;
	s30 =	sor.u32 $0xC000, s0;
	v0 =	vld [tilespmem:s0+$0x14050]  }
0x153: {  	s2 =	sor.u32 $0xC010, s0;
	s15 =	sor.u32 $0xC020, s0;
	s16 =	sor.u32 $0xC030, s0;
	[tilespmem:s30+$0x0] =	vst.add.f32.msk $0xffff, v5  }
0x154: {  	s14 =	sor.u32 $0xC040, s0;
	s9 =	sor.u32 $0xC050, s0;
	s13 =	sor.u32 $0xC060, s0;
	[tilespmem:s2+$0x0] =	vst.add.f32.msk $0xffff, v6  }
.LBB2_17:
0x155: {  	s7 =	sadd.s32 $0x8, s7;
	[tilespmem:s15+$0x0] =	vst.add.f32.msk $0xffff, v4  }
0x156: {  	s3 =	sadd.s32 $0x400, s3;
	s0 =	sshll.u32 s7, $0x4;
	p0 =	slt.u32 s7, $0x3F8;
	[tilespmem:s16+$0x0] =	vst.add.f32.msk $0xffff, v1  }
0x157: {  	s1 =	sand.u32 $0x1C00, s3;
	s2 =	sshll.u32 s7, $0x1;
	s0 =	sand.u32 $0x2000, s0;
	[tilespmem:s14+$0x0] =	vst.add.f32.msk $0xffff, v3  }
0x158: {  	s2 =	sand.u32 $0x380, s2;
	s0 =	sor.u32 s1, s0;
	[tilespmem:s9+$0x0] =	vst.add.f32.msk $0xffff, v0  }
0x159: {  	s0 =	sor.u32 s2, s0;
	[tilespmem:s13+$0x0] =	vst.add.f32.msk $0xffff, v2  }
0x15a: {  	s1 =	sor.u32 $0xC000, s0;
	s2 =	sor.u32 $0xC010, s0;
	s15 =	sor.u32 $0xC020, s0;
	v0 =	vld [tilespmem:s0+$0x14070]  }
0x15b: {  	s16 =	sor.u32 $0xC030, s0;
	s14 =	sor.u32 $0xC040, s0;
	s9 =	sor.u32 $0xC050, s0;
	v5 =	vld [tilespmem:s0+$0x14000]  }
0x15c: {  	s13 =	sor.u32 $0xC060, s0;
	v6 =	vld [tilespmem:s0+$0x14010]  }
0x15d: {  	v4 =	vld [tilespmem:s0+$0x14020]  }
0x15e: {  	s17 =	sor.u32 $0xC070, s0;
	v1 =	vld [tilespmem:s0+$0x14030]  }
0x15f: {  	[tilespmem:s17+$0x0] =	vst.add.f32.msk $0xffff, v0  }
.Ltmp7:
0x160: {  	v3 =	vld [tilespmem:s0+$0x14040];
	(pc) =	sbr.rel @p0 .LBB2_17-.Ltmp7, $4  }
0x161: {  	v0 =	vld [tilespmem:s0+$0x14050]  }
0x162: {  	v2 =	vld [tilespmem:s0+$0x14060]  }
0x163: {  	[tilespmem:s1+$0x0] =	vst.add.f32.msk $0xffff, v5  }
0x164: {  	[tilespmem:s2+$0x0] =	vst.add.f32.msk $0xffff, v6  }
0x165: {  	s18 =	sadd.s32 $0x1, s18  }
0x166: {  	[tilespmem:s15+$0x0] =	vst.add.f32.msk $0xffff, v4;
	p0 =	sne.s32 s18, $0x4  }
.Ltmp8:
0x167: {  	[tilespmem:s16+$0x0] =	vst.add.f32.msk $0xffff, v1;
	(pc) =	sbr.rel @p0 .LBB2_2-.Ltmp8, $4  }
0x168: {  	[tilespmem:s14+$0x0] =	vst.add.f32.msk $0xffff, v3  }
0x169: {  	[tilespmem:s9+$0x0] =	vst.add.f32.msk $0xffff, v0  }
0x16a: {  	s0 =	sadd.s32 s4, s8;
	s1 =	smov.u32 s6;
	[tilespmem:s13+$0x0] =	vst.add.f32.msk $0xffff, v2  }
0x16b: {  	[hbm4b:s0+s5] =	stream.linear.scatter [tilespmem:s24], [sflag:$0xA], $0x4000, $0x38;
	[tilespmem:$0x18000] =	vst v63  }
0x16c: {  	s0 =	simm.s32 $0x9  }
0x16d: {  	_ =	swait.ge [sflag:s0], $0x4000  }
0x16e: {  	[sflag:s0] =	ssyncset.done $0x0  }
0x16f: {  	s2 =	simm.s32 $0xA;
	[sflag:s0] =	ssyncadd.s32 $0xFFFFC000  }
0x170: {  	_ =	swait.ge [sflag:s2], $0x4000  }
0x171: {  	s3 =	rddreg [dreg:$0xe]  }
0x172: {  	s30 =	rddreg [dreg:$0xd];
	s3 =	sadd.s32 $0x1, s3  }
0x173: {  	p0 =	sne.s32 s3, s30  }
.Ltmp9:
0x174: {  	_ = 	snop;
	(pc) =	sbr.rel @p0 .LBB2_1-.Ltmp9, $3  }
0x175: {  	_ =	sdelay $0x1  }
0x176: {  	[sflag:s2] =	ssyncset.done $0x0  }
0x177: {  	[sflag:s2] =	ssyncadd.s32 $0xFFFFC000  }
0x178: {  	_ =	sfence.sel $0x180000  }
0x179: {  	[bflag:$0x0] =	sbarrier.arrive $0xFFFF  }
0x17a: {  	_ =	strace $0x90000047  }
0x17b: {  	s0 =	stileid.u32;
	[bflag:$0x2] =	sbarrier.arrive $0xFFFF  }
0x17c: {  	p0 =	sne.s32 s0, $0x0;
	s0 =	rddreg [dreg:$0x3]  }
0x17d: {  	s0 =	sadd.s32 @!p0 $0x100000, s0  }
0x17e: {  	[sflag:s0] =	ssyncadd.tile.s32 @!p0 $0x1;
	_ =	shalt  }
.Lfunc_end2:
_tile_overlayer_lowered:
.L_overlay_start_2:
0x17f: {  	(tag) =	ssettag $0x2  }
0x180: {  	s0 =	rddreg [dreg:$0x0];
	s2 =	stileid.u32  }
0x181: {  	s1 =	rddreg [dreg:$0x1];
	p0 =	sne.s32 s2, $0x0  }
0x182: {  	s3 =	rddreg [dreg:$0x2];
	[bflag:$0x3] =	sbarrier.arrive $0xFFFF;
	s2 =	simm.s32 @!p0 $0x1C0B  }
0x183: {  	[timem:s3], [sflag:s2] =	dma.local @!p0 [hbm:s0], s1  }
0x184: {  	s0 =	simm.s32 @!p0 $0xB  }
0x185: {  	_ =	swait.ge @!p0 [sflag:s0], s1  }
0x186: {  	s1 =	ssub.s32 @!p0 $0x0, s1;
	[sflag:s0] =	ssyncset.done @!p0 $0x0  }
0x187: {  	[sflag:s0] =	ssyncadd.s32 @!p0 s1  }
0x188: {  	[bflag:$0x3] =	sbarrier.arrive $0xFFFF  }
0x189: {  	_ =	shalt  }

</sc_bundles>
